<compile_context>
chip_gen: v7x
topology: tpu7x:2x2x1
jax: 0.10.2.dev20260603
libtpu: 0.0.44.dev20260713+nightly
codegen_flags: <defaults>
</compile_context>

<pallas_src>
import functools

import jax
import jax.numpy as jnp
from jax import lax
from jax.experimental import pallas as pl
from jax.experimental.pallas import tpu as pltpu
from jax.experimental.pallas import tpu_sc as plsc

VOCAB = 100000
D = 64
B = 4096 * 200
NC = 2
NS = 16
NW = NC * NS
BPW = B // NW
CHUNK = 128
NCHUNK = BPW // CHUNK
NBUF = 10
NGROUP = NCHUNK // NBUF
SEQ = 200
BATCH = 4096

_mesh = plsc.VectorSubcoreMesh(core_axis_name="c", subcore_axis_name="s")


@functools.partial(
    pl.kernel,
    mesh=_mesh,
    out_type=jax.ShapeDtypeStruct((B, D), jnp.float32),
    scratch_types=[
        pltpu.VMEM((BPW,), jnp.int32),
        pltpu.VMEM((NBUF * CHUNK, D), jnp.float32),
        pltpu.VMEM((NBUF, CHUNK), jnp.int32),
        pltpu.SemaphoreType.DMA,
        pltpu.SemaphoreType.DMA,
    ],
    compiler_params=pltpu.CompilerParams(use_tc_tiling_on_sc=False),
)
def _gather_kernel(idx_hbm, table_hbm, out_hbm, idx_v, rows_v, ridx_v, sem_g, sem_s):
    wid = lax.axis_index("s") * NC + lax.axis_index("c")
    base = wid * BPW
    pltpu.sync_copy(idx_hbm.at[pl.ds(base, BPW)], idx_v)
    c0 = wid * NCHUNK
    iota16 = lax.iota(jnp.int32, 16)

    def group(g, carry):
        cbase = g * (NBUF * CHUNK)

        @pl.when(g > 0)
        def _drain_prev_stores():
            for b in range(NBUF):
                pltpu.make_async_copy(
                    rows_v.at[pl.ds(b * CHUNK, CHUNK)],
                    out_hbm.at[pl.ds(base, CHUNK)],
                    sem_s,
                ).wait()

        copies = []
        for b in range(NBUF):
            idx_slice = idx_v.at[pl.ds(cbase + b * CHUNK, CHUNK)]
            copies.append(
                pltpu.async_copy(
                    table_hbm.at[idx_slice],
                    rows_v.at[pl.ds(b * CHUNK, CHUNK)],
                    sem_g,
                )
            )
        for c in copies:
            c.wait()
        for b in range(NBUF):
            c = c0 + g * NBUF + b
            st = c // 256
            bt = lax.rem(c // 8, 32)
            sr = lax.rem(c, 8)
            s = st * 8 + sr
            bl0 = bt * CHUNK
            sel = bt // 16
            r0 = s * BATCH + 2 * bl0 - sel * (BATCH - 1)
            for i8 in range(CHUNK // 16):
                ridx_v[b, pl.ds(16 * i8, 16)] = (
                    r0 + 2 * (iota16 + 16 * i8)
                )
            pltpu.async_copy(
                rows_v.at[pl.ds(b * CHUNK, CHUNK)],
                out_hbm.at[ridx_v.at[b]],
                sem_s,
            )
        return carry

    lax.fori_loop(0, NGROUP, group, 0)

    for b in range(NBUF):
        pltpu.make_async_copy(
            rows_v.at[pl.ds(b * CHUNK, CHUNK)],
            out_hbm.at[pl.ds(base, CHUNK)],
            sem_s,
        ).wait()


def _retile_body(tin_ref, out_ref):
    eye = jnp.eye(D, dtype=jnp.float32)
    dn = (((1,), (1,)), ((), ()))
    for i in range(tin_ref.shape[0]):
        t = tin_ref[i]
        lo = lax.dot_general(eye, t[:, :D], dn,
                             preferred_element_type=jnp.float32)
        hi = lax.dot_general(eye, t[:, D:], dn,
                             preferred_element_type=jnp.float32)
        out_ref[i] = jnp.concatenate([lo, hi], axis=1)


def _retile(sc_out):
    sb = 2
    tin = sc_out.reshape(SEQ, BATCH * D // 128, 128)
    return pl.pallas_call(
        _retile_body,
        grid=(SEQ // sb,),
        in_specs=[
            pl.BlockSpec((sb, BATCH * D // 128, 128), lambda s: (s, 0, 0)),
        ],
        out_specs=pl.BlockSpec((sb, D, BATCH), lambda s: (s, 0, 0)),
        out_shape=jax.ShapeDtypeStruct((SEQ, D, BATCH), jnp.float32),
    )(tin)


def kernel(x, table):
    flat = jnp.transpose(
        x.T.reshape(SEQ // 8, 8, BATCH // CHUNK, CHUNK), (0, 2, 1, 3)
    ).reshape(-1)
    sc_out = _gather_kernel(flat, table)
    out3 = _retile(sc_out)
    return out3.transpose(2, 0, 1)

# --- scband reference (transcript-rebuilt; emitter-appended) ---
"""Pipeline reference for scband-simple-embedding-encoder-51831665328803 (READ-ONLY COPY).

The authoritative reference and input builder live on the scoring server;
editing this copy changes nothing except your own understanding.
"""

import jax, jax.numpy as jnp
import numpy as np

VOCAB_SIZE = 100000
EMBED_DIM = 64
BATCH = 4096
SEQ = 200

def setup_inputs(seed: int = 0) -> dict:
    key = jax.random.key(seed)
    k_idx, k_tab = jax.random.split(key)
    x = jax.random.randint(k_idx, (BATCH, SEQ), 0, VOCAB_SIZE, dtype=jnp.int64 if jax.config.jax_enable_x64 else jnp.int32)
    table = jax.random.normal(k_tab, (VOCAB_SIZE, EMBED_DIM), dtype=jnp.float32)
    return {"x": x, "table": table}

def reference(x, table):
    # nn.Embedding forward: row gather from the embedding table
    return jnp.take(table, x, axis=0)

if __name__ == "__main__":
    import jax
    _d = setup_inputs()
    print(jax.jit(kernel)(*tuple(_d.values())))

</pallas_src>

<mosaic_0001>
#map = affine_map<(d0, d1) -> (0)>
#map1 = affine_map<(d0, d1) -> (0, 0)>
module attributes {stable_mosaic.version = 14 : i64} {
  func.func @_gather_kernel(%arg0: i32, %arg1: i32, %arg2: memref<819200xi32, #tpu.memory_space<hbm>>, %arg3: memref<100000x64xf32, #tpu.memory_space<hbm>>, %arg4: memref<819200x64xf32, #tpu.memory_space<hbm>>, %arg5: memref<25600xi32, #tpu.memory_space<vmem>>, %arg6: memref<1280x64xf32, #tpu.memory_space<vmem>>, %arg7: memref<10x128xi32, #tpu.memory_space<vmem>>, %arg8: memref<!tpu.dma_semaphore, #tpu.memory_space<semaphore_mem>>, %arg9: memref<!tpu.dma_semaphore, #tpu.memory_space<semaphore_mem>>) attributes {dimension_semantics = [#tpu.dimension_semantics<core_parallel>, #tpu.dimension_semantics<subcore_parallel>], iteration_bounds = array<i64: 2, 16>, scalar_prefetch = 0 : i64, scratch_operands = 5 : i64, tpu.core_type = #tpu.core_type<sc_vector_subcore>, window_params = [{transform_indices = #map}, {transform_indices = #map1}, {transform_indices = #map1}]} {
    %mul3A = arith.constant 2 : i32
    %mul3A_0 = arith.muli %arg1, %mul3A : i32
    %add3A = arith.addi %mul3A_0, %arg0 : i32
    %mul3A_1 = arith.constant 25600 : i32
    %mul3A_2 = arith.muli %add3A, %mul3A_1 : i32
    "tpu.region"() ({
      %run_scoped3A = tpu.sem_alloc : memref<!tpu.dma_semaphore, #tpu.memory_space<semaphore_mem>>
      %dma_start3A = tpu.memref_slice %arg2[%mul3A_2] : memref<819200xi32, #tpu.memory_space<hbm>> -> memref<25600xi32, #tpu.memory_space<hbm>>
      %dma_start3A_109 = tpu.memref_slice %arg2[%mul3A_2] : memref<819200xi32, #tpu.memory_space<hbm>> -> memref<25600xi32, #tpu.memory_space<hbm>>
      tpu.enqueue_dma source(%dma_start3A_109 : memref<25600xi32, #tpu.memory_space<hbm>>) target(%arg5 : memref<25600xi32, #tpu.memory_space<vmem>>) target_semaphore(%run_scoped3A : memref<!tpu.dma_semaphore, #tpu.memory_space<semaphore_mem>>)
      %dma_wait3A_110 = tpu.memref_slice %arg2[%mul3A_2] : memref<819200xi32, #tpu.memory_space<hbm>> -> memref<25600xi32, #tpu.memory_space<hbm>>
      %dma_wait3A_111 = tpu.memref_slice %arg2[%mul3A_2] : memref<819200xi32, #tpu.memory_space<hbm>> -> memref<25600xi32, #tpu.memory_space<hbm>>
      tpu.wait_dma2 semaphore(%run_scoped3A : memref<!tpu.dma_semaphore, #tpu.memory_space<semaphore_mem>>) src(%dma_wait3A_111 : memref<25600xi32, #tpu.memory_space<hbm>>) dst(%arg5 : memref<25600xi32, #tpu.memory_space<vmem>>)
      tpu.yield
    }) : () -> ()
    %mul3A_3 = arith.constant 200 : i32
    %mul3A_4 = arith.muli %add3A, %mul3A_3 : i32
    %iota3A = tpu.iota {dimensions = array<i32: 0>} : vector<16xi32>
    %scan3A = arith.constant 0 : i32
    %scan3A_5 = arith.constant 0 : i32
    %scan3A_6 = arith.constant 20 : i32
    %scan3A_7 = arith.addi %scan3A_5, %scan3A_6 : i32
    %scan3A_8 = arith.constant 1 : i32
    scf.for %scan3A_109 = %scan3A_5 to %scan3A_7 step %scan3A_8  : i32 {
      %mul3A_110 = arith.constant 1280 : i32
      %mul3A_111 = arith.muli %scan3A_109, %mul3A_110 : i32
      %gt3A = arith.constant 0 : i32
      %gt3A_112 = arith.cmpi sgt, %scan3A_109, %gt3A : i32
      %convert_element_type3A = arith.extui %gt3A_112 : i1 to i32
      %cond3A = arith.constant 0 : i32
      %cond3A_113 = arith.cmpi ne, %convert_element_type3A, %cond3A : i32
      scf.if %cond3A_113 {
        %dma_wait3A_2424 = arith.constant 0 : i32
        %dma_wait3A_2425 = arith.constant 0 : i32
        %dma_wait3A_2426 = tpu.memref_slice %arg6[%dma_wait3A_2424, %dma_wait3A_2425] : memref<1280x64xf32, #tpu.memory_space<vmem>> -> memref<128x64xf32, #tpu.memory_space<vmem>>
        %dma_wait3A_2427 = arith.constant 0 : i32
        %dma_wait3A_2428 = tpu.memref_slice %arg4[%mul3A_2, %dma_wait3A_2427] : memref<819200x64xf32, #tpu.memory_space<hbm>> -> memref<128x64xf32, #tpu.memory_space<hbm>>
        %dma_wait3A_2429 = arith.constant 0 : i32
        %dma_wait3A_2430 = tpu.memref_slice %arg4[%mul3A_2, %dma_wait3A_2429] : memref<819200x64xf32, #tpu.memory_space<hbm>> -> memref<128x64xf32, #tpu.memory_space<hbm>>
        %dma_wait3A_2431 = arith.constant 0 : i32
        %dma_wait3A_2432 = arith.constant 0 : i32
        %dma_wait3A_2433 = tpu.memref_slice %arg6[%dma_wait3A_2431, %dma_wait3A_2432] : memref<1280x64xf32, #tpu.memory_space<vmem>> -> memref<128x64xf32, #tpu.memory_space<vmem>>
        tpu.wait_dma2 semaphore(%arg9 : memref<!tpu.dma_semaphore, #tpu.memory_space<semaphore_mem>>) src(%dma_wait3A_2433 : memref<128x64xf32, #tpu.memory_space<vmem>>) dst(%dma_wait3A_2430 : memref<128x64xf32, #tpu.memory_space<hbm>>)
        %dma_wait3A_2434 = arith.constant 128 : i32
        %dma_wait3A_2435 = arith.constant 0 : i32
        %dma_wait3A_2436 = tpu.memref_slice %arg6[%dma_wait3A_2434, %dma_wait3A_2435] : memref<1280x64xf32, #tpu.memory_space<vmem>> -> memref<128x64xf32, #tpu.memory_space<vmem>>
        %dma_wait3A_2437 = arith.constant 0 : i32
        %dma_wait3A_2438 = tpu.memref_slice %arg4[%mul3A_2, %dma_wait3A_2437] : memref<819200x64xf32, #tpu.memory_space<hbm>> -> memref<128x64xf32, #tpu.memory_space<hbm>>
        %dma_wait3A_2439 = arith.constant 0 : i32
        %dma_wait3A_2440 = tpu.memref_slice %arg4[%mul3A_2, %dma_wait3A_2439] : memref<819200x64xf32, #tpu.memory_space<hbm>> -> memref<128x64xf32, #tpu.memory_space<hbm>>
        %dma_wait3A_2441 = arith.constant 128 : i32
        %dma_wait3A_2442 = arith.constant 0 : i32
        %dma_wait3A_2443 = tpu.memref_slice %arg6[%dma_wait3A_2441, %dma_wait3A_2442] : memref<1280x64xf32, #tpu.memory_space<vmem>> -> memref<128x64xf32, #tpu.memory_space<vmem>>
        tpu.wait_dma2 semaphore(%arg9 : memref<!tpu.dma_semaphore, #tpu.memory_space<semaphore_mem>>) src(%dma_wait3A_2443 : memref<128x64xf32, #tpu.memory_space<vmem>>) dst(%dma_wait3A_2440 : memref<128x64xf32, #tpu.memory_space<hbm>>)
        %dma_wait3A_2444 = arith.constant 256 : i32
        %dma_wait3A_2445 = arith.constant 0 : i32
        %dma_wait3A_2446 = tpu.memref_slice %arg6[%dma_wait3A_2444, %dma_wait3A_2445] : memref<1280x64xf32, #tpu.memory_space<vmem>> -> memref<128x64xf32, #tpu.memory_space<vmem>>
        %dma_wait3A_2447 = arith.constant 0 : i32
        %dma_wait3A_2448 = tpu.memref_slice %arg4[%mul3A_2, %dma_wait3A_2447] : memref<819200x64xf32, #tpu.memory_space<hbm>> -> memref<128x64xf32, #tpu.memory_space<hbm>>
        %dma_wait3A_2449 = arith.constant 0 : i32
        %dma_wait3A_2450 = tpu.memref_slice %arg4[%mul3A_2, %dma_wait3A_2449] : memref<819200x64xf32, #tpu.memory_space<hbm>> -> memref<128x64xf32, #tpu.memory_space<hbm>>
        %dma_wait3A_2451 = arith.constant 256 : i32
        %dma_wait3A_2452 = arith.constant 0 : i32
        %dma_wait3A_2453 = tpu.memref_slice %arg6[%dma_wait3A_2451, %dma_wait3A_2452] : memref<1280x64xf32, #tpu.memory_space<vmem>> -> memref<128x64xf32, #tpu.memory_space<vmem>>
        tpu.wait_dma2 semaphore(%arg9 : memref<!tpu.dma_semaphore, #tpu.memory_space<semaphore_mem>>) src(%dma_wait3A_2453 : memref<128x64xf32, #tpu.memory_space<vmem>>) dst(%dma_wait3A_2450 : memref<128x64xf32, #tpu.memory_space<hbm>>)
        %dma_wait3A_2454 = arith.constant 384 : i32
        %dma_wait3A_2455 = arith.constant 0 : i32
        %dma_wait3A_2456 = tpu.memref_slice %arg6[%dma_wait3A_2454, %dma_wait3A_2455] : memref<1280x64xf32, #tpu.memory_space<vmem>> -> memref<128x64xf32, #tpu.memory_space<vmem>>
        %dma_wait3A_2457 = arith.constant 0 : i32
        %dma_wait3A_2458 = tpu.memref_slice %arg4[%mul3A_2, %dma_wait3A_2457] : memref<819200x64xf32, #tpu.memory_space<hbm>> -> memref<128x64xf32, #tpu.memory_space<hbm>>
        %dma_wait3A_2459 = arith.constant 0 : i32
        %dma_wait3A_2460 = tpu.memref_slice %arg4[%mul3A_2, %dma_wait3A_2459] : memref<819200x64xf32, #tpu.memory_space<hbm>> -> memref<128x64xf32, #tpu.memory_space<hbm>>
        %dma_wait3A_2461 = arith.constant 384 : i32
        %dma_wait3A_2462 = arith.constant 0 : i32
        %dma_wait3A_2463 = tpu.memref_slice %arg6[%dma_wait3A_2461, %dma_wait3A_2462] : memref<1280x64xf32, #tpu.memory_space<vmem>> -> memref<128x64xf32, #tpu.memory_space<vmem>>
        tpu.wait_dma2 semaphore(%arg9 : memref<!tpu.dma_semaphore, #tpu.memory_space<semaphore_mem>>) src(%dma_wait3A_2463 : memref<128x64xf32, #tpu.memory_space<vmem>>) dst(%dma_wait3A_2460 : memref<128x64xf32, #tpu.memory_space<hbm>>)
        %dma_wait3A_2464 = arith.constant 512 : i32
        %dma_wait3A_2465 = arith.constant 0 : i32
        %dma_wait3A_2466 = tpu.memref_slice %arg6[%dma_wait3A_2464, %dma_wait3A_2465] : memref<1280x64xf32, #tpu.memory_space<vmem>> -> memref<128x64xf32, #tpu.memory_space<vmem>>
        %dma_wait3A_2467 = arith.constant 0 : i32
        %dma_wait3A_2468 = tpu.memref_slice %arg4[%mul3A_2, %dma_wait3A_2467] : memref<819200x64xf32, #tpu.memory_space<hbm>> -> memref<128x64xf32, #tpu.memory_space<hbm>>
        %dma_wait3A_2469 = arith.constant 0 : i32
        %dma_wait3A_2470 = tpu.memref_slice %arg4[%mul3A_2, %dma_wait3A_2469] : memref<819200x64xf32, #tpu.memory_space<hbm>> -> memref<128x64xf32, #tpu.memory_space<hbm>>
        %dma_wait3A_2471 = arith.constant 512 : i32
        %dma_wait3A_2472 = arith.constant 0 : i32
        %dma_wait3A_2473 = tpu.memref_slice %arg6[%dma_wait3A_2471, %dma_wait3A_2472] : memref<1280x64xf32, #tpu.memory_space<vmem>> -> memref<128x64xf32, #tpu.memory_space<vmem>>
        tpu.wait_dma2 semaphore(%arg9 : memref<!tpu.dma_semaphore, #tpu.memory_space<semaphore_mem>>) src(%dma_wait3A_2473 : memref<128x64xf32, #tpu.memory_space<vmem>>) dst(%dma_wait3A_2470 : memref<128x64xf32, #tpu.memory_space<hbm>>)
        %dma_wait3A_2474 = arith.constant 640 : i32
        %dma_wait3A_2475 = arith.constant 0 : i32
        %dma_wait3A_2476 = tpu.memref_slice %arg6[%dma_wait3A_2474, %dma_wait3A_2475] : memref<1280x64xf32, #tpu.memory_space<vmem>> -> memref<128x64xf32, #tpu.memory_space<vmem>>
        %dma_wait3A_2477 = arith.constant 0 : i32
        %dma_wait3A_2478 = tpu.memref_slice %arg4[%mul3A_2, %dma_wait3A_2477] : memref<819200x64xf32, #tpu.memory_space<hbm>> -> memref<128x64xf32, #tpu.memory_space<hbm>>
        %dma_wait3A_2479 = arith.constant 0 : i32
        %dma_wait3A_2480 = tpu.memref_slice %arg4[%mul3A_2, %dma_wait3A_2479] : memref<819200x64xf32, #tpu.memory_space<hbm>> -> memref<128x64xf32, #tpu.memory_space<hbm>>
        %dma_wait3A_2481 = arith.constant 640 : i32
        %dma_wait3A_2482 = arith.constant 0 : i32
        %dma_wait3A_2483 = tpu.memref_slice %arg6[%dma_wait3A_2481, %dma_wait3A_2482] : memref<1280x64xf32, #tpu.memory_space<vmem>> -> memref<128x64xf32, #tpu.memory_space<vmem>>
        tpu.wait_dma2 semaphore(%arg9 : memref<!tpu.dma_semaphore, #tpu.memory_space<semaphore_mem>>) src(%dma_wait3A_2483 : memref<128x64xf32, #tpu.memory_space<vmem>>) dst(%dma_wait3A_2480 : memref<128x64xf32, #tpu.memory_space<hbm>>)
        %dma_wait3A_2484 = arith.constant 768 : i32
        %dma_wait3A_2485 = arith.constant 0 : i32
        %dma_wait3A_2486 = tpu.memref_slice %arg6[%dma_wait3A_2484, %dma_wait3A_2485] : memref<1280x64xf32, #tpu.memory_space<vmem>> -> memref<128x64xf32, #tpu.memory_space<vmem>>
        %dma_wait3A_2487 = arith.constant 0 : i32
        %dma_wait3A_2488 = tpu.memref_slice %arg4[%mul3A_2, %dma_wait3A_2487] : memref<819200x64xf32, #tpu.memory_space<hbm>> -> memref<128x64xf32, #tpu.memory_space<hbm>>
        %dma_wait3A_2489 = arith.constant 0 : i32
        %dma_wait3A_2490 = tpu.memref_slice %arg4[%mul3A_2, %dma_wait3A_2489] : memref<819200x64xf32, #tpu.memory_space<hbm>> -> memref<128x64xf32, #tpu.memory_space<hbm>>
        %dma_wait3A_2491 = arith.constant 768 : i32
        %dma_wait3A_2492 = arith.constant 0 : i32
        %dma_wait3A_2493 = tpu.memref_slice %arg6[%dma_wait3A_2491, %dma_wait3A_2492] : memref<1280x64xf32, #tpu.memory_space<vmem>> -> memref<128x64xf32, #tpu.memory_space<vmem>>
        tpu.wait_dma2 semaphore(%arg9 : memref<!tpu.dma_semaphore, #tpu.memory_space<semaphore_mem>>) src(%dma_wait3A_2493 : memref<128x64xf32, #tpu.memory_space<vmem>>) dst(%dma_wait3A_2490 : memref<128x64xf32, #tpu.memory_space<hbm>>)
        %dma_wait3A_2494 = arith.constant 896 : i32
        %dma_wait3A_2495 = arith.constant 0 : i32
        %dma_wait3A_2496 = tpu.memref_slice %arg6[%dma_wait3A_2494, %dma_wait3A_2495] : memref<1280x64xf32, #tpu.memory_space<vmem>> -> memref<128x64xf32, #tpu.memory_space<vmem>>
        %dma_wait3A_2497 = arith.constant 0 : i32
        %dma_wait3A_2498 = tpu.memref_slice %arg4[%mul3A_2, %dma_wait3A_2497] : memref<819200x64xf32, #tpu.memory_space<hbm>> -> memref<128x64xf32, #tpu.memory_space<hbm>>
        %dma_wait3A_2499 = arith.constant 0 : i32
        %dma_wait3A_2500 = tpu.memref_slice %arg4[%mul3A_2, %dma_wait3A_2499] : memref<819200x64xf32, #tpu.memory_space<hbm>> -> memref<128x64xf32, #tpu.memory_space<hbm>>
        %dma_wait3A_2501 = arith.constant 896 : i32
        %dma_wait3A_2502 = arith.constant 0 : i32
        %dma_wait3A_2503 = tpu.memref_slice %arg6[%dma_wait3A_2501, %dma_wait3A_2502] : memref<1280x64xf32, #tpu.memory_space<vmem>> -> memref<128x64xf32, #tpu.memory_space<vmem>>
        tpu.wait_dma2 semaphore(%arg9 : memref<!tpu.dma_semaphore, #tpu.memory_space<semaphore_mem>>) src(%dma_wait3A_2503 : memref<128x64xf32, #tpu.memory_space<vmem>>) dst(%dma_wait3A_2500 : memref<128x64xf32, #tpu.memory_space<hbm>>)
        %dma_wait3A_2504 = arith.constant 1024 : i32
        %dma_wait3A_2505 = arith.constant 0 : i32
        %dma_wait3A_2506 = tpu.memref_slice %arg6[%dma_wait3A_2504, %dma_wait3A_2505] : memref<1280x64xf32, #tpu.memory_space<vmem>> -> memref<128x64xf32, #tpu.memory_space<vmem>>
        %dma_wait3A_2507 = arith.constant 0 : i32
        %dma_wait3A_2508 = tpu.memref_slice %arg4[%mul3A_2, %dma_wait3A_2507] : memref<819200x64xf32, #tpu.memory_space<hbm>> -> memref<128x64xf32, #tpu.memory_space<hbm>>
        %dma_wait3A_2509 = arith.constant 0 : i32
        %dma_wait3A_2510 = tpu.memref_slice %arg4[%mul3A_2, %dma_wait3A_2509] : memref<819200x64xf32, #tpu.memory_space<hbm>> -> memref<128x64xf32, #tpu.memory_space<hbm>>
        %dma_wait3A_2511 = arith.constant 1024 : i32
        %dma_wait3A_2512 = arith.constant 0 : i32
        %dma_wait3A_2513 = tpu.memref_slice %arg6[%dma_wait3A_2511, %dma_wait3A_2512] : memref<1280x64xf32, #tpu.memory_space<vmem>> -> memref<128x64xf32, #tpu.memory_space<vmem>>
        tpu.wait_dma2 semaphore(%arg9 : memref<!tpu.dma_semaphore, #tpu.memory_space<semaphore_mem>>) src(%dma_wait3A_2513 : memref<128x64xf32, #tpu.memory_space<vmem>>) dst(%dma_wait3A_2510 : memref<128x64xf32, #tpu.memory_space<hbm>>)
        %dma_wait3A_2514 = arith.constant 1152 : i32
        %dma_wait3A_2515 = arith.constant 0 : i32
        %dma_wait3A_2516 = tpu.memref_slice %arg6[%dma_wait3A_2514, %dma_wait3A_2515] : memref<1280x64xf32, #tpu.memory_space<vmem>> -> memref<128x64xf32, #tpu.memory_space<vmem>>
        %dma_wait3A_2517 = arith.constant 0 : i32
        %dma_wait3A_2518 = tpu.memref_slice %arg4[%mul3A_2, %dma_wait3A_2517] : memref<819200x64xf32, #tpu.memory_space<hbm>> -> memref<128x64xf32, #tpu.memory_space<hbm>>
        %dma_wait3A_2519 = arith.constant 0 : i32
        %dma_wait3A_2520 = tpu.memref_slice %arg4[%mul3A_2, %dma_wait3A_2519] : memref<819200x64xf32, #tpu.memory_space<hbm>> -> memref<128x64xf32, #tpu.memory_space<hbm>>
        %dma_wait3A_2521 = arith.constant 1152 : i32
        %dma_wait3A_2522 = arith.constant 0 : i32
        %dma_wait3A_2523 = tpu.memref_slice %arg6[%dma_wait3A_2521, %dma_wait3A_2522] : memref<1280x64xf32, #tpu.memory_space<vmem>> -> memref<128x64xf32, #tpu.memory_space<vmem>>
        tpu.wait_dma2 semaphore(%arg9 : memref<!tpu.dma_semaphore, #tpu.memory_space<semaphore_mem>>) src(%dma_wait3A_2523 : memref<128x64xf32, #tpu.memory_space<vmem>>) dst(%dma_wait3A_2520 : memref<128x64xf32, #tpu.memory_space<hbm>>)
      } else {
      }
      %add3A_114 = arith.constant 0 : i32
      %add3A_115 = arith.addi %mul3A_111, %add3A_114 : i32
      %dma_start3A = arith.constant 0 : i32
      %dma_start3A_116 = arith.constant 0 : i32
      %dma_start3A_117 = tpu.memref_slice %arg6[%dma_start3A, %dma_start3A_116] : memref<1280x64xf32, #tpu.memory_space<vmem>> -> memref<128x64xf32, #tpu.memory_space<vmem>>
      %dma_start3A_118 = tpu.memref_slice %arg5[%add3A_115] : memref<25600xi32, #tpu.memory_space<vmem>> -> memref<128xi32, #tpu.memory_space<vmem>>
      %dma_start3A_119 = arith.constant 0 : i32
      %dma_start3A_120 = arith.constant 0 : i32
      %dma_start3A_121 = tpu.memref_slice %arg3[%dma_start3A_119, %dma_start3A_120] : memref<100000x64xf32, #tpu.memory_space<hbm>> -> memref<100000x64xf32, #tpu.memory_space<hbm>>
      tpu.enqueue_indirect_dma source(%dma_start3A_121 : memref<100000x64xf32, #tpu.memory_space<hbm>>) target(%dma_start3A_117 : memref<128x64xf32, #tpu.memory_space<vmem>>) offsets(%dma_start3A_118 : memref<128xi32, #tpu.memory_space<vmem>>) semaphore(%arg8 : memref<!tpu.dma_semaphore, #tpu.memory_space<semaphore_mem>>)
      %add3A_122 = arith.constant 128 : i32
      %add3A_123 = arith.addi %mul3A_111, %add3A_122 : i32
      %dma_start3A_124 = arith.constant 128 : i32
      %dma_start3A_125 = arith.constant 0 : i32
      %dma_start3A_126 = tpu.memref_slice %arg6[%dma_start3A_124, %dma_start3A_125] : memref<1280x64xf32, #tpu.memory_space<vmem>> -> memref<128x64xf32, #tpu.memory_space<vmem>>
      %dma_start3A_127 = tpu.memref_slice %arg5[%add3A_123] : memref<25600xi32, #tpu.memory_space<vmem>> -> memref<128xi32, #tpu.memory_space<vmem>>
      %dma_start3A_128 = arith.constant 0 : i32
      %dma_start3A_129 = arith.constant 0 : i32
      %dma_start3A_130 = tpu.memref_slice %arg3[%dma_start3A_128, %dma_start3A_129] : memref<100000x64xf32, #tpu.memory_space<hbm>> -> memref<100000x64xf32, #tpu.memory_space<hbm>>
      tpu.enqueue_indirect_dma source(%dma_start3A_130 : memref<100000x64xf32, #tpu.memory_space<hbm>>) target(%dma_start3A_126 : memref<128x64xf32, #tpu.memory_space<vmem>>) offsets(%dma_start3A_127 : memref<128xi32, #tpu.memory_space<vmem>>) semaphore(%arg8 : memref<!tpu.dma_semaphore, #tpu.memory_space<semaphore_mem>>)
      %add3A_131 = arith.constant 256 : i32
      %add3A_132 = arith.addi %mul3A_111, %add3A_131 : i32
      %dma_start3A_133 = arith.constant 256 : i32
      %dma_start3A_134 = arith.constant 0 : i32
      %dma_start3A_135 = tpu.memref_slice %arg6[%dma_start3A_133, %dma_start3A_134] : memref<1280x64xf32, #tpu.memory_space<vmem>> -> memref<128x64xf32, #tpu.memory_space<vmem>>
      %dma_start3A_136 = tpu.memref_slice %arg5[%add3A_132] : memref<25600xi32, #tpu.memory_space<vmem>> -> memref<128xi32, #tpu.memory_space<vmem>>
      %dma_start3A_137 = arith.constant 0 : i32
      %dma_start3A_138 = arith.constant 0 : i32
      %dma_start3A_139 = tpu.memref_slice %arg3[%dma_start3A_137, %dma_start3A_138] : memref<100000x64xf32, #tpu.memory_space<hbm>> -> memref<100000x64xf32, #tpu.memory_space<hbm>>
      tpu.enqueue_indirect_dma source(%dma_start3A_139 : memref<100000x64xf32, #tpu.memory_space<hbm>>) target(%dma_start3A_135 : memref<128x64xf32, #tpu.memory_space<vmem>>) offsets(%dma_start3A_136 : memref<128xi32, #tpu.memory_space<vmem>>) semaphore(%arg8 : memref<!tpu.dma_semaphore, #tpu.memory_space<semaphore_mem>>)
      %add3A_140 = arith.constant 384 : i32
      %add3A_141 = arith.addi %mul3A_111, %add3A_140 : i32
      %dma_start3A_142 = arith.constant 384 : i32
      %dma_start3A_143 = arith.constant 0 : i32
      %dma_start3A_144 = tpu.memref_slice %arg6[%dma_start3A_142, %dma_start3A_143] : memref<1280x64xf32, #tpu.memory_space<vmem>> -> memref<128x64xf32, #tpu.memory_space<vmem>>
      %dma_start3A_145 = tpu.memref_slice %arg5[%add3A_141] : memref<25600xi32, #tpu.memory_space<vmem>> -> memref<128xi32, #tpu.memory_space<vmem>>
      %dma_start3A_146 = arith.constant 0 : i32
      %dma_start3A_147 = arith.constant 0 : i32
      %dma_start3A_148 = tpu.memref_slice %arg3[%dma_start3A_146, %dma_start3A_147] : memref<100000x64xf32, #tpu.memory_space<hbm>> -> memref<100000x64xf32, #tpu.memory_space<hbm>>
      tpu.enqueue_indirect_dma source(%dma_start3A_148 : memref<100000x64xf32, #tpu.memory_space<hbm>>) target(%dma_start3A_144 : memref<128x64xf32, #tpu.memory_space<vmem>>) offsets(%dma_start3A_145 : memref<128xi32, #tpu.memory_space<vmem>>) semaphore(%arg8 : memref<!tpu.dma_semaphore, #tpu.memory_space<semaphore_mem>>)
      %add3A_149 = arith.constant 512 : i32
      %add3A_150 = arith.addi %mul3A_111, %add3A_149 : i32
      %dma_start3A_151 = arith.constant 512 : i32
      %dma_start3A_152 = arith.constant 0 : i32
      %dma_start3A_153 = tpu.memref_slice %arg6[%dma_start3A_151, %dma_start3A_152] : memref<1280x64xf32, #tpu.memory_space<vmem>> -> memref<128x64xf32, #tpu.memory_space<vmem>>
      %dma_start3A_154 = tpu.memref_slice %arg5[%add3A_150] : memref<25600xi32, #tpu.memory_space<vmem>> -> memref<128xi32, #tpu.memory_space<vmem>>
      %dma_start3A_155 = arith.constant 0 : i32
      %dma_start3A_156 = arith.constant 0 : i32
      %dma_start3A_157 = tpu.memref_slice %arg3[%dma_start3A_155, %dma_start3A_156] : memref<100000x64xf32, #tpu.memory_space<hbm>> -> memref<100000x64xf32, #tpu.memory_space<hbm>>
      tpu.enqueue_indirect_dma source(%dma_start3A_157 : memref<100000x64xf32, #tpu.memory_space<hbm>>) target(%dma_start3A_153 : memref<128x64xf32, #tpu.memory_space<vmem>>) offsets(%dma_start3A_154 : memref<128xi32, #tpu.memory_space<vmem>>) semaphore(%arg8 : memref<!tpu.dma_semaphore, #tpu.memory_space<semaphore_mem>>)
      %add3A_158 = arith.constant 640 : i32
      %add3A_159 = arith.addi %mul3A_111, %add3A_158 : i32
      %dma_start3A_160 = arith.constant 640 : i32
      %dma_start3A_161 = arith.constant 0 : i32
      %dma_start3A_162 = tpu.memref_slice %arg6[%dma_start3A_160, %dma_start3A_161] : memref<1280x64xf32, #tpu.memory_space<vmem>> -> memref<128x64xf32, #tpu.memory_space<vmem>>
      %dma_start3A_163 = tpu.memref_slice %arg5[%add3A_159] : memref<25600xi32, #tpu.memory_space<vmem>> -> memref<128xi32, #tpu.memory_space<vmem>>
      %dma_start3A_164 = arith.constant 0 : i32
      %dma_start3A_165 = arith.constant 0 : i32
      %dma_start3A_166 = tpu.memref_slice %arg3[%dma_start3A_164, %dma_start3A_165] : memref<100000x64xf32, #tpu.memory_space<hbm>> -> memref<100000x64xf32, #tpu.memory_space<hbm>>
      tpu.enqueue_indirect_dma source(%dma_start3A_166 : memref<100000x64xf32, #tpu.memory_space<hbm>>) target(%dma_start3A_162 : memref<128x64xf32, #tpu.memory_space<vmem>>) offsets(%dma_start3A_163 : memref<128xi32, #tpu.memory_space<vmem>>) semaphore(%arg8 : memref<!tpu.dma_semaphore, #tpu.memory_space<semaphore_mem>>)
      %add3A_167 = arith.constant 768 : i32
      %add3A_168 = arith.addi %mul3A_111, %add3A_167 : i32
      %dma_start3A_169 = arith.constant 768 : i32
      %dma_start3A_170 = arith.constant 0 : i32
      %dma_start3A_171 = tpu.memref_slice %arg6[%dma_start3A_169, %dma_start3A_170] : memref<1280x64xf32, #tpu.memory_space<vmem>> -> memref<128x64xf32, #tpu.memory_space<vmem>>
      %dma_start3A_172 = tpu.memref_slice %arg5[%add3A_168] : memref<25600xi32, #tpu.memory_space<vmem>> -> memref<128xi32, #tpu.memory_space<vmem>>
      %dma_start3A_173 = arith.constant 0 : i32
      %dma_start3A_174 = arith.constant 0 : i32
      %dma_start3A_175 = tpu.memref_slice %arg3[%dma_start3A_173, %dma_start3A_174] : memref<100000x64xf32, #tpu.memory_space<hbm>> -> memref<100000x64xf32, #tpu.memory_space<hbm>>
      tpu.enqueue_indirect_dma source(%dma_start3A_175 : memref<100000x64xf32, #tpu.memory_space<hbm>>) target(%dma_start3A_171 : memref<128x64xf32, #tpu.memory_space<vmem>>) offsets(%dma_start3A_172 : memref<128xi32, #tpu.memory_space<vmem>>) semaphore(%arg8 : memref<!tpu.dma_semaphore, #tpu.memory_space<semaphore_mem>>)
      %add3A_176 = arith.constant 896 : i32
      %add3A_177 = arith.addi %mul3A_111, %add3A_176 : i32
      %dma_start3A_178 = arith.constant 896 : i32
      %dma_start3A_179 = arith.constant 0 : i32
      %dma_start3A_180 = tpu.memref_slice %arg6[%dma_start3A_178, %dma_start3A_179] : memref<1280x64xf32, #tpu.memory_space<vmem>> -> memref<128x64xf32, #tpu.memory_space<vmem>>
      %dma_start3A_181 = tpu.memref_slice %arg5[%add3A_177] : memref<25600xi32, #tpu.memory_space<vmem>> -> memref<128xi32, #tpu.memory_space<vmem>>
      %dma_start3A_182 = arith.constant 0 : i32
      %dma_start3A_183 = arith.constant 0 : i32
      %dma_start3A_184 = tpu.memref_slice %arg3[%dma_start3A_182, %dma_start3A_183] : memref<100000x64xf32, #tpu.memory_space<hbm>> -> memref<100000x64xf32, #tpu.memory_space<hbm>>
      tpu.enqueue_indirect_dma source(%dma_start3A_184 : memref<100000x64xf32, #tpu.memory_space<hbm>>) target(%dma_start3A_180 : memref<128x64xf32, #tpu.memory_space<vmem>>) offsets(%dma_start3A_181 : memref<128xi32, #tpu.memory_space<vmem>>) semaphore(%arg8 : memref<!tpu.dma_semaphore, #tpu.memory_space<semaphore_mem>>)
      %add3A_185 = arith.constant 1024 : i32
      %add3A_186 = arith.addi %mul3A_111, %add3A_185 : i32
      %dma_start3A_187 = arith.constant 1024 : i32
      %dma_start3A_188 = arith.constant 0 : i32
      %dma_start3A_189 = tpu.memref_slice %arg6[%dma_start3A_187, %dma_start3A_188] : memref<1280x64xf32, #tpu.memory_space<vmem>> -> memref<128x64xf32, #tpu.memory_space<vmem>>
      %dma_start3A_190 = tpu.memref_slice %arg5[%add3A_186] : memref<25600xi32, #tpu.memory_space<vmem>> -> memref<128xi32, #tpu.memory_space<vmem>>
      %dma_start3A_191 = arith.constant 0 : i32
      %dma_start3A_192 = arith.constant 0 : i32
      %dma_start3A_193 = tpu.memref_slice %arg3[%dma_start3A_191, %dma_start3A_192] : memref<100000x64xf32, #tpu.memory_space<hbm>> -> memref<100000x64xf32, #tpu.memory_space<hbm>>
      tpu.enqueue_indirect_dma source(%dma_start3A_193 : memref<100000x64xf32, #tpu.memory_space<hbm>>) target(%dma_start3A_189 : memref<128x64xf32, #tpu.memory_space<vmem>>) offsets(%dma_start3A_190 : memref<128xi32, #tpu.memory_space<vmem>>) semaphore(%arg8 : memref<!tpu.dma_semaphore, #tpu.memory_space<semaphore_mem>>)
      %add3A_194 = arith.constant 1152 : i32
      %add3A_195 = arith.addi %mul3A_111, %add3A_194 : i32
      %dma_start3A_196 = arith.constant 1152 : i32
      %dma_start3A_197 = arith.constant 0 : i32
      %dma_start3A_198 = tpu.memref_slice %arg6[%dma_start3A_196, %dma_start3A_197] : memref<1280x64xf32, #tpu.memory_space<vmem>> -> memref<128x64xf32, #tpu.memory_space<vmem>>
      %dma_start3A_199 = tpu.memref_slice %arg5[%add3A_195] : memref<25600xi32, #tpu.memory_space<vmem>> -> memref<128xi32, #tpu.memory_space<vmem>>
      %dma_start3A_200 = arith.constant 0 : i32
      %dma_start3A_201 = arith.constant 0 : i32
      %dma_start3A_202 = tpu.memref_slice %arg3[%dma_start3A_200, %dma_start3A_201] : memref<100000x64xf32, #tpu.memory_space<hbm>> -> memref<100000x64xf32, #tpu.memory_space<hbm>>
      tpu.enqueue_indirect_dma source(%dma_start3A_202 : memref<100000x64xf32, #tpu.memory_space<hbm>>) target(%dma_start3A_198 : memref<128x64xf32, #tpu.memory_space<vmem>>) offsets(%dma_start3A_199 : memref<128xi32, #tpu.memory_space<vmem>>) semaphore(%arg8 : memref<!tpu.dma_semaphore, #tpu.memory_space<semaphore_mem>>)
      %dma_wait3A_203 = arith.constant 0 : i32
      %dma_wait3A_204 = arith.constant 0 : i32
      %dma_wait3A_205 = tpu.memref_slice %arg6[%dma_wait3A_203, %dma_wait3A_204] : memref<1280x64xf32, #tpu.memory_space<vmem>> -> memref<128x64xf32, #tpu.memory_space<vmem>>
      %dma_wait3A_206 = tpu.memref_slice %arg5[%add3A_115] : memref<25600xi32, #tpu.memory_space<vmem>> -> memref<128xi32, #tpu.memory_space<vmem>>
      %dma_wait3A_207 = arith.constant 0 : i32
      %dma_wait3A_208 = arith.constant 0 : i32
      %dma_wait3A_209 = tpu.memref_slice %arg3[%dma_wait3A_207, %dma_wait3A_208] : memref<100000x64xf32, #tpu.memory_space<hbm>> -> memref<100000x64xf32, #tpu.memory_space<hbm>>
      tpu.wait_indirect_dma semaphore(%arg8 : memref<!tpu.dma_semaphore, #tpu.memory_space<semaphore_mem>>) src(%dma_wait3A_209 : memref<100000x64xf32, #tpu.memory_space<hbm>>) dst(%dma_wait3A_205 : memref<128x64xf32, #tpu.memory_space<vmem>>)
      %dma_wait3A_210 = arith.constant 128 : i32
      %dma_wait3A_211 = arith.constant 0 : i32
      %dma_wait3A_212 = tpu.memref_slice %arg6[%dma_wait3A_210, %dma_wait3A_211] : memref<1280x64xf32, #tpu.memory_space<vmem>> -> memref<128x64xf32, #tpu.memory_space<vmem>>
      %dma_wait3A_213 = tpu.memref_slice %arg5[%add3A_123] : memref<25600xi32, #tpu.memory_space<vmem>> -> memref<128xi32, #tpu.memory_space<vmem>>
      %dma_wait3A_214 = arith.constant 0 : i32
      %dma_wait3A_215 = arith.constant 0 : i32
      %dma_wait3A_216 = tpu.memref_slice %arg3[%dma_wait3A_214, %dma_wait3A_215] : memref<100000x64xf32, #tpu.memory_space<hbm>> -> memref<100000x64xf32, #tpu.memory_space<hbm>>
      tpu.wait_indirect_dma semaphore(%arg8 : memref<!tpu.dma_semaphore, #tpu.memory_space<semaphore_mem>>) src(%dma_wait3A_216 : memref<100000x64xf32, #tpu.memory_space<hbm>>) dst(%dma_wait3A_212 : memref<128x64xf32, #tpu.memory_space<vmem>>)
      %dma_wait3A_217 = arith.constant 256 : i32
      %dma_wait3A_218 = arith.constant 0 : i32
      %dma_wait3A_219 = tpu.memref_slice %arg6[%dma_wait3A_217, %dma_wait3A_218] : memref<1280x64xf32, #tpu.memory_space<vmem>> -> memref<128x64xf32, #tpu.memory_space<vmem>>
      %dma_wait3A_220 = tpu.memref_slice %arg5[%add3A_132] : memref<25600xi32, #tpu.memory_space<vmem>> -> memref<128xi32, #tpu.memory_space<vmem>>
      %dma_wait3A_221 = arith.constant 0 : i32
      %dma_wait3A_222 = arith.constant 0 : i32
      %dma_wait3A_223 = tpu.memref_slice %arg3[%dma_wait3A_221, %dma_wait3A_222] : memref<100000x64xf32, #tpu.memory_space<hbm>> -> memref<100000x64xf32, #tpu.memory_space<hbm>>
      tpu.wait_indirect_dma semaphore(%arg8 : memref<!tpu.dma_semaphore, #tpu.memory_space<semaphore_mem>>) src(%dma_wait3A_223 : memref<100000x64xf32, #tpu.memory_space<hbm>>) dst(%dma_wait3A_219 : memref<128x64xf32, #tpu.memory_space<vmem>>)
      %dma_wait3A_224 = arith.constant 384 : i32
      %dma_wait3A_225 = arith.constant 0 : i32
      %dma_wait3A_226 = tpu.memref_slice %arg6[%dma_wait3A_224, %dma_wait3A_225] : memref<1280x64xf32, #tpu.memory_space<vmem>> -> memref<128x64xf32, #tpu.memory_space<vmem>>
      %dma_wait3A_227 = tpu.memref_slice %arg5[%add3A_141] : memref<25600xi32, #tpu.memory_space<vmem>> -> memref<128xi32, #tpu.memory_space<vmem>>
      %dma_wait3A_228 = arith.constant 0 : i32
      %dma_wait3A_229 = arith.constant 0 : i32
      %dma_wait3A_230 = tpu.memref_slice %arg3[%dma_wait3A_228, %dma_wait3A_229] : memref<100000x64xf32, #tpu.memory_space<hbm>> -> memref<100000x64xf32, #tpu.memory_space<hbm>>
      tpu.wait_indirect_dma semaphore(%arg8 : memref<!tpu.dma_semaphore, #tpu.memory_space<semaphore_mem>>) src(%dma_wait3A_230 : memref<100000x64xf32, #tpu.memory_space<hbm>>) dst(%dma_wait3A_226 : memref<128x64xf32, #tpu.memory_space<vmem>>)
      %dma_wait3A_231 = arith.constant 512 : i32
      %dma_wait3A_232 = arith.constant 0 : i32
      %dma_wait3A_233 = tpu.memref_slice %arg6[%dma_wait3A_231, %dma_wait3A_232] : memref<1280x64xf32, #tpu.memory_space<vmem>> -> memref<128x64xf32, #tpu.memory_space<vmem>>
      %dma_wait3A_234 = tpu.memref_slice %arg5[%add3A_150] : memref<25600xi32, #tpu.memory_space<vmem>> -> memref<128xi32, #tpu.memory_space<vmem>>
      %dma_wait3A_235 = arith.constant 0 : i32
      %dma_wait3A_236 = arith.constant 0 : i32
      %dma_wait3A_237 = tpu.memref_slice %arg3[%dma_wait3A_235, %dma_wait3A_236] : memref<100000x64xf32, #tpu.memory_space<hbm>> -> memref<100000x64xf32, #tpu.memory_space<hbm>>
      tpu.wait_indirect_dma semaphore(%arg8 : memref<!tpu.dma_semaphore, #tpu.memory_space<semaphore_mem>>) src(%dma_wait3A_237 : memref<100000x64xf32, #tpu.memory_space<hbm>>) dst(%dma_wait3A_233 : memref<128x64xf32, #tpu.memory_space<vmem>>)
      %dma_wait3A_238 = arith.constant 640 : i32
      %dma_wait3A_239 = arith.constant 0 : i32
      %dma_wait3A_240 = tpu.memref_slice %arg6[%dma_wait3A_238, %dma_wait3A_239] : memref<1280x64xf32, #tpu.memory_space<vmem>> -> memref<128x64xf32, #tpu.memory_space<vmem>>
      %dma_wait3A_241 = tpu.memref_slice %arg5[%add3A_159] : memref<25600xi32, #tpu.memory_space<vmem>> -> memref<128xi32, #tpu.memory_space<vmem>>
      %dma_wait3A_242 = arith.constant 0 : i32
      %dma_wait3A_243 = arith.constant 0 : i32
      %dma_wait3A_244 = tpu.memref_slice %arg3[%dma_wait3A_242, %dma_wait3A_243] : memref<100000x64xf32, #tpu.memory_space<hbm>> -> memref<100000x64xf32, #tpu.memory_space<hbm>>
      tpu.wait_indirect_dma semaphore(%arg8 : memref<!tpu.dma_semaphore, #tpu.memory_space<semaphore_mem>>) src(%dma_wait3A_244 : memref<100000x64xf32, #tpu.memory_space<hbm>>) dst(%dma_wait3A_240 : memref<128x64xf32, #tpu.memory_space<vmem>>)
      %dma_wait3A_245 = arith.constant 768 : i32
      %dma_wait3A_246 = arith.constant 0 : i32
      %dma_wait3A_247 = tpu.memref_slice %arg6[%dma_wait3A_245, %dma_wait3A_246] : memref<1280x64xf32, #tpu.memory_space<vmem>> -> memref<128x64xf32, #tpu.memory_space<vmem>>
      %dma_wait3A_248 = tpu.memref_slice %arg5[%add3A_168] : memref<25600xi32, #tpu.memory_space<vmem>> -> memref<128xi32, #tpu.memory_space<vmem>>
      %dma_wait3A_249 = arith.constant 0 : i32
      %dma_wait3A_250 = arith.constant 0 : i32
      %dma_wait3A_251 = tpu.memref_slice %arg3[%dma_wait3A_249, %dma_wait3A_250] : memref<100000x64xf32, #tpu.memory_space<hbm>> -> memref<100000x64xf32, #tpu.memory_space<hbm>>
      tpu.wait_indirect_dma semaphore(%arg8 : memref<!tpu.dma_semaphore, #tpu.memory_space<semaphore_mem>>) src(%dma_wait3A_251 : memref<100000x64xf32, #tpu.memory_space<hbm>>) dst(%dma_wait3A_247 : memref<128x64xf32, #tpu.memory_space<vmem>>)
      %dma_wait3A_252 = arith.constant 896 : i32
      %dma_wait3A_253 = arith.constant 0 : i32
      %dma_wait3A_254 = tpu.memref_slice %arg6[%dma_wait3A_252, %dma_wait3A_253] : memref<1280x64xf32, #tpu.memory_space<vmem>> -> memref<128x64xf32, #tpu.memory_space<vmem>>
      %dma_wait3A_255 = tpu.memref_slice %arg5[%add3A_177] : memref<25600xi32, #tpu.memory_space<vmem>> -> memref<128xi32, #tpu.memory_space<vmem>>
      %dma_wait3A_256 = arith.constant 0 : i32
      %dma_wait3A_257 = arith.constant 0 : i32
      %dma_wait3A_258 = tpu.memref_slice %arg3[%dma_wait3A_256, %dma_wait3A_257] : memref<100000x64xf32, #tpu.memory_space<hbm>> -> memref<100000x64xf32, #tpu.memory_space<hbm>>
      tpu.wait_indirect_dma semaphore(%arg8 : memref<!tpu.dma_semaphore, #tpu.memory_space<semaphore_mem>>) src(%dma_wait3A_258 : memref<100000x64xf32, #tpu.memory_space<hbm>>) dst(%dma_wait3A_254 : memref<128x64xf32, #tpu.memory_space<vmem>>)
      %dma_wait3A_259 = arith.constant 1024 : i32
      %dma_wait3A_260 = arith.constant 0 : i32
      %dma_wait3A_261 = tpu.memref_slice %arg6[%dma_wait3A_259, %dma_wait3A_260] : memref<1280x64xf32, #tpu.memory_space<vmem>> -> memref<128x64xf32, #tpu.memory_space<vmem>>
      %dma_wait3A_262 = tpu.memref_slice %arg5[%add3A_186] : memref<25600xi32, #tpu.memory_space<vmem>> -> memref<128xi32, #tpu.memory_space<vmem>>
      %dma_wait3A_263 = arith.constant 0 : i32
      %dma_wait3A_264 = arith.constant 0 : i32
      %dma_wait3A_265 = tpu.memref_slice %arg3[%dma_wait3A_263, %dma_wait3A_264] : memref<100000x64xf32, #tpu.memory_space<hbm>> -> memref<100000x64xf32, #tpu.memory_space<hbm>>
      tpu.wait_indirect_dma semaphore(%arg8 : memref<!tpu.dma_semaphore, #tpu.memory_space<semaphore_mem>>) src(%dma_wait3A_265 : memref<100000x64xf32, #tpu.memory_space<hbm>>) dst(%dma_wait3A_261 : memref<128x64xf32, #tpu.memory_space<vmem>>)
      %dma_wait3A_266 = arith.constant 1152 : i32
      %dma_wait3A_267 = arith.constant 0 : i32
      %dma_wait3A_268 = tpu.memref_slice %arg6[%dma_wait3A_266, %dma_wait3A_267] : memref<1280x64xf32, #tpu.memory_space<vmem>> -> memref<128x64xf32, #tpu.memory_space<vmem>>
      %dma_wait3A_269 = tpu.memref_slice %arg5[%add3A_195] : memref<25600xi32, #tpu.memory_space<vmem>> -> memref<128xi32, #tpu.memory_space<vmem>>
      %dma_wait3A_270 = arith.constant 0 : i32
      %dma_wait3A_271 = arith.constant 0 : i32
      %dma_wait3A_272 = tpu.memref_slice %arg3[%dma_wait3A_270, %dma_wait3A_271] : memref<100000x64xf32, #tpu.memory_space<hbm>> -> memref<100000x64xf32, #tpu.memory_space<hbm>>
      tpu.wait_indirect_dma semaphore(%arg8 : memref<!tpu.dma_semaphore, #tpu.memory_space<semaphore_mem>>) src(%dma_wait3A_272 : memref<100000x64xf32, #tpu.memory_space<hbm>>) dst(%dma_wait3A_268 : memref<128x64xf32, #tpu.memory_space<vmem>>)
      %mul3A_273 = arith.constant 10 : i32
      %mul3A_274 = arith.muli %scan3A_109, %mul3A_273 : i32
      %add3A_275 = arith.addi %mul3A_4, %mul3A_274 : i32
      %add3A_276 = arith.constant 0 : i32
      %add3A_277 = arith.addi %add3A_275, %add3A_276 : i32
      %jit3A = arith.constant 256 : i32
      %div3A = arith.divsi %add3A_277, %jit3A : i32
      %sign3A = arith.constant 0 : i32
      %sign3A_278 = arith.cmpi sgt, %add3A_277, %sign3A : i32
      %sign3A_279 = arith.extui %sign3A_278 : i1 to i32
      %sign3A_280 = arith.constant 0 : i32
      %sign3A_281 = arith.cmpi slt, %add3A_277, %sign3A_280 : i32
      %sign3A_282 = arith.extui %sign3A_281 : i1 to i32
      %sign3A_283 = arith.subi %sign3A_279, %sign3A_282 : i32
      %sign3A_284 = arith.constant 0 : i32
      %sign3A_285 = arith.cmpi sgt, %jit3A, %sign3A_284 : i32
      %sign3A_286 = arith.extui %sign3A_285 : i1 to i32
      %sign3A_287 = arith.constant 0 : i32
      %sign3A_288 = arith.cmpi slt, %jit3A, %sign3A_287 : i32
      %sign3A_289 = arith.extui %sign3A_288 : i1 to i32
      %sign3A_290 = arith.subi %sign3A_286, %sign3A_289 : i32
      %ne3A = arith.cmpi ne, %sign3A_283, %sign3A_290 : i32
      %rem3A = arith.remsi %add3A_277, %jit3A : i32
      %ne3A_291 = arith.constant 0 : i32
      %ne3A_292 = arith.cmpi ne, %rem3A, %ne3A_291 : i32
      %and3A = arith.andi %ne3A, %ne3A_292 : i1
      %sub3A = arith.constant 1 : i32
      %sub3A_293 = arith.subi %div3A, %sub3A : i32
      %select_n3A = arith.select %and3A, %sub3A_293, %div3A : i32
      %jit3A_294 = arith.constant 8 : i32
      %div3A_295 = arith.divsi %add3A_277, %jit3A_294 : i32
      %sign3A_296 = arith.constant 0 : i32
      %sign3A_297 = arith.cmpi sgt, %add3A_277, %sign3A_296 : i32
      %sign3A_298 = arith.extui %sign3A_297 : i1 to i32
      %sign3A_299 = arith.constant 0 : i32
      %sign3A_300 = arith.cmpi slt, %add3A_277, %sign3A_299 : i32
      %sign3A_301 = arith.extui %sign3A_300 : i1 to i32
      %sign3A_302 = arith.subi %sign3A_298, %sign3A_301 : i32
      %sign3A_303 = arith.constant 0 : i32
      %sign3A_304 = arith.cmpi sgt, %jit3A_294, %sign3A_303 : i32
      %sign3A_305 = arith.extui %sign3A_304 : i1 to i32
      %sign3A_306 = arith.constant 0 : i32
      %sign3A_307 = arith.cmpi slt, %jit3A_294, %sign3A_306 : i32
      %sign3A_308 = arith.extui %sign3A_307 : i1 to i32
      %sign3A_309 = arith.subi %sign3A_305, %sign3A_308 : i32
      %ne3A_310 = arith.cmpi ne, %sign3A_302, %sign3A_309 : i32
      %rem3A_311 = arith.remsi %add3A_277, %jit3A_294 : i32
      %ne3A_312 = arith.constant 0 : i32
      %ne3A_313 = arith.cmpi ne, %rem3A_311, %ne3A_312 : i32
      %and3A_314 = arith.andi %ne3A_310, %ne3A_313 : i1
      %sub3A_315 = arith.constant 1 : i32
      %sub3A_316 = arith.subi %div3A_295, %sub3A_315 : i32
      %select_n3A_317 = arith.select %and3A_314, %sub3A_316, %div3A_295 : i32
      %rem3A_318 = arith.constant 32 : i32
      %rem3A_319 = arith.remsi %select_n3A_317, %rem3A_318 : i32
      %rem3A_320 = arith.constant 8 : i32
      %rem3A_321 = arith.remsi %add3A_277, %rem3A_320 : i32
      %mul3A_322 = arith.constant 8 : i32
      %mul3A_323 = arith.muli %select_n3A, %mul3A_322 : i32
      %add3A_324 = arith.addi %mul3A_323, %rem3A_321 : i32
      %mul3A_325 = arith.constant 128 : i32
      %mul3A_326 = arith.muli %rem3A_319, %mul3A_325 : i32
      %jit3A_327 = arith.constant 16 : i32
      %div3A_328 = arith.divsi %rem3A_319, %jit3A_327 : i32
      %sign3A_329 = arith.constant 0 : i32
      %sign3A_330 = arith.cmpi sgt, %rem3A_319, %sign3A_329 : i32
      %sign3A_331 = arith.extui %sign3A_330 : i1 to i32
      %sign3A_332 = arith.constant 0 : i32
      %sign3A_333 = arith.cmpi slt, %rem3A_319, %sign3A_332 : i32
      %sign3A_334 = arith.extui %sign3A_333 : i1 to i32
      %sign3A_335 = arith.subi %sign3A_331, %sign3A_334 : i32
      %sign3A_336 = arith.constant 0 : i32
      %sign3A_337 = arith.cmpi sgt, %jit3A_327, %sign3A_336 : i32
      %sign3A_338 = arith.extui %sign3A_337 : i1 to i32
      %sign3A_339 = arith.constant 0 : i32
      %sign3A_340 = arith.cmpi slt, %jit3A_327, %sign3A_339 : i32
      %sign3A_341 = arith.extui %sign3A_340 : i1 to i32
      %sign3A_342 = arith.subi %sign3A_338, %sign3A_341 : i32
      %ne3A_343 = arith.cmpi ne, %sign3A_335, %sign3A_342 : i32
      %rem3A_344 = arith.remsi %rem3A_319, %jit3A_327 : i32
      %ne3A_345 = arith.constant 0 : i32
      %ne3A_346 = arith.cmpi ne, %rem3A_344, %ne3A_345 : i32
      %and3A_347 = arith.andi %ne3A_343, %ne3A_346 : i1
      %sub3A_348 = arith.constant 1 : i32
      %sub3A_349 = arith.subi %div3A_328, %sub3A_348 : i32
      %select_n3A_350 = arith.select %and3A_347, %sub3A_349, %div3A_328 : i32
      %mul3A_351 = arith.constant 4096 : i32
      %mul3A_352 = arith.muli %add3A_324, %mul3A_351 : i32
      %mul3A_353 = arith.constant 2 : i32
      %mul3A_354 = arith.muli %mul3A_353, %mul3A_326 : i32
      %add3A_355 = arith.addi %mul3A_352, %mul3A_354 : i32
      %mul3A_356 = arith.constant 4095 : i32
      %mul3A_357 = arith.muli %select_n3A_350, %mul3A_356 : i32
      %sub3A_358 = arith.subi %add3A_355, %mul3A_357 : i32
      %add3A_359 = arith.constant 0 : i32
      %add3A_360 = vector.broadcast %add3A_359 : i32 to vector<16xi32>
      %add3A_361 = arith.addi %iota3A, %add3A_360 : vector<16xi32>
      %mul3A_362 = arith.constant 2 : i32
      %mul3A_363 = vector.broadcast %mul3A_362 : i32 to vector<16xi32>
      %mul3A_364 = arith.muli %mul3A_363, %add3A_361 : vector<16xi32>
      %add3A_365 = vector.broadcast %sub3A_358 : i32 to vector<16xi32>
      %add3A_366 = arith.addi %add3A_365, %mul3A_364 : vector<16xi32>
      %swap3A = arith.constant 0 : i32
      %swap3A_367 = arith.index_cast %swap3A : i32 to index
      %swap3A_368 = arith.constant 0 : index
      %swap3A_369 = tpu.vector_load %arg7[%swap3A_367, %swap3A_368] {strides = array<i32>} : memref<10x128xi32, #tpu.memory_space<vmem>>, vector<1x16xi32>,
      %swap3A_370 = vector.shape_cast %swap3A_369 : vector<1x16xi32> to vector<16xi32>
      %swap3A_371 = vector.shape_cast %add3A_366 : vector<16xi32> to vector<1x16xi32>
      tpu.vector_store %arg7[%swap3A_367, %swap3A_368], %swap3A_371 {strides = array<i32>} : memref<10x128xi32, #tpu.memory_space<vmem>>, vector<1x16xi32>,
      %add3A_372 = arith.constant 16 : i32
      %add3A_373 = vector.broadcast %add3A_372 : i32 to vector<16xi32>
      %add3A_374 = arith.addi %iota3A, %add3A_373 : vector<16xi32>
      %mul3A_375 = arith.constant 2 : i32
      %mul3A_376 = vector.broadcast %mul3A_375 : i32 to vector<16xi32>
      %mul3A_377 = arith.muli %mul3A_376, %add3A_374 : vector<16xi32>
      %add3A_378 = vector.broadcast %sub3A_358 : i32 to vector<16xi32>
      %add3A_379 = arith.addi %add3A_378, %mul3A_377 : vector<16xi32>
      %swap3A_380 = arith.constant 0 : i32
      %swap3A_381 = arith.index_cast %swap3A_380 : i32 to index
      %swap3A_382 = arith.constant 16 : index
      %swap3A_383 = tpu.vector_load %arg7[%swap3A_381, %swap3A_382] {strides = array<i32>} : memref<10x128xi32, #tpu.memory_space<vmem>>, vector<1x16xi32>,
      %swap3A_384 = vector.shape_cast %swap3A_383 : vector<1x16xi32> to vector<16xi32>
      %swap3A_385 = vector.shape_cast %add3A_379 : vector<16xi32> to vector<1x16xi32>
      tpu.vector_store %arg7[%swap3A_381, %swap3A_382], %swap3A_385 {strides = array<i32>} : memref<10x128xi32, #tpu.memory_space<vmem>>, vector<1x16xi32>,
      %add3A_386 = arith.constant 32 : i32
      %add3A_387 = vector.broadcast %add3A_386 : i32 to vector<16xi32>
      %add3A_388 = arith.addi %iota3A, %add3A_387 : vector<16xi32>
      %mul3A_389 = arith.constant 2 : i32
      %mul3A_390 = vector.broadcast %mul3A_389 : i32 to vector<16xi32>
      %mul3A_391 = arith.muli %mul3A_390, %add3A_388 : vector<16xi32>
      %add3A_392 = vector.broadcast %sub3A_358 : i32 to vector<16xi32>
      %add3A_393 = arith.addi %add3A_392, %mul3A_391 : vector<16xi32>
      %swap3A_394 = arith.constant 0 : i32
      %swap3A_395 = arith.index_cast %swap3A_394 : i32 to index
      %swap3A_396 = arith.constant 32 : index
      %swap3A_397 = tpu.vector_load %arg7[%swap3A_395, %swap3A_396] {strides = array<i32>} : memref<10x128xi32, #tpu.memory_space<vmem>>, vector<1x16xi32>,
      %swap3A_398 = vector.shape_cast %swap3A_397 : vector<1x16xi32> to vector<16xi32>
      %swap3A_399 = vector.shape_cast %add3A_393 : vector<16xi32> to vector<1x16xi32>
      tpu.vector_store %arg7[%swap3A_395, %swap3A_396], %swap3A_399 {strides = array<i32>} : memref<10x128xi32, #tpu.memory_space<vmem>>, vector<1x16xi32>,
      %add3A_400 = arith.constant 48 : i32
      %add3A_401 = vector.broadcast %add3A_400 : i32 to vector<16xi32>
      %add3A_402 = arith.addi %iota3A, %add3A_401 : vector<16xi32>
      %mul3A_403 = arith.constant 2 : i32
      %mul3A_404 = vector.broadcast %mul3A_403 : i32 to vector<16xi32>
      %mul3A_405 = arith.muli %mul3A_404, %add3A_402 : vector<16xi32>
      %add3A_406 = vector.broadcast %sub3A_358 : i32 to vector<16xi32>
      %add3A_407 = arith.addi %add3A_406, %mul3A_405 : vector<16xi32>
      %swap3A_408 = arith.constant 0 : i32
      %swap3A_409 = arith.index_cast %swap3A_408 : i32 to index
      %swap3A_410 = arith.constant 48 : index
      %swap3A_411 = tpu.vector_load %arg7[%swap3A_409, %swap3A_410] {strides = array<i32>} : memref<10x128xi32, #tpu.memory_space<vmem>>, vector<1x16xi32>,
      %swap3A_412 = vector.shape_cast %swap3A_411 : vector<1x16xi32> to vector<16xi32>
      %swap3A_413 = vector.shape_cast %add3A_407 : vector<16xi32> to vector<1x16xi32>
      tpu.vector_store %arg7[%swap3A_409, %swap3A_410], %swap3A_413 {strides = array<i32>} : memref<10x128xi32, #tpu.memory_space<vmem>>, vector<1x16xi32>,
      %add3A_414 = arith.constant 64 : i32
      %add3A_415 = vector.broadcast %add3A_414 : i32 to vector<16xi32>
      %add3A_416 = arith.addi %iota3A, %add3A_415 : vector<16xi32>
      %mul3A_417 = arith.constant 2 : i32
      %mul3A_418 = vector.broadcast %mul3A_417 : i32 to vector<16xi32>
      %mul3A_419 = arith.muli %mul3A_418, %add3A_416 : vector<16xi32>
      %add3A_420 = vector.broadcast %sub3A_358 : i32 to vector<16xi32>
      %add3A_421 = arith.addi %add3A_420, %mul3A_419 : vector<16xi32>
      %swap3A_422 = arith.constant 0 : i32
      %swap3A_423 = arith.index_cast %swap3A_422 : i32 to index
      %swap3A_424 = arith.constant 64 : index
      %swap3A_425 = tpu.vector_load %arg7[%swap3A_423, %swap3A_424] {strides = array<i32>} : memref<10x128xi32, #tpu.memory_space<vmem>>, vector<1x16xi32>,
      %swap3A_426 = vector.shape_cast %swap3A_425 : vector<1x16xi32> to vector<16xi32>
      %swap3A_427 = vector.shape_cast %add3A_421 : vector<16xi32> to vector<1x16xi32>
      tpu.vector_store %arg7[%swap3A_423, %swap3A_424], %swap3A_427 {strides = array<i32>} : memref<10x128xi32, #tpu.memory_space<vmem>>, vector<1x16xi32>,
      %add3A_428 = arith.constant 80 : i32
      %add3A_429 = vector.broadcast %add3A_428 : i32 to vector<16xi32>
      %add3A_430 = arith.addi %iota3A, %add3A_429 : vector<16xi32>
      %mul3A_431 = arith.constant 2 : i32
      %mul3A_432 = vector.broadcast %mul3A_431 : i32 to vector<16xi32>
      %mul3A_433 = arith.muli %mul3A_432, %add3A_430 : vector<16xi32>
      %add3A_434 = vector.broadcast %sub3A_358 : i32 to vector<16xi32>
      %add3A_435 = arith.addi %add3A_434, %mul3A_433 : vector<16xi32>
      %swap3A_436 = arith.constant 0 : i32
      %swap3A_437 = arith.index_cast %swap3A_436 : i32 to index
      %swap3A_438 = arith.constant 80 : index
      %swap3A_439 = tpu.vector_load %arg7[%swap3A_437, %swap3A_438] {strides = array<i32>} : memref<10x128xi32, #tpu.memory_space<vmem>>, vector<1x16xi32>,
      %swap3A_440 = vector.shape_cast %swap3A_439 : vector<1x16xi32> to vector<16xi32>
      %swap3A_441 = vector.shape_cast %add3A_435 : vector<16xi32> to vector<1x16xi32>
      tpu.vector_store %arg7[%swap3A_437, %swap3A_438], %swap3A_441 {strides = array<i32>} : memref<10x128xi32, #tpu.memory_space<vmem>>, vector<1x16xi32>,
      %add3A_442 = arith.constant 96 : i32
      %add3A_443 = vector.broadcast %add3A_442 : i32 to vector<16xi32>
      %add3A_444 = arith.addi %iota3A, %add3A_443 : vector<16xi32>
      %mul3A_445 = arith.constant 2 : i32
      %mul3A_446 = vector.broadcast %mul3A_445 : i32 to vector<16xi32>
      %mul3A_447 = arith.muli %mul3A_446, %add3A_444 : vector<16xi32>
      %add3A_448 = vector.broadcast %sub3A_358 : i32 to vector<16xi32>
      %add3A_449 = arith.addi %add3A_448, %mul3A_447 : vector<16xi32>
      %swap3A_450 = arith.constant 0 : i32
      %swap3A_451 = arith.index_cast %swap3A_450 : i32 to index
      %swap3A_452 = arith.constant 96 : index
      %swap3A_453 = tpu.vector_load %arg7[%swap3A_451, %swap3A_452] {strides = array<i32>} : memref<10x128xi32, #tpu.memory_space<vmem>>, vector<1x16xi32>,
      %swap3A_454 = vector.shape_cast %swap3A_453 : vector<1x16xi32> to vector<16xi32>
      %swap3A_455 = vector.shape_cast %add3A_449 : vector<16xi32> to vector<1x16xi32>
      tpu.vector_store %arg7[%swap3A_451, %swap3A_452], %swap3A_455 {strides = array<i32>} : memref<10x128xi32, #tpu.memory_space<vmem>>, vector<1x16xi32>,
      %add3A_456 = arith.constant 112 : i32
      %add3A_457 = vector.broadcast %add3A_456 : i32 to vector<16xi32>
      %add3A_458 = arith.addi %iota3A, %add3A_457 : vector<16xi32>
      %mul3A_459 = arith.constant 2 : i32
      %mul3A_460 = vector.broadcast %mul3A_459 : i32 to vector<16xi32>
      %mul3A_461 = arith.muli %mul3A_460, %add3A_458 : vector<16xi32>
      %add3A_462 = vector.broadcast %sub3A_358 : i32 to vector<16xi32>
      %add3A_463 = arith.addi %add3A_462, %mul3A_461 : vector<16xi32>
      %swap3A_464 = arith.constant 0 : i32
      %swap3A_465 = arith.index_cast %swap3A_464 : i32 to index
      %swap3A_466 = arith.constant 112 : index
      %swap3A_467 = tpu.vector_load %arg7[%swap3A_465, %swap3A_466] {strides = array<i32>} : memref<10x128xi32, #tpu.memory_space<vmem>>, vector<1x16xi32>,
      %swap3A_468 = vector.shape_cast %swap3A_467 : vector<1x16xi32> to vector<16xi32>
      %swap3A_469 = vector.shape_cast %add3A_463 : vector<16xi32> to vector<1x16xi32>
      tpu.vector_store %arg7[%swap3A_465, %swap3A_466], %swap3A_469 {strides = array<i32>} : memref<10x128xi32, #tpu.memory_space<vmem>>, vector<1x16xi32>,
      %dma_start3A_470 = arith.constant 0 : i32
      %dma_start3A_471 = arith.constant 0 : i32
      %dma_start3A_472 = arith.constant 0 : i32
      %dma_start3A_473 = tpu.memref_slice %arg6[%dma_start3A_471, %dma_start3A_472] : memref<1280x64xf32, #tpu.memory_space<vmem>> -> memref<128x64xf32, #tpu.memory_space<vmem>>
      %dma_start3A_474 = arith.constant 0 : i32
      %dma_start3A_475 = tpu.memref_slice %arg7[%dma_start3A_470, %dma_start3A_474] : memref<10x128xi32, #tpu.memory_space<vmem>> -> memref<1x128xi32, #tpu.memory_space<vmem>>
      %dma_start3A_476 = tpu.memref_squeeze %dma_start3A_475 : memref<1x128xi32, #tpu.memory_space<vmem>> -> memref<128xi32, #tpu.memory_space<vmem>>
      %dma_start3A_477 = arith.constant 0 : i32
      %dma_start3A_478 = arith.constant 0 : i32
      %dma_start3A_479 = tpu.memref_slice %arg4[%dma_start3A_477, %dma_start3A_478] : memref<819200x64xf32, #tpu.memory_space<hbm>> -> memref<819200x64xf32, #tpu.memory_space<hbm>>
      tpu.enqueue_indirect_dma source(%dma_start3A_473 : memref<128x64xf32, #tpu.memory_space<vmem>>) target(%dma_start3A_479 : memref<819200x64xf32, #tpu.memory_space<hbm>>) offsets(%dma_start3A_476 : memref<128xi32, #tpu.memory_space<vmem>>) semaphore(%arg9 : memref<!tpu.dma_semaphore, #tpu.memory_space<semaphore_mem>>)
      %mul3A_480 = arith.constant 10 : i32
      %mul3A_481 = arith.muli %scan3A_109, %mul3A_480 : i32
      %add3A_482 = arith.addi %mul3A_4, %mul3A_481 : i32
      %add3A_483 = arith.constant 1 : i32
      %add3A_484 = arith.addi %add3A_482, %add3A_483 : i32
      %jit3A_485 = arith.constant 256 : i32
      %div3A_486 = arith.divsi %add3A_484, %jit3A_485 : i32
      %sign3A_487 = arith.constant 0 : i32
      %sign3A_488 = arith.cmpi sgt, %add3A_484, %sign3A_487 : i32
      %sign3A_489 = arith.extui %sign3A_488 : i1 to i32
      %sign3A_490 = arith.constant 0 : i32
      %sign3A_491 = arith.cmpi slt, %add3A_484, %sign3A_490 : i32
      %sign3A_492 = arith.extui %sign3A_491 : i1 to i32
      %sign3A_493 = arith.subi %sign3A_489, %sign3A_492 : i32
      %sign3A_494 = arith.constant 0 : i32
      %sign3A_495 = arith.cmpi sgt, %jit3A_485, %sign3A_494 : i32
      %sign3A_496 = arith.extui %sign3A_495 : i1 to i32
      %sign3A_497 = arith.constant 0 : i32
      %sign3A_498 = arith.cmpi slt, %jit3A_485, %sign3A_497 : i32
      %sign3A_499 = arith.extui %sign3A_498 : i1 to i32
      %sign3A_500 = arith.subi %sign3A_496, %sign3A_499 : i32
      %ne3A_501 = arith.cmpi ne, %sign3A_493, %sign3A_500 : i32
      %rem3A_502 = arith.remsi %add3A_484, %jit3A_485 : i32
      %ne3A_503 = arith.constant 0 : i32
      %ne3A_504 = arith.cmpi ne, %rem3A_502, %ne3A_503 : i32
      %and3A_505 = arith.andi %ne3A_501, %ne3A_504 : i1
      %sub3A_506 = arith.constant 1 : i32
      %sub3A_507 = arith.subi %div3A_486, %sub3A_506 : i32
      %select_n3A_508 = arith.select %and3A_505, %sub3A_507, %div3A_486 : i32
      %jit3A_509 = arith.constant 8 : i32
      %div3A_510 = arith.divsi %add3A_484, %jit3A_509 : i32
      %sign3A_511 = arith.constant 0 : i32
      %sign3A_512 = arith.cmpi sgt, %add3A_484, %sign3A_511 : i32
      %sign3A_513 = arith.extui %sign3A_512 : i1 to i32
      %sign3A_514 = arith.constant 0 : i32
      %sign3A_515 = arith.cmpi slt, %add3A_484, %sign3A_514 : i32
      %sign3A_516 = arith.extui %sign3A_515 : i1 to i32
      %sign3A_517 = arith.subi %sign3A_513, %sign3A_516 : i32
      %sign3A_518 = arith.constant 0 : i32
      %sign3A_519 = arith.cmpi sgt, %jit3A_509, %sign3A_518 : i32
      %sign3A_520 = arith.extui %sign3A_519 : i1 to i32
      %sign3A_521 = arith.constant 0 : i32
      %sign3A_522 = arith.cmpi slt, %jit3A_509, %sign3A_521 : i32
      %sign3A_523 = arith.extui %sign3A_522 : i1 to i32
      %sign3A_524 = arith.subi %sign3A_520, %sign3A_523 : i32
      %ne3A_525 = arith.cmpi ne, %sign3A_517, %sign3A_524 : i32
      %rem3A_526 = arith.remsi %add3A_484, %jit3A_509 : i32
      %ne3A_527 = arith.constant 0 : i32
      %ne3A_528 = arith.cmpi ne, %rem3A_526, %ne3A_527 : i32
      %and3A_529 = arith.andi %ne3A_525, %ne3A_528 : i1
      %sub3A_530 = arith.constant 1 : i32
      %sub3A_531 = arith.subi %div3A_510, %sub3A_530 : i32
      %select_n3A_532 = arith.select %and3A_529, %sub3A_531, %div3A_510 : i32
      %rem3A_533 = arith.constant 32 : i32
      %rem3A_534 = arith.remsi %select_n3A_532, %rem3A_533 : i32
      %rem3A_535 = arith.constant 8 : i32
      %rem3A_536 = arith.remsi %add3A_484, %rem3A_535 : i32
      %mul3A_537 = arith.constant 8 : i32
      %mul3A_538 = arith.muli %select_n3A_508, %mul3A_537 : i32
      %add3A_539 = arith.addi %mul3A_538, %rem3A_536 : i32
      %mul3A_540 = arith.constant 128 : i32
      %mul3A_541 = arith.muli %rem3A_534, %mul3A_540 : i32
      %jit3A_542 = arith.constant 16 : i32
      %div3A_543 = arith.divsi %rem3A_534, %jit3A_542 : i32
      %sign3A_544 = arith.constant 0 : i32
      %sign3A_545 = arith.cmpi sgt, %rem3A_534, %sign3A_544 : i32
      %sign3A_546 = arith.extui %sign3A_545 : i1 to i32
      %sign3A_547 = arith.constant 0 : i32
      %sign3A_548 = arith.cmpi slt, %rem3A_534, %sign3A_547 : i32
      %sign3A_549 = arith.extui %sign3A_548 : i1 to i32
      %sign3A_550 = arith.subi %sign3A_546, %sign3A_549 : i32
      %sign3A_551 = arith.constant 0 : i32
      %sign3A_552 = arith.cmpi sgt, %jit3A_542, %sign3A_551 : i32
      %sign3A_553 = arith.extui %sign3A_552 : i1 to i32
      %sign3A_554 = arith.constant 0 : i32
      %sign3A_555 = arith.cmpi slt, %jit3A_542, %sign3A_554 : i32
      %sign3A_556 = arith.extui %sign3A_555 : i1 to i32
      %sign3A_557 = arith.subi %sign3A_553, %sign3A_556 : i32
      %ne3A_558 = arith.cmpi ne, %sign3A_550, %sign3A_557 : i32
      %rem3A_559 = arith.remsi %rem3A_534, %jit3A_542 : i32
      %ne3A_560 = arith.constant 0 : i32
      %ne3A_561 = arith.cmpi ne, %rem3A_559, %ne3A_560 : i32
      %and3A_562 = arith.andi %ne3A_558, %ne3A_561 : i1
      %sub3A_563 = arith.constant 1 : i32
      %sub3A_564 = arith.subi %div3A_543, %sub3A_563 : i32
      %select_n3A_565 = arith.select %and3A_562, %sub3A_564, %div3A_543 : i32
      %mul3A_566 = arith.constant 4096 : i32
      %mul3A_567 = arith.muli %add3A_539, %mul3A_566 : i32
      %mul3A_568 = arith.constant 2 : i32
      %mul3A_569 = arith.muli %mul3A_568, %mul3A_541 : i32
      %add3A_570 = arith.addi %mul3A_567, %mul3A_569 : i32
      %mul3A_571 = arith.constant 4095 : i32
      %mul3A_572 = arith.muli %select_n3A_565, %mul3A_571 : i32
      %sub3A_573 = arith.subi %add3A_570, %mul3A_572 : i32
      %add3A_574 = arith.constant 0 : i32
      %add3A_575 = vector.broadcast %add3A_574 : i32 to vector<16xi32>
      %add3A_576 = arith.addi %iota3A, %add3A_575 : vector<16xi32>
      %mul3A_577 = arith.constant 2 : i32
      %mul3A_578 = vector.broadcast %mul3A_577 : i32 to vector<16xi32>
      %mul3A_579 = arith.muli %mul3A_578, %add3A_576 : vector<16xi32>
      %add3A_580 = vector.broadcast %sub3A_573 : i32 to vector<16xi32>
      %add3A_581 = arith.addi %add3A_580, %mul3A_579 : vector<16xi32>
      %swap3A_582 = arith.constant 1 : i32
      %swap3A_583 = arith.index_cast %swap3A_582 : i32 to index
      %swap3A_584 = arith.constant 0 : index
      %swap3A_585 = tpu.vector_load %arg7[%swap3A_583, %swap3A_584] {strides = array<i32>} : memref<10x128xi32, #tpu.memory_space<vmem>>, vector<1x16xi32>,
      %swap3A_586 = vector.shape_cast %swap3A_585 : vector<1x16xi32> to vector<16xi32>
      %swap3A_587 = vector.shape_cast %add3A_581 : vector<16xi32> to vector<1x16xi32>
      tpu.vector_store %arg7[%swap3A_583, %swap3A_584], %swap3A_587 {strides = array<i32>} : memref<10x128xi32, #tpu.memory_space<vmem>>, vector<1x16xi32>,
      %add3A_588 = arith.constant 16 : i32
      %add3A_589 = vector.broadcast %add3A_588 : i32 to vector<16xi32>
      %add3A_590 = arith.addi %iota3A, %add3A_589 : vector<16xi32>
      %mul3A_591 = arith.constant 2 : i32
      %mul3A_592 = vector.broadcast %mul3A_591 : i32 to vector<16xi32>
      %mul3A_593 = arith.muli %mul3A_592, %add3A_590 : vector<16xi32>
      %add3A_594 = vector.broadcast %sub3A_573 : i32 to vector<16xi32>
      %add3A_595 = arith.addi %add3A_594, %mul3A_593 : vector<16xi32>
      %swap3A_596 = arith.constant 1 : i32
      %swap3A_597 = arith.index_cast %swap3A_596 : i32 to index
      %swap3A_598 = arith.constant 16 : index
      %swap3A_599 = tpu.vector_load %arg7[%swap3A_597, %swap3A_598] {strides = array<i32>} : memref<10x128xi32, #tpu.memory_space<vmem>>, vector<1x16xi32>,
      %swap3A_600 = vector.shape_cast %swap3A_599 : vector<1x16xi32> to vector<16xi32>
      %swap3A_601 = vector.shape_cast %add3A_595 : vector<16xi32> to vector<1x16xi32>
      tpu.vector_store %arg7[%swap3A_597, %swap3A_598], %swap3A_601 {strides = array<i32>} : memref<10x128xi32, #tpu.memory_space<vmem>>, vector<1x16xi32>,
      %add3A_602 = arith.constant 32 : i32
      %add3A_603 = vector.broadcast %add3A_602 : i32 to vector<16xi32>
      %add3A_604 = arith.addi %iota3A, %add3A_603 : vector<16xi32>
      %mul3A_605 = arith.constant 2 : i32
      %mul3A_606 = vector.broadcast %mul3A_605 : i32 to vector<16xi32>
      %mul3A_607 = arith.muli %mul3A_606, %add3A_604 : vector<16xi32>
      %add3A_608 = vector.broadcast %sub3A_573 : i32 to vector<16xi32>
      %add3A_609 = arith.addi %add3A_608, %mul3A_607 : vector<16xi32>
      %swap3A_610 = arith.constant 1 : i32
      %swap3A_611 = arith.index_cast %swap3A_610 : i32 to index
      %swap3A_612 = arith.constant 32 : index
      %swap3A_613 = tpu.vector_load %arg7[%swap3A_611, %swap3A_612] {strides = array<i32>} : memref<10x128xi32, #tpu.memory_space<vmem>>, vector<1x16xi32>,
      %swap3A_614 = vector.shape_cast %swap3A_613 : vector<1x16xi32> to vector<16xi32>
      %swap3A_615 = vector.shape_cast %add3A_609 : vector<16xi32> to vector<1x16xi32>
      tpu.vector_store %arg7[%swap3A_611, %swap3A_612], %swap3A_615 {strides = array<i32>} : memref<10x128xi32, #tpu.memory_space<vmem>>, vector<1x16xi32>,
      %add3A_616 = arith.constant 48 : i32
      %add3A_617 = vector.broadcast %add3A_616 : i32 to vector<16xi32>
      %add3A_618 = arith.addi %iota3A, %add3A_617 : vector<16xi32>
      %mul3A_619 = arith.constant 2 : i32
      %mul3A_620 = vector.broadcast %mul3A_619 : i32 to vector<16xi32>
      %mul3A_621 = arith.muli %mul3A_620, %add3A_618 : vector<16xi32>
      %add3A_622 = vector.broadcast %sub3A_573 : i32 to vector<16xi32>
      %add3A_623 = arith.addi %add3A_622, %mul3A_621 : vector<16xi32>
      %swap3A_624 = arith.constant 1 : i32
      %swap3A_625 = arith.index_cast %swap3A_624 : i32 to index
      %swap3A_626 = arith.constant 48 : index
      %swap3A_627 = tpu.vector_load %arg7[%swap3A_625, %swap3A_626] {strides = array<i32>} : memref<10x128xi32, #tpu.memory_space<vmem>>, vector<1x16xi32>,
      %swap3A_628 = vector.shape_cast %swap3A_627 : vector<1x16xi32> to vector<16xi32>
      %swap3A_629 = vector.shape_cast %add3A_623 : vector<16xi32> to vector<1x16xi32>
      tpu.vector_store %arg7[%swap3A_625, %swap3A_626], %swap3A_629 {strides = array<i32>} : memref<10x128xi32, #tpu.memory_space<vmem>>, vector<1x16xi32>,
      %add3A_630 = arith.constant 64 : i32
      %add3A_631 = vector.broadcast %add3A_630 : i32 to vector<16xi32>
      %add3A_632 = arith.addi %iota3A, %add3A_631 : vector<16xi32>
      %mul3A_633 = arith.constant 2 : i32
      %mul3A_634 = vector.broadcast %mul3A_633 : i32 to vector<16xi32>
      %mul3A_635 = arith.muli %mul3A_634, %add3A_632 : vector<16xi32>
      %add3A_636 = vector.broadcast %sub3A_573 : i32 to vector<16xi32>
      %add3A_637 = arith.addi %add3A_636, %mul3A_635 : vector<16xi32>
      %swap3A_638 = arith.constant 1 : i32
      %swap3A_639 = arith.index_cast %swap3A_638 : i32 to index
      %swap3A_640 = arith.constant 64 : index
      %swap3A_641 = tpu.vector_load %arg7[%swap3A_639, %swap3A_640] {strides = array<i32>} : memref<10x128xi32, #tpu.memory_space<vmem>>, vector<1x16xi32>,
      %swap3A_642 = vector.shape_cast %swap3A_641 : vector<1x16xi32> to vector<16xi32>
      %swap3A_643 = vector.shape_cast %add3A_637 : vector<16xi32> to vector<1x16xi32>
      tpu.vector_store %arg7[%swap3A_639, %swap3A_640], %swap3A_643 {strides = array<i32>} : memref<10x128xi32, #tpu.memory_space<vmem>>, vector<1x16xi32>,
      %add3A_644 = arith.constant 80 : i32
      %add3A_645 = vector.broadcast %add3A_644 : i32 to vector<16xi32>
      %add3A_646 = arith.addi %iota3A, %add3A_645 : vector<16xi32>
      %mul3A_647 = arith.constant 2 : i32
      %mul3A_648 = vector.broadcast %mul3A_647 : i32 to vector<16xi32>
      %mul3A_649 = arith.muli %mul3A_648, %add3A_646 : vector<16xi32>
      %add3A_650 = vector.broadcast %sub3A_573 : i32 to vector<16xi32>
      %add3A_651 = arith.addi %add3A_650, %mul3A_649 : vector<16xi32>
      %swap3A_652 = arith.constant 1 : i32
      %swap3A_653 = arith.index_cast %swap3A_652 : i32 to index
      %swap3A_654 = arith.constant 80 : index
      %swap3A_655 = tpu.vector_load %arg7[%swap3A_653, %swap3A_654] {strides = array<i32>} : memref<10x128xi32, #tpu.memory_space<vmem>>, vector<1x16xi32>,
      %swap3A_656 = vector.shape_cast %swap3A_655 : vector<1x16xi32> to vector<16xi32>
      %swap3A_657 = vector.shape_cast %add3A_651 : vector<16xi32> to vector<1x16xi32>
      tpu.vector_store %arg7[%swap3A_653, %swap3A_654], %swap3A_657 {strides = array<i32>} : memref<10x128xi32, #tpu.memory_space<vmem>>, vector<1x16xi32>,
      %add3A_658 = arith.constant 96 : i32
      %add3A_659 = vector.broadcast %add3A_658 : i32 to vector<16xi32>
      %add3A_660 = arith.addi %iota3A, %add3A_659 : vector<16xi32>
      %mul3A_661 = arith.constant 2 : i32
      %mul3A_662 = vector.broadcast %mul3A_661 : i32 to vector<16xi32>
      %mul3A_663 = arith.muli %mul3A_662, %add3A_660 : vector<16xi32>
      %add3A_664 = vector.broadcast %sub3A_573 : i32 to vector<16xi32>
      %add3A_665 = arith.addi %add3A_664, %mul3A_663 : vector<16xi32>
      %swap3A_666 = arith.constant 1 : i32
      %swap3A_667 = arith.index_cast %swap3A_666 : i32 to index
      %swap3A_668 = arith.constant 96 : index
      %swap3A_669 = tpu.vector_load %arg7[%swap3A_667, %swap3A_668] {strides = array<i32>} : memref<10x128xi32, #tpu.memory_space<vmem>>, vector<1x16xi32>,
      %swap3A_670 = vector.shape_cast %swap3A_669 : vector<1x16xi32> to vector<16xi32>
      %swap3A_671 = vector.shape_cast %add3A_665 : vector<16xi32> to vector<1x16xi32>
      tpu.vector_store %arg7[%swap3A_667, %swap3A_668], %swap3A_671 {strides = array<i32>} : memref<10x128xi32, #tpu.memory_space<vmem>>, vector<1x16xi32>,
      %add3A_672 = arith.constant 112 : i32
      %add3A_673 = vector.broadcast %add3A_672 : i32 to vector<16xi32>
      %add3A_674 = arith.addi %iota3A, %add3A_673 : vector<16xi32>
      %mul3A_675 = arith.constant 2 : i32
      %mul3A_676 = vector.broadcast %mul3A_675 : i32 to vector<16xi32>
      %mul3A_677 = arith.muli %mul3A_676, %add3A_674 : vector<16xi32>
      %add3A_678 = vector.broadcast %sub3A_573 : i32 to vector<16xi32>
      %add3A_679 = arith.addi %add3A_678, %mul3A_677 : vector<16xi32>
      %swap3A_680 = arith.constant 1 : i32
      %swap3A_681 = arith.index_cast %swap3A_680 : i32 to index
      %swap3A_682 = arith.constant 112 : index
      %swap3A_683 = tpu.vector_load %arg7[%swap3A_681, %swap3A_682] {strides = array<i32>} : memref<10x128xi32, #tpu.memory_space<vmem>>, vector<1x16xi32>,
      %swap3A_684 = vector.shape_cast %swap3A_683 : vector<1x16xi32> to vector<16xi32>
      %swap3A_685 = vector.shape_cast %add3A_679 : vector<16xi32> to vector<1x16xi32>
      tpu.vector_store %arg7[%swap3A_681, %swap3A_682], %swap3A_685 {strides = array<i32>} : memref<10x128xi32, #tpu.memory_space<vmem>>, vector<1x16xi32>,
      %dma_start3A_686 = arith.constant 1 : i32
      %dma_start3A_687 = arith.constant 128 : i32
      %dma_start3A_688 = arith.constant 0 : i32
      %dma_start3A_689 = tpu.memref_slice %arg6[%dma_start3A_687, %dma_start3A_688] : memref<1280x64xf32, #tpu.memory_space<vmem>> -> memref<128x64xf32, #tpu.memory_space<vmem>>
      %dma_start3A_690 = arith.constant 0 : i32
      %dma_start3A_691 = tpu.memref_slice %arg7[%dma_start3A_686, %dma_start3A_690] : memref<10x128xi32, #tpu.memory_space<vmem>> -> memref<1x128xi32, #tpu.memory_space<vmem>>
      %dma_start3A_692 = tpu.memref_squeeze %dma_start3A_691 : memref<1x128xi32, #tpu.memory_space<vmem>> -> memref<128xi32, #tpu.memory_space<vmem>>
      %dma_start3A_693 = arith.constant 0 : i32
      %dma_start3A_694 = arith.constant 0 : i32
      %dma_start3A_695 = tpu.memref_slice %arg4[%dma_start3A_693, %dma_start3A_694] : memref<819200x64xf32, #tpu.memory_space<hbm>> -> memref<819200x64xf32, #tpu.memory_space<hbm>>
      tpu.enqueue_indirect_dma source(%dma_start3A_689 : memref<128x64xf32, #tpu.memory_space<vmem>>) target(%dma_start3A_695 : memref<819200x64xf32, #tpu.memory_space<hbm>>) offsets(%dma_start3A_692 : memref<128xi32, #tpu.memory_space<vmem>>) semaphore(%arg9 : memref<!tpu.dma_semaphore, #tpu.memory_space<semaphore_mem>>)
      %mul3A_696 = arith.constant 10 : i32
      %mul3A_697 = arith.muli %scan3A_109, %mul3A_696 : i32
      %add3A_698 = arith.addi %mul3A_4, %mul3A_697 : i32
      %add3A_699 = arith.constant 2 : i32
      %add3A_700 = arith.addi %add3A_698, %add3A_699 : i32
      %jit3A_701 = arith.constant 256 : i32
      %div3A_702 = arith.divsi %add3A_700, %jit3A_701 : i32
      %sign3A_703 = arith.constant 0 : i32
      %sign3A_704 = arith.cmpi sgt, %add3A_700, %sign3A_703 : i32
      %sign3A_705 = arith.extui %sign3A_704 : i1 to i32
      %sign3A_706 = arith.constant 0 : i32
      %sign3A_707 = arith.cmpi slt, %add3A_700, %sign3A_706 : i32
      %sign3A_708 = arith.extui %sign3A_707 : i1 to i32
      %sign3A_709 = arith.subi %sign3A_705, %sign3A_708 : i32
      %sign3A_710 = arith.constant 0 : i32
      %sign3A_711 = arith.cmpi sgt, %jit3A_701, %sign3A_710 : i32
      %sign3A_712 = arith.extui %sign3A_711 : i1 to i32
      %sign3A_713 = arith.constant 0 : i32
      %sign3A_714 = arith.cmpi slt, %jit3A_701, %sign3A_713 : i32
      %sign3A_715 = arith.extui %sign3A_714 : i1 to i32
      %sign3A_716 = arith.subi %sign3A_712, %sign3A_715 : i32
      %ne3A_717 = arith.cmpi ne, %sign3A_709, %sign3A_716 : i32
      %rem3A_718 = arith.remsi %add3A_700, %jit3A_701 : i32
      %ne3A_719 = arith.constant 0 : i32
      %ne3A_720 = arith.cmpi ne, %rem3A_718, %ne3A_719 : i32
      %and3A_721 = arith.andi %ne3A_717, %ne3A_720 : i1
      %sub3A_722 = arith.constant 1 : i32
      %sub3A_723 = arith.subi %div3A_702, %sub3A_722 : i32
      %select_n3A_724 = arith.select %and3A_721, %sub3A_723, %div3A_702 : i32
      %jit3A_725 = arith.constant 8 : i32
      %div3A_726 = arith.divsi %add3A_700, %jit3A_725 : i32
      %sign3A_727 = arith.constant 0 : i32
      %sign3A_728 = arith.cmpi sgt, %add3A_700, %sign3A_727 : i32
      %sign3A_729 = arith.extui %sign3A_728 : i1 to i32
      %sign3A_730 = arith.constant 0 : i32
      %sign3A_731 = arith.cmpi slt, %add3A_700, %sign3A_730 : i32
      %sign3A_732 = arith.extui %sign3A_731 : i1 to i32
      %sign3A_733 = arith.subi %sign3A_729, %sign3A_732 : i32
      %sign3A_734 = arith.constant 0 : i32
      %sign3A_735 = arith.cmpi sgt, %jit3A_725, %sign3A_734 : i32
      %sign3A_736 = arith.extui %sign3A_735 : i1 to i32
      %sign3A_737 = arith.constant 0 : i32
      %sign3A_738 = arith.cmpi slt, %jit3A_725, %sign3A_737 : i32
      %sign3A_739 = arith.extui %sign3A_738 : i1 to i32
      %sign3A_740 = arith.subi %sign3A_736, %sign3A_739 : i32
      %ne3A_741 = arith.cmpi ne, %sign3A_733, %sign3A_740 : i32
      %rem3A_742 = arith.remsi %add3A_700, %jit3A_725 : i32
      %ne3A_743 = arith.constant 0 : i32
      %ne3A_744 = arith.cmpi ne, %rem3A_742, %ne3A_743 : i32
      %and3A_745 = arith.andi %ne3A_741, %ne3A_744 : i1
      %sub3A_746 = arith.constant 1 : i32
      %sub3A_747 = arith.subi %div3A_726, %sub3A_746 : i32
      %select_n3A_748 = arith.select %and3A_745, %sub3A_747, %div3A_726 : i32
      %rem3A_749 = arith.constant 32 : i32
      %rem3A_750 = arith.remsi %select_n3A_748, %rem3A_749 : i32
      %rem3A_751 = arith.constant 8 : i32
      %rem3A_752 = arith.remsi %add3A_700, %rem3A_751 : i32
      %mul3A_753 = arith.constant 8 : i32
      %mul3A_754 = arith.muli %select_n3A_724, %mul3A_753 : i32
      %add3A_755 = arith.addi %mul3A_754, %rem3A_752 : i32
      %mul3A_756 = arith.constant 128 : i32
      %mul3A_757 = arith.muli %rem3A_750, %mul3A_756 : i32
      %jit3A_758 = arith.constant 16 : i32
      %div3A_759 = arith.divsi %rem3A_750, %jit3A_758 : i32
      %sign3A_760 = arith.constant 0 : i32
      %sign3A_761 = arith.cmpi sgt, %rem3A_750, %sign3A_760 : i32
      %sign3A_762 = arith.extui %sign3A_761 : i1 to i32
      %sign3A_763 = arith.constant 0 : i32
      %sign3A_764 = arith.cmpi slt, %rem3A_750, %sign3A_763 : i32
      %sign3A_765 = arith.extui %sign3A_764 : i1 to i32
      %sign3A_766 = arith.subi %sign3A_762, %sign3A_765 : i32
      %sign3A_767 = arith.constant 0 : i32
      %sign3A_768 = arith.cmpi sgt, %jit3A_758, %sign3A_767 : i32
      %sign3A_769 = arith.extui %sign3A_768 : i1 to i32
      %sign3A_770 = arith.constant 0 : i32
      %sign3A_771 = arith.cmpi slt, %jit3A_758, %sign3A_770 : i32
      %sign3A_772 = arith.extui %sign3A_771 : i1 to i32
      %sign3A_773 = arith.subi %sign3A_769, %sign3A_772 : i32
      %ne3A_774 = arith.cmpi ne, %sign3A_766, %sign3A_773 : i32
      %rem3A_775 = arith.remsi %rem3A_750, %jit3A_758 : i32
      %ne3A_776 = arith.constant 0 : i32
      %ne3A_777 = arith.cmpi ne, %rem3A_775, %ne3A_776 : i32
      %and3A_778 = arith.andi %ne3A_774, %ne3A_777 : i1
      %sub3A_779 = arith.constant 1 : i32
      %sub3A_780 = arith.subi %div3A_759, %sub3A_779 : i32
      %select_n3A_781 = arith.select %and3A_778, %sub3A_780, %div3A_759 : i32
      %mul3A_782 = arith.constant 4096 : i32
      %mul3A_783 = arith.muli %add3A_755, %mul3A_782 : i32
      %mul3A_784 = arith.constant 2 : i32
      %mul3A_785 = arith.muli %mul3A_784, %mul3A_757 : i32
      %add3A_786 = arith.addi %mul3A_783, %mul3A_785 : i32
      %mul3A_787 = arith.constant 4095 : i32
      %mul3A_788 = arith.muli %select_n3A_781, %mul3A_787 : i32
      %sub3A_789 = arith.subi %add3A_786, %mul3A_788 : i32
      %add3A_790 = arith.constant 0 : i32
      %add3A_791 = vector.broadcast %add3A_790 : i32 to vector<16xi32>
      %add3A_792 = arith.addi %iota3A, %add3A_791 : vector<16xi32>
      %mul3A_793 = arith.constant 2 : i32
      %mul3A_794 = vector.broadcast %mul3A_793 : i32 to vector<16xi32>
      %mul3A_795 = arith.muli %mul3A_794, %add3A_792 : vector<16xi32>
      %add3A_796 = vector.broadcast %sub3A_789 : i32 to vector<16xi32>
      %add3A_797 = arith.addi %add3A_796, %mul3A_795 : vector<16xi32>
      %swap3A_798 = arith.constant 2 : i32
      %swap3A_799 = arith.index_cast %swap3A_798 : i32 to index
      %swap3A_800 = arith.constant 0 : index
      %swap3A_801 = tpu.vector_load %arg7[%swap3A_799, %swap3A_800] {strides = array<i32>} : memref<10x128xi32, #tpu.memory_space<vmem>>, vector<1x16xi32>,
      %swap3A_802 = vector.shape_cast %swap3A_801 : vector<1x16xi32> to vector<16xi32>
      %swap3A_803 = vector.shape_cast %add3A_797 : vector<16xi32> to vector<1x16xi32>
      tpu.vector_store %arg7[%swap3A_799, %swap3A_800], %swap3A_803 {strides = array<i32>} : memref<10x128xi32, #tpu.memory_space<vmem>>, vector<1x16xi32>,
      %add3A_804 = arith.constant 16 : i32
      %add3A_805 = vector.broadcast %add3A_804 : i32 to vector<16xi32>
      %add3A_806 = arith.addi %iota3A, %add3A_805 : vector<16xi32>
      %mul3A_807 = arith.constant 2 : i32
      %mul3A_808 = vector.broadcast %mul3A_807 : i32 to vector<16xi32>
      %mul3A_809 = arith.muli %mul3A_808, %add3A_806 : vector<16xi32>
      %add3A_810 = vector.broadcast %sub3A_789 : i32 to vector<16xi32>
      %add3A_811 = arith.addi %add3A_810, %mul3A_809 : vector<16xi32>
      %swap3A_812 = arith.constant 2 : i32
      %swap3A_813 = arith.index_cast %swap3A_812 : i32 to index
      %swap3A_814 = arith.constant 16 : index
      %swap3A_815 = tpu.vector_load %arg7[%swap3A_813, %swap3A_814] {strides = array<i32>} : memref<10x128xi32, #tpu.memory_space<vmem>>, vector<1x16xi32>,
      %swap3A_816 = vector.shape_cast %swap3A_815 : vector<1x16xi32> to vector<16xi32>
      %swap3A_817 = vector.shape_cast %add3A_811 : vector<16xi32> to vector<1x16xi32>
      tpu.vector_store %arg7[%swap3A_813, %swap3A_814], %swap3A_817 {strides = array<i32>} : memref<10x128xi32, #tpu.memory_space<vmem>>, vector<1x16xi32>,
      %add3A_818 = arith.constant 32 : i32
      %add3A_819 = vector.broadcast %add3A_818 : i32 to vector<16xi32>
      %add3A_820 = arith.addi %iota3A, %add3A_819 : vector<16xi32>
      %mul3A_821 = arith.constant 2 : i32
      %mul3A_822 = vector.broadcast %mul3A_821 : i32 to vector<16xi32>
      %mul3A_823 = arith.muli %mul3A_822, %add3A_820 : vector<16xi32>
      %add3A_824 = vector.broadcast %sub3A_789 : i32 to vector<16xi32>
      %add3A_825 = arith.addi %add3A_824, %mul3A_823 : vector<16xi32>
      %swap3A_826 = arith.constant 2 : i32
      %swap3A_827 = arith.index_cast %swap3A_826 : i32 to index
      %swap3A_828 = arith.constant 32 : index
      %swap3A_829 = tpu.vector_load %arg7[%swap3A_827, %swap3A_828] {strides = array<i32>} : memref<10x128xi32, #tpu.memory_space<vmem>>, vector<1x16xi32>,
      %swap3A_830 = vector.shape_cast %swap3A_829 : vector<1x16xi32> to vector<16xi32>
      %swap3A_831 = vector.shape_cast %add3A_825 : vector<16xi32> to vector<1x16xi32>
      tpu.vector_store %arg7[%swap3A_827, %swap3A_828], %swap3A_831 {strides = array<i32>} : memref<10x128xi32, #tpu.memory_space<vmem>>, vector<1x16xi32>,
      %add3A_832 = arith.constant 48 : i32
      %add3A_833 = vector.broadcast %add3A_832 : i32 to vector<16xi32>
      %add3A_834 = arith.addi %iota3A, %add3A_833 : vector<16xi32>
      %mul3A_835 = arith.constant 2 : i32
      %mul3A_836 = vector.broadcast %mul3A_835 : i32 to vector<16xi32>
      %mul3A_837 = arith.muli %mul3A_836, %add3A_834 : vector<16xi32>
      %add3A_838 = vector.broadcast %sub3A_789 : i32 to vector<16xi32>
      %add3A_839 = arith.addi %add3A_838, %mul3A_837 : vector<16xi32>
      %swap3A_840 = arith.constant 2 : i32
      %swap3A_841 = arith.index_cast %swap3A_840 : i32 to index
      %swap3A_842 = arith.constant 48 : index
      %swap3A_843 = tpu.vector_load %arg7[%swap3A_841, %swap3A_842] {strides = array<i32>} : memref<10x128xi32, #tpu.memory_space<vmem>>, vector<1x16xi32>,
      %swap3A_844 = vector.shape_cast %swap3A_843 : vector<1x16xi32> to vector<16xi32>
      %swap3A_845 = vector.shape_cast %add3A_839 : vector<16xi32> to vector<1x16xi32>
      tpu.vector_store %arg7[%swap3A_841, %swap3A_842], %swap3A_845 {strides = array<i32>} : memref<10x128xi32, #tpu.memory_space<vmem>>, vector<1x16xi32>,
      %add3A_846 = arith.constant 64 : i32
      %add3A_847 = vector.broadcast %add3A_846 : i32 to vector<16xi32>
      %add3A_848 = arith.addi %iota3A, %add3A_847 : vector<16xi32>
      %mul3A_849 = arith.constant 2 : i32
      %mul3A_850 = vector.broadcast %mul3A_849 : i32 to vector<16xi32>
      %mul3A_851 = arith.muli %mul3A_850, %add3A_848 : vector<16xi32>
      %add3A_852 = vector.broadcast %sub3A_789 : i32 to vector<16xi32>
      %add3A_853 = arith.addi %add3A_852, %mul3A_851 : vector<16xi32>
      %swap3A_854 = arith.constant 2 : i32
      %swap3A_855 = arith.index_cast %swap3A_854 : i32 to index
      %swap3A_856 = arith.constant 64 : index
      %swap3A_857 = tpu.vector_load %arg7[%swap3A_855, %swap3A_856] {strides = array<i32>} : memref<10x128xi32, #tpu.memory_space<vmem>>, vector<1x16xi32>,
      %swap3A_858 = vector.shape_cast %swap3A_857 : vector<1x16xi32> to vector<16xi32>
      %swap3A_859 = vector.shape_cast %add3A_853 : vector<16xi32> to vector<1x16xi32>
      tpu.vector_store %arg7[%swap3A_855, %swap3A_856], %swap3A_859 {strides = array<i32>} : memref<10x128xi32, #tpu.memory_space<vmem>>, vector<1x16xi32>,
      %add3A_860 = arith.constant 80 : i32
      %add3A_861 = vector.broadcast %add3A_860 : i32 to vector<16xi32>
      %add3A_862 = arith.addi %iota3A, %add3A_861 : vector<16xi32>
      %mul3A_863 = arith.constant 2 : i32
      %mul3A_864 = vector.broadcast %mul3A_863 : i32 to vector<16xi32>
      %mul3A_865 = arith.muli %mul3A_864, %add3A_862 : vector<16xi32>
      %add3A_866 = vector.broadcast %sub3A_789 : i32 to vector<16xi32>
      %add3A_867 = arith.addi %add3A_866, %mul3A_865 : vector<16xi32>
      %swap3A_868 = arith.constant 2 : i32
      %swap3A_869 = arith.index_cast %swap3A_868 : i32 to index
      %swap3A_870 = arith.constant 80 : index
      %swap3A_871 = tpu.vector_load %arg7[%swap3A_869, %swap3A_870] {strides = array<i32>} : memref<10x128xi32, #tpu.memory_space<vmem>>, vector<1x16xi32>,
      %swap3A_872 = vector.shape_cast %swap3A_871 : vector<1x16xi32> to vector<16xi32>
      %swap3A_873 = vector.shape_cast %add3A_867 : vector<16xi32> to vector<1x16xi32>
      tpu.vector_store %arg7[%swap3A_869, %swap3A_870], %swap3A_873 {strides = array<i32>} : memref<10x128xi32, #tpu.memory_space<vmem>>, vector<1x16xi32>,
      %add3A_874 = arith.constant 96 : i32
      %add3A_875 = vector.broadcast %add3A_874 : i32 to vector<16xi32>
      %add3A_876 = arith.addi %iota3A, %add3A_875 : vector<16xi32>
      %mul3A_877 = arith.constant 2 : i32
      %mul3A_878 = vector.broadcast %mul3A_877 : i32 to vector<16xi32>
      %mul3A_879 = arith.muli %mul3A_878, %add3A_876 : vector<16xi32>
      %add3A_880 = vector.broadcast %sub3A_789 : i32 to vector<16xi32>
      %add3A_881 = arith.addi %add3A_880, %mul3A_879 : vector<16xi32>
      %swap3A_882 = arith.constant 2 : i32
      %swap3A_883 = arith.index_cast %swap3A_882 : i32 to index
      %swap3A_884 = arith.constant 96 : index
      %swap3A_885 = tpu.vector_load %arg7[%swap3A_883, %swap3A_884] {strides = array<i32>} : memref<10x128xi32, #tpu.memory_space<vmem>>, vector<1x16xi32>,
      %swap3A_886 = vector.shape_cast %swap3A_885 : vector<1x16xi32> to vector<16xi32>
      %swap3A_887 = vector.shape_cast %add3A_881 : vector<16xi32> to vector<1x16xi32>
      tpu.vector_store %arg7[%swap3A_883, %swap3A_884], %swap3A_887 {strides = array<i32>} : memref<10x128xi32, #tpu.memory_space<vmem>>, vector<1x16xi32>,
      %add3A_888 = arith.constant 112 : i32
      %add3A_889 = vector.broadcast %add3A_888 : i32 to vector<16xi32>
      %add3A_890 = arith.addi %iota3A, %add3A_889 : vector<16xi32>
      %mul3A_891 = arith.constant 2 : i32
      %mul3A_892 = vector.broadcast %mul3A_891 : i32 to vector<16xi32>
      %mul3A_893 = arith.muli %mul3A_892, %add3A_890 : vector<16xi32>
      %add3A_894 = vector.broadcast %sub3A_789 : i32 to vector<16xi32>
      %add3A_895 = arith.addi %add3A_894, %mul3A_893 : vector<16xi32>
      %swap3A_896 = arith.constant 2 : i32
      %swap3A_897 = arith.index_cast %swap3A_896 : i32 to index
      %swap3A_898 = arith.constant 112 : index
      %swap3A_899 = tpu.vector_load %arg7[%swap3A_897, %swap3A_898] {strides = array<i32>} : memref<10x128xi32, #tpu.memory_space<vmem>>, vector<1x16xi32>,
      %swap3A_900 = vector.shape_cast %swap3A_899 : vector<1x16xi32> to vector<16xi32>
      %swap3A_901 = vector.shape_cast %add3A_895 : vector<16xi32> to vector<1x16xi32>
      tpu.vector_store %arg7[%swap3A_897, %swap3A_898], %swap3A_901 {strides = array<i32>} : memref<10x128xi32, #tpu.memory_space<vmem>>, vector<1x16xi32>,
      %dma_start3A_902 = arith.constant 2 : i32
      %dma_start3A_903 = arith.constant 256 : i32
      %dma_start3A_904 = arith.constant 0 : i32
      %dma_start3A_905 = tpu.memref_slice %arg6[%dma_start3A_903, %dma_start3A_904] : memref<1280x64xf32, #tpu.memory_space<vmem>> -> memref<128x64xf32, #tpu.memory_space<vmem>>
      %dma_start3A_906 = arith.constant 0 : i32
      %dma_start3A_907 = tpu.memref_slice %arg7[%dma_start3A_902, %dma_start3A_906] : memref<10x128xi32, #tpu.memory_space<vmem>> -> memref<1x128xi32, #tpu.memory_space<vmem>>
      %dma_start3A_908 = tpu.memref_squeeze %dma_start3A_907 : memref<1x128xi32, #tpu.memory_space<vmem>> -> memref<128xi32, #tpu.memory_space<vmem>>
      %dma_start3A_909 = arith.constant 0 : i32
      %dma_start3A_910 = arith.constant 0 : i32
      %dma_start3A_911 = tpu.memref_slice %arg4[%dma_start3A_909, %dma_start3A_910] : memref<819200x64xf32, #tpu.memory_space<hbm>> -> memref<819200x64xf32, #tpu.memory_space<hbm>>
      tpu.enqueue_indirect_dma source(%dma_start3A_905 : memref<128x64xf32, #tpu.memory_space<vmem>>) target(%dma_start3A_911 : memref<819200x64xf32, #tpu.memory_space<hbm>>) offsets(%dma_start3A_908 : memref<128xi32, #tpu.memory_space<vmem>>) semaphore(%arg9 : memref<!tpu.dma_semaphore, #tpu.memory_space<semaphore_mem>>)
      %mul3A_912 = arith.constant 10 : i32
      %mul3A_913 = arith.muli %scan3A_109, %mul3A_912 : i32
      %add3A_914 = arith.addi %mul3A_4, %mul3A_913 : i32
      %add3A_915 = arith.constant 3 : i32
      %add3A_916 = arith.addi %add3A_914, %add3A_915 : i32
      %jit3A_917 = arith.constant 256 : i32
      %div3A_918 = arith.divsi %add3A_916, %jit3A_917 : i32
      %sign3A_919 = arith.constant 0 : i32
      %sign3A_920 = arith.cmpi sgt, %add3A_916, %sign3A_919 : i32
      %sign3A_921 = arith.extui %sign3A_920 : i1 to i32
      %sign3A_922 = arith.constant 0 : i32
      %sign3A_923 = arith.cmpi slt, %add3A_916, %sign3A_922 : i32
      %sign3A_924 = arith.extui %sign3A_923 : i1 to i32
      %sign3A_925 = arith.subi %sign3A_921, %sign3A_924 : i32
      %sign3A_926 = arith.constant 0 : i32
      %sign3A_927 = arith.cmpi sgt, %jit3A_917, %sign3A_926 : i32
      %sign3A_928 = arith.extui %sign3A_927 : i1 to i32
      %sign3A_929 = arith.constant 0 : i32
      %sign3A_930 = arith.cmpi slt, %jit3A_917, %sign3A_929 : i32
      %sign3A_931 = arith.extui %sign3A_930 : i1 to i32
      %sign3A_932 = arith.subi %sign3A_928, %sign3A_931 : i32
      %ne3A_933 = arith.cmpi ne, %sign3A_925, %sign3A_932 : i32
      %rem3A_934 = arith.remsi %add3A_916, %jit3A_917 : i32
      %ne3A_935 = arith.constant 0 : i32
      %ne3A_936 = arith.cmpi ne, %rem3A_934, %ne3A_935 : i32
      %and3A_937 = arith.andi %ne3A_933, %ne3A_936 : i1
      %sub3A_938 = arith.constant 1 : i32
      %sub3A_939 = arith.subi %div3A_918, %sub3A_938 : i32
      %select_n3A_940 = arith.select %and3A_937, %sub3A_939, %div3A_918 : i32
      %jit3A_941 = arith.constant 8 : i32
      %div3A_942 = arith.divsi %add3A_916, %jit3A_941 : i32
      %sign3A_943 = arith.constant 0 : i32
      %sign3A_944 = arith.cmpi sgt, %add3A_916, %sign3A_943 : i32
      %sign3A_945 = arith.extui %sign3A_944 : i1 to i32
      %sign3A_946 = arith.constant 0 : i32
      %sign3A_947 = arith.cmpi slt, %add3A_916, %sign3A_946 : i32
      %sign3A_948 = arith.extui %sign3A_947 : i1 to i32
      %sign3A_949 = arith.subi %sign3A_945, %sign3A_948 : i32
      %sign3A_950 = arith.constant 0 : i32
      %sign3A_951 = arith.cmpi sgt, %jit3A_941, %sign3A_950 : i32
      %sign3A_952 = arith.extui %sign3A_951 : i1 to i32
      %sign3A_953 = arith.constant 0 : i32
      %sign3A_954 = arith.cmpi slt, %jit3A_941, %sign3A_953 : i32
      %sign3A_955 = arith.extui %sign3A_954 : i1 to i32
      %sign3A_956 = arith.subi %sign3A_952, %sign3A_955 : i32
      %ne3A_957 = arith.cmpi ne, %sign3A_949, %sign3A_956 : i32
      %rem3A_958 = arith.remsi %add3A_916, %jit3A_941 : i32
      %ne3A_959 = arith.constant 0 : i32
      %ne3A_960 = arith.cmpi ne, %rem3A_958, %ne3A_959 : i32
      %and3A_961 = arith.andi %ne3A_957, %ne3A_960 : i1
      %sub3A_962 = arith.constant 1 : i32
      %sub3A_963 = arith.subi %div3A_942, %sub3A_962 : i32
      %select_n3A_964 = arith.select %and3A_961, %sub3A_963, %div3A_942 : i32
      %rem3A_965 = arith.constant 32 : i32
      %rem3A_966 = arith.remsi %select_n3A_964, %rem3A_965 : i32
      %rem3A_967 = arith.constant 8 : i32
      %rem3A_968 = arith.remsi %add3A_916, %rem3A_967 : i32
      %mul3A_969 = arith.constant 8 : i32
      %mul3A_970 = arith.muli %select_n3A_940, %mul3A_969 : i32
      %add3A_971 = arith.addi %mul3A_970, %rem3A_968 : i32
      %mul3A_972 = arith.constant 128 : i32
      %mul3A_973 = arith.muli %rem3A_966, %mul3A_972 : i32
      %jit3A_974 = arith.constant 16 : i32
      %div3A_975 = arith.divsi %rem3A_966, %jit3A_974 : i32
      %sign3A_976 = arith.constant 0 : i32
      %sign3A_977 = arith.cmpi sgt, %rem3A_966, %sign3A_976 : i32
      %sign3A_978 = arith.extui %sign3A_977 : i1 to i32
      %sign3A_979 = arith.constant 0 : i32
      %sign3A_980 = arith.cmpi slt, %rem3A_966, %sign3A_979 : i32
      %sign3A_981 = arith.extui %sign3A_980 : i1 to i32
      %sign3A_982 = arith.subi %sign3A_978, %sign3A_981 : i32
      %sign3A_983 = arith.constant 0 : i32
      %sign3A_984 = arith.cmpi sgt, %jit3A_974, %sign3A_983 : i32
      %sign3A_985 = arith.extui %sign3A_984 : i1 to i32
      %sign3A_986 = arith.constant 0 : i32
      %sign3A_987 = arith.cmpi slt, %jit3A_974, %sign3A_986 : i32
      %sign3A_988 = arith.extui %sign3A_987 : i1 to i32
      %sign3A_989 = arith.subi %sign3A_985, %sign3A_988 : i32
      %ne3A_990 = arith.cmpi ne, %sign3A_982, %sign3A_989 : i32
      %rem3A_991 = arith.remsi %rem3A_966, %jit3A_974 : i32
      %ne3A_992 = arith.constant 0 : i32
      %ne3A_993 = arith.cmpi ne, %rem3A_991, %ne3A_992 : i32
      %and3A_994 = arith.andi %ne3A_990, %ne3A_993 : i1
      %sub3A_995 = arith.constant 1 : i32
      %sub3A_996 = arith.subi %div3A_975, %sub3A_995 : i32
      %select_n3A_997 = arith.select %and3A_994, %sub3A_996, %div3A_975 : i32
      %mul3A_998 = arith.constant 4096 : i32
      %mul3A_999 = arith.muli %add3A_971, %mul3A_998 : i32
      %mul3A_1000 = arith.constant 2 : i32
      %mul3A_1001 = arith.muli %mul3A_1000, %mul3A_973 : i32
      %add3A_1002 = arith.addi %mul3A_999, %mul3A_1001 : i32
      %mul3A_1003 = arith.constant 4095 : i32
      %mul3A_1004 = arith.muli %select_n3A_997, %mul3A_1003 : i32
      %sub3A_1005 = arith.subi %add3A_1002, %mul3A_1004 : i32
      %add3A_1006 = arith.constant 0 : i32
      %add3A_1007 = vector.broadcast %add3A_1006 : i32 to vector<16xi32>
      %add3A_1008 = arith.addi %iota3A, %add3A_1007 : vector<16xi32>
      %mul3A_1009 = arith.constant 2 : i32
      %mul3A_1010 = vector.broadcast %mul3A_1009 : i32 to vector<16xi32>
      %mul3A_1011 = arith.muli %mul3A_1010, %add3A_1008 : vector<16xi32>
      %add3A_1012 = vector.broadcast %sub3A_1005 : i32 to vector<16xi32>
      %add3A_1013 = arith.addi %add3A_1012, %mul3A_1011 : vector<16xi32>
      %swap3A_1014 = arith.constant 3 : i32
      %swap3A_1015 = arith.index_cast %swap3A_1014 : i32 to index
      %swap3A_1016 = arith.constant 0 : index
      %swap3A_1017 = tpu.vector_load %arg7[%swap3A_1015, %swap3A_1016] {strides = array<i32>} : memref<10x128xi32, #tpu.memory_space<vmem>>, vector<1x16xi32>,
      %swap3A_1018 = vector.shape_cast %swap3A_1017 : vector<1x16xi32> to vector<16xi32>
      %swap3A_1019 = vector.shape_cast %add3A_1013 : vector<16xi32> to vector<1x16xi32>
      tpu.vector_store %arg7[%swap3A_1015, %swap3A_1016], %swap3A_1019 {strides = array<i32>} : memref<10x128xi32, #tpu.memory_space<vmem>>, vector<1x16xi32>,
      %add3A_1020 = arith.constant 16 : i32
      %add3A_1021 = vector.broadcast %add3A_1020 : i32 to vector<16xi32>
      %add3A_1022 = arith.addi %iota3A, %add3A_1021 : vector<16xi32>
      %mul3A_1023 = arith.constant 2 : i32
      %mul3A_1024 = vector.broadcast %mul3A_1023 : i32 to vector<16xi32>
      %mul3A_1025 = arith.muli %mul3A_1024, %add3A_1022 : vector<16xi32>
      %add3A_1026 = vector.broadcast %sub3A_1005 : i32 to vector<16xi32>
      %add3A_1027 = arith.addi %add3A_1026, %mul3A_1025 : vector<16xi32>
      %swap3A_1028 = arith.constant 3 : i32
      %swap3A_1029 = arith.index_cast %swap3A_1028 : i32 to index
      %swap3A_1030 = arith.constant 16 : index
      %swap3A_1031 = tpu.vector_load %arg7[%swap3A_1029, %swap3A_1030] {strides = array<i32>} : memref<10x128xi32, #tpu.memory_space<vmem>>, vector<1x16xi32>,
      %swap3A_1032 = vector.shape_cast %swap3A_1031 : vector<1x16xi32> to vector<16xi32>
      %swap3A_1033 = vector.shape_cast %add3A_1027 : vector<16xi32> to vector<1x16xi32>
      tpu.vector_store %arg7[%swap3A_1029, %swap3A_1030], %swap3A_1033 {strides = array<i32>} : memref<10x128xi32, #tpu.memory_space<vmem>>, vector<1x16xi32>,
      %add3A_1034 = arith.constant 32 : i32
      %add3A_1035 = vector.broadcast %add3A_1034 : i32 to vector<16xi32>
      %add3A_1036 = arith.addi %iota3A, %add3A_1035 : vector<16xi32>
      %mul3A_1037 = arith.constant 2 : i32
      %mul3A_1038 = vector.broadcast %mul3A_1037 : i32 to vector<16xi32>
      %mul3A_1039 = arith.muli %mul3A_1038, %add3A_1036 : vector<16xi32>
      %add3A_1040 = vector.broadcast %sub3A_1005 : i32 to vector<16xi32>
      %add3A_1041 = arith.addi %add3A_1040, %mul3A_1039 : vector<16xi32>
      %swap3A_1042 = arith.constant 3 : i32
      %swap3A_1043 = arith.index_cast %swap3A_1042 : i32 to index
      %swap3A_1044 = arith.constant 32 : index
      %swap3A_1045 = tpu.vector_load %arg7[%swap3A_1043, %swap3A_1044] {strides = array<i32>} : memref<10x128xi32, #tpu.memory_space<vmem>>, vector<1x16xi32>,
      %swap3A_1046 = vector.shape_cast %swap3A_1045 : vector<1x16xi32> to vector<16xi32>
      %swap3A_1047 = vector.shape_cast %add3A_1041 : vector<16xi32> to vector<1x16xi32>
      tpu.vector_store %arg7[%swap3A_1043, %swap3A_1044], %swap3A_1047 {strides = array<i32>} : memref<10x128xi32, #tpu.memory_space<vmem>>, vector<1x16xi32>,
      %add3A_1048 = arith.constant 48 : i32
      %add3A_1049 = vector.broadcast %add3A_1048 : i32 to vector<16xi32>
      %add3A_1050 = arith.addi %iota3A, %add3A_1049 : vector<16xi32>
      %mul3A_1051 = arith.constant 2 : i32
      %mul3A_1052 = vector.broadcast %mul3A_1051 : i32 to vector<16xi32>
      %mul3A_1053 = arith.muli %mul3A_1052, %add3A_1050 : vector<16xi32>
      %add3A_1054 = vector.broadcast %sub3A_1005 : i32 to vector<16xi32>
      %add3A_1055 = arith.addi %add3A_1054, %mul3A_1053 : vector<16xi32>
      %swap3A_1056 = arith.constant 3 : i32
      %swap3A_1057 = arith.index_cast %swap3A_1056 : i32 to index
      %swap3A_1058 = arith.constant 48 : index
      %swap3A_1059 = tpu.vector_load %arg7[%swap3A_1057, %swap3A_1058] {strides = array<i32>} : memref<10x128xi32, #tpu.memory_space<vmem>>, vector<1x16xi32>,
      %swap3A_1060 = vector.shape_cast %swap3A_1059 : vector<1x16xi32> to vector<16xi32>
      %swap3A_1061 = vector.shape_cast %add3A_1055 : vector<16xi32> to vector<1x16xi32>
      tpu.vector_store %arg7[%swap3A_1057, %swap3A_1058], %swap3A_1061 {strides = array<i32>} : memref<10x128xi32, #tpu.memory_space<vmem>>, vector<1x16xi32>,
      %add3A_1062 = arith.constant 64 : i32
      %add3A_1063 = vector.broadcast %add3A_1062 : i32 to vector<16xi32>
      %add3A_1064 = arith.addi %iota3A, %add3A_1063 : vector<16xi32>
      %mul3A_1065 = arith.constant 2 : i32
      %mul3A_1066 = vector.broadcast %mul3A_1065 : i32 to vector<16xi32>
      %mul3A_1067 = arith.muli %mul3A_1066, %add3A_1064 : vector<16xi32>
      %add3A_1068 = vector.broadcast %sub3A_1005 : i32 to vector<16xi32>
      %add3A_1069 = arith.addi %add3A_1068, %mul3A_1067 : vector<16xi32>
      %swap3A_1070 = arith.constant 3 : i32
      %swap3A_1071 = arith.index_cast %swap3A_1070 : i32 to index
      %swap3A_1072 = arith.constant 64 : index
      %swap3A_1073 = tpu.vector_load %arg7[%swap3A_1071, %swap3A_1072] {strides = array<i32>} : memref<10x128xi32, #tpu.memory_space<vmem>>, vector<1x16xi32>,
      %swap3A_1074 = vector.shape_cast %swap3A_1073 : vector<1x16xi32> to vector<16xi32>
      %swap3A_1075 = vector.shape_cast %add3A_1069 : vector<16xi32> to vector<1x16xi32>
      tpu.vector_store %arg7[%swap3A_1071, %swap3A_1072], %swap3A_1075 {strides = array<i32>} : memref<10x128xi32, #tpu.memory_space<vmem>>, vector<1x16xi32>,
      %add3A_1076 = arith.constant 80 : i32
      %add3A_1077 = vector.broadcast %add3A_1076 : i32 to vector<16xi32>
      %add3A_1078 = arith.addi %iota3A, %add3A_1077 : vector<16xi32>
      %mul3A_1079 = arith.constant 2 : i32
      %mul3A_1080 = vector.broadcast %mul3A_1079 : i32 to vector<16xi32>
      %mul3A_1081 = arith.muli %mul3A_1080, %add3A_1078 : vector<16xi32>
      %add3A_1082 = vector.broadcast %sub3A_1005 : i32 to vector<16xi32>
      %add3A_1083 = arith.addi %add3A_1082, %mul3A_1081 : vector<16xi32>
      %swap3A_1084 = arith.constant 3 : i32
      %swap3A_1085 = arith.index_cast %swap3A_1084 : i32 to index
      %swap3A_1086 = arith.constant 80 : index
      %swap3A_1087 = tpu.vector_load %arg7[%swap3A_1085, %swap3A_1086] {strides = array<i32>} : memref<10x128xi32, #tpu.memory_space<vmem>>, vector<1x16xi32>,
      %swap3A_1088 = vector.shape_cast %swap3A_1087 : vector<1x16xi32> to vector<16xi32>
      %swap3A_1089 = vector.shape_cast %add3A_1083 : vector<16xi32> to vector<1x16xi32>
      tpu.vector_store %arg7[%swap3A_1085, %swap3A_1086], %swap3A_1089 {strides = array<i32>} : memref<10x128xi32, #tpu.memory_space<vmem>>, vector<1x16xi32>,
      %add3A_1090 = arith.constant 96 : i32
      %add3A_1091 = vector.broadcast %add3A_1090 : i32 to vector<16xi32>
      %add3A_1092 = arith.addi %iota3A, %add3A_1091 : vector<16xi32>
      %mul3A_1093 = arith.constant 2 : i32
      %mul3A_1094 = vector.broadcast %mul3A_1093 : i32 to vector<16xi32>
      %mul3A_1095 = arith.muli %mul3A_1094, %add3A_1092 : vector<16xi32>
      %add3A_1096 = vector.broadcast %sub3A_1005 : i32 to vector<16xi32>
      %add3A_1097 = arith.addi %add3A_1096, %mul3A_1095 : vector<16xi32>
      %swap3A_1098 = arith.constant 3 : i32
      %swap3A_1099 = arith.index_cast %swap3A_1098 : i32 to index
      %swap3A_1100 = arith.constant 96 : index
      %swap3A_1101 = tpu.vector_load %arg7[%swap3A_1099, %swap3A_1100] {strides = array<i32>} : memref<10x128xi32, #tpu.memory_space<vmem>>, vector<1x16xi32>,
      %swap3A_1102 = vector.shape_cast %swap3A_1101 : vector<1x16xi32> to vector<16xi32>
      %swap3A_1103 = vector.shape_cast %add3A_1097 : vector<16xi32> to vector<1x16xi32>
      tpu.vector_store %arg7[%swap3A_1099, %swap3A_1100], %swap3A_1103 {strides = array<i32>} : memref<10x128xi32, #tpu.memory_space<vmem>>, vector<1x16xi32>,
      %add3A_1104 = arith.constant 112 : i32
      %add3A_1105 = vector.broadcast %add3A_1104 : i32 to vector<16xi32>
      %add3A_1106 = arith.addi %iota3A, %add3A_1105 : vector<16xi32>
      %mul3A_1107 = arith.constant 2 : i32
      %mul3A_1108 = vector.broadcast %mul3A_1107 : i32 to vector<16xi32>
      %mul3A_1109 = arith.muli %mul3A_1108, %add3A_1106 : vector<16xi32>
      %add3A_1110 = vector.broadcast %sub3A_1005 : i32 to vector<16xi32>
      %add3A_1111 = arith.addi %add3A_1110, %mul3A_1109 : vector<16xi32>
      %swap3A_1112 = arith.constant 3 : i32
      %swap3A_1113 = arith.index_cast %swap3A_1112 : i32 to index
      %swap3A_1114 = arith.constant 112 : index
      %swap3A_1115 = tpu.vector_load %arg7[%swap3A_1113, %swap3A_1114] {strides = array<i32>} : memref<10x128xi32, #tpu.memory_space<vmem>>, vector<1x16xi32>,
      %swap3A_1116 = vector.shape_cast %swap3A_1115 : vector<1x16xi32> to vector<16xi32>
      %swap3A_1117 = vector.shape_cast %add3A_1111 : vector<16xi32> to vector<1x16xi32>
      tpu.vector_store %arg7[%swap3A_1113, %swap3A_1114], %swap3A_1117 {strides = array<i32>} : memref<10x128xi32, #tpu.memory_space<vmem>>, vector<1x16xi32>,
      %dma_start3A_1118 = arith.constant 3 : i32
      %dma_start3A_1119 = arith.constant 384 : i32
      %dma_start3A_1120 = arith.constant 0 : i32
      %dma_start3A_1121 = tpu.memref_slice %arg6[%dma_start3A_1119, %dma_start3A_1120] : memref<1280x64xf32, #tpu.memory_space<vmem>> -> memref<128x64xf32, #tpu.memory_space<vmem>>
      %dma_start3A_1122 = arith.constant 0 : i32
      %dma_start3A_1123 = tpu.memref_slice %arg7[%dma_start3A_1118, %dma_start3A_1122] : memref<10x128xi32, #tpu.memory_space<vmem>> -> memref<1x128xi32, #tpu.memory_space<vmem>>
      %dma_start3A_1124 = tpu.memref_squeeze %dma_start3A_1123 : memref<1x128xi32, #tpu.memory_space<vmem>> -> memref<128xi32, #tpu.memory_space<vmem>>
      %dma_start3A_1125 = arith.constant 0 : i32
      %dma_start3A_1126 = arith.constant 0 : i32
      %dma_start3A_1127 = tpu.memref_slice %arg4[%dma_start3A_1125, %dma_start3A_1126] : memref<819200x64xf32, #tpu.memory_space<hbm>> -> memref<819200x64xf32, #tpu.memory_space<hbm>>
      tpu.enqueue_indirect_dma source(%dma_start3A_1121 : memref<128x64xf32, #tpu.memory_space<vmem>>) target(%dma_start3A_1127 : memref<819200x64xf32, #tpu.memory_space<hbm>>) offsets(%dma_start3A_1124 : memref<128xi32, #tpu.memory_space<vmem>>) semaphore(%arg9 : memref<!tpu.dma_semaphore, #tpu.memory_space<semaphore_mem>>)
      %mul3A_1128 = arith.constant 10 : i32
      %mul3A_1129 = arith.muli %scan3A_109, %mul3A_1128 : i32
      %add3A_1130 = arith.addi %mul3A_4, %mul3A_1129 : i32
      %add3A_1131 = arith.constant 4 : i32
      %add3A_1132 = arith.addi %add3A_1130, %add3A_1131 : i32
      %jit3A_1133 = arith.constant 256 : i32
      %div3A_1134 = arith.divsi %add3A_1132, %jit3A_1133 : i32
      %sign3A_1135 = arith.constant 0 : i32
      %sign3A_1136 = arith.cmpi sgt, %add3A_1132, %sign3A_1135 : i32
      %sign3A_1137 = arith.extui %sign3A_1136 : i1 to i32
      %sign3A_1138 = arith.constant 0 : i32
      %sign3A_1139 = arith.cmpi slt, %add3A_1132, %sign3A_1138 : i32
      %sign3A_1140 = arith.extui %sign3A_1139 : i1 to i32
      %sign3A_1141 = arith.subi %sign3A_1137, %sign3A_1140 : i32
      %sign3A_1142 = arith.constant 0 : i32
      %sign3A_1143 = arith.cmpi sgt, %jit3A_1133, %sign3A_1142 : i32
      %sign3A_1144 = arith.extui %sign3A_1143 : i1 to i32
      %sign3A_1145 = arith.constant 0 : i32
      %sign3A_1146 = arith.cmpi slt, %jit3A_1133, %sign3A_1145 : i32
      %sign3A_1147 = arith.extui %sign3A_1146 : i1 to i32
      %sign3A_1148 = arith.subi %sign3A_1144, %sign3A_1147 : i32
      %ne3A_1149 = arith.cmpi ne, %sign3A_1141, %sign3A_1148 : i32
      %rem3A_1150 = arith.remsi %add3A_1132, %jit3A_1133 : i32
      %ne3A_1151 = arith.constant 0 : i32
      %ne3A_1152 = arith.cmpi ne, %rem3A_1150, %ne3A_1151 : i32
      %and3A_1153 = arith.andi %ne3A_1149, %ne3A_1152 : i1
      %sub3A_1154 = arith.constant 1 : i32
      %sub3A_1155 = arith.subi %div3A_1134, %sub3A_1154 : i32
      %select_n3A_1156 = arith.select %and3A_1153, %sub3A_1155, %div3A_1134 : i32
      %jit3A_1157 = arith.constant 8 : i32
      %div3A_1158 = arith.divsi %add3A_1132, %jit3A_1157 : i32
      %sign3A_1159 = arith.constant 0 : i32
      %sign3A_1160 = arith.cmpi sgt, %add3A_1132, %sign3A_1159 : i32
      %sign3A_1161 = arith.extui %sign3A_1160 : i1 to i32
      %sign3A_1162 = arith.constant 0 : i32
      %sign3A_1163 = arith.cmpi slt, %add3A_1132, %sign3A_1162 : i32
      %sign3A_1164 = arith.extui %sign3A_1163 : i1 to i32
      %sign3A_1165 = arith.subi %sign3A_1161, %sign3A_1164 : i32
      %sign3A_1166 = arith.constant 0 : i32
      %sign3A_1167 = arith.cmpi sgt, %jit3A_1157, %sign3A_1166 : i32
      %sign3A_1168 = arith.extui %sign3A_1167 : i1 to i32
      %sign3A_1169 = arith.constant 0 : i32
      %sign3A_1170 = arith.cmpi slt, %jit3A_1157, %sign3A_1169 : i32
      %sign3A_1171 = arith.extui %sign3A_1170 : i1 to i32
      %sign3A_1172 = arith.subi %sign3A_1168, %sign3A_1171 : i32
      %ne3A_1173 = arith.cmpi ne, %sign3A_1165, %sign3A_1172 : i32
      %rem3A_1174 = arith.remsi %add3A_1132, %jit3A_1157 : i32
      %ne3A_1175 = arith.constant 0 : i32
      %ne3A_1176 = arith.cmpi ne, %rem3A_1174, %ne3A_1175 : i32
      %and3A_1177 = arith.andi %ne3A_1173, %ne3A_1176 : i1
      %sub3A_1178 = arith.constant 1 : i32
      %sub3A_1179 = arith.subi %div3A_1158, %sub3A_1178 : i32
      %select_n3A_1180 = arith.select %and3A_1177, %sub3A_1179, %div3A_1158 : i32
      %rem3A_1181 = arith.constant 32 : i32
      %rem3A_1182 = arith.remsi %select_n3A_1180, %rem3A_1181 : i32
      %rem3A_1183 = arith.constant 8 : i32
      %rem3A_1184 = arith.remsi %add3A_1132, %rem3A_1183 : i32
      %mul3A_1185 = arith.constant 8 : i32
      %mul3A_1186 = arith.muli %select_n3A_1156, %mul3A_1185 : i32
      %add3A_1187 = arith.addi %mul3A_1186, %rem3A_1184 : i32
      %mul3A_1188 = arith.constant 128 : i32
      %mul3A_1189 = arith.muli %rem3A_1182, %mul3A_1188 : i32
      %jit3A_1190 = arith.constant 16 : i32
      %div3A_1191 = arith.divsi %rem3A_1182, %jit3A_1190 : i32
      %sign3A_1192 = arith.constant 0 : i32
      %sign3A_1193 = arith.cmpi sgt, %rem3A_1182, %sign3A_1192 : i32
      %sign3A_1194 = arith.extui %sign3A_1193 : i1 to i32
      %sign3A_1195 = arith.constant 0 : i32
      %sign3A_1196 = arith.cmpi slt, %rem3A_1182, %sign3A_1195 : i32
      %sign3A_1197 = arith.extui %sign3A_1196 : i1 to i32
      %sign3A_1198 = arith.subi %sign3A_1194, %sign3A_1197 : i32
      %sign3A_1199 = arith.constant 0 : i32
      %sign3A_1200 = arith.cmpi sgt, %jit3A_1190, %sign3A_1199 : i32
      %sign3A_1201 = arith.extui %sign3A_1200 : i1 to i32
      %sign3A_1202 = arith.constant 0 : i32
      %sign3A_1203 = arith.cmpi slt, %jit3A_1190, %sign3A_1202 : i32
      %sign3A_1204 = arith.extui %sign3A_1203 : i1 to i32
      %sign3A_1205 = arith.subi %sign3A_1201, %sign3A_1204 : i32
      %ne3A_1206 = arith.cmpi ne, %sign3A_1198, %sign3A_1205 : i32
      %rem3A_1207 = arith.remsi %rem3A_1182, %jit3A_1190 : i32
      %ne3A_1208 = arith.constant 0 : i32
      %ne3A_1209 = arith.cmpi ne, %rem3A_1207, %ne3A_1208 : i32
      %and3A_1210 = arith.andi %ne3A_1206, %ne3A_1209 : i1
      %sub3A_1211 = arith.constant 1 : i32
      %sub3A_1212 = arith.subi %div3A_1191, %sub3A_1211 : i32
      %select_n3A_1213 = arith.select %and3A_1210, %sub3A_1212, %div3A_1191 : i32
      %mul3A_1214 = arith.constant 4096 : i32
      %mul3A_1215 = arith.muli %add3A_1187, %mul3A_1214 : i32
      %mul3A_1216 = arith.constant 2 : i32
      %mul3A_1217 = arith.muli %mul3A_1216, %mul3A_1189 : i32
      %add3A_1218 = arith.addi %mul3A_1215, %mul3A_1217 : i32
      %mul3A_1219 = arith.constant 4095 : i32
      %mul3A_1220 = arith.muli %select_n3A_1213, %mul3A_1219 : i32
      %sub3A_1221 = arith.subi %add3A_1218, %mul3A_1220 : i32
      %add3A_1222 = arith.constant 0 : i32
      %add3A_1223 = vector.broadcast %add3A_1222 : i32 to vector<16xi32>
      %add3A_1224 = arith.addi %iota3A, %add3A_1223 : vector<16xi32>
      %mul3A_1225 = arith.constant 2 : i32
      %mul3A_1226 = vector.broadcast %mul3A_1225 : i32 to vector<16xi32>
      %mul3A_1227 = arith.muli %mul3A_1226, %add3A_1224 : vector<16xi32>
      %add3A_1228 = vector.broadcast %sub3A_1221 : i32 to vector<16xi32>
      %add3A_1229 = arith.addi %add3A_1228, %mul3A_1227 : vector<16xi32>
      %swap3A_1230 = arith.constant 4 : i32
      %swap3A_1231 = arith.index_cast %swap3A_1230 : i32 to index
      %swap3A_1232 = arith.constant 0 : index
      %swap3A_1233 = tpu.vector_load %arg7[%swap3A_1231, %swap3A_1232] {strides = array<i32>} : memref<10x128xi32, #tpu.memory_space<vmem>>, vector<1x16xi32>,
      %swap3A_1234 = vector.shape_cast %swap3A_1233 : vector<1x16xi32> to vector<16xi32>
      %swap3A_1235 = vector.shape_cast %add3A_1229 : vector<16xi32> to vector<1x16xi32>
      tpu.vector_store %arg7[%swap3A_1231, %swap3A_1232], %swap3A_1235 {strides = array<i32>} : memref<10x128xi32, #tpu.memory_space<vmem>>, vector<1x16xi32>,
      %add3A_1236 = arith.constant 16 : i32
      %add3A_1237 = vector.broadcast %add3A_1236 : i32 to vector<16xi32>
      %add3A_1238 = arith.addi %iota3A, %add3A_1237 : vector<16xi32>
      %mul3A_1239 = arith.constant 2 : i32
      %mul3A_1240 = vector.broadcast %mul3A_1239 : i32 to vector<16xi32>
      %mul3A_1241 = arith.muli %mul3A_1240, %add3A_1238 : vector<16xi32>
      %add3A_1242 = vector.broadcast %sub3A_1221 : i32 to vector<16xi32>
      %add3A_1243 = arith.addi %add3A_1242, %mul3A_1241 : vector<16xi32>
      %swap3A_1244 = arith.constant 4 : i32
      %swap3A_1245 = arith.index_cast %swap3A_1244 : i32 to index
      %swap3A_1246 = arith.constant 16 : index
      %swap3A_1247 = tpu.vector_load %arg7[%swap3A_1245, %swap3A_1246] {strides = array<i32>} : memref<10x128xi32, #tpu.memory_space<vmem>>, vector<1x16xi32>,
      %swap3A_1248 = vector.shape_cast %swap3A_1247 : vector<1x16xi32> to vector<16xi32>
      %swap3A_1249 = vector.shape_cast %add3A_1243 : vector<16xi32> to vector<1x16xi32>
      tpu.vector_store %arg7[%swap3A_1245, %swap3A_1246], %swap3A_1249 {strides = array<i32>} : memref<10x128xi32, #tpu.memory_space<vmem>>, vector<1x16xi32>,
      %add3A_1250 = arith.constant 32 : i32
      %add3A_1251 = vector.broadcast %add3A_1250 : i32 to vector<16xi32>
      %add3A_1252 = arith.addi %iota3A, %add3A_1251 : vector<16xi32>
      %mul3A_1253 = arith.constant 2 : i32
      %mul3A_1254 = vector.broadcast %mul3A_1253 : i32 to vector<16xi32>
      %mul3A_1255 = arith.muli %mul3A_1254, %add3A_1252 : vector<16xi32>
      %add3A_1256 = vector.broadcast %sub3A_1221 : i32 to vector<16xi32>
      %add3A_1257 = arith.addi %add3A_1256, %mul3A_1255 : vector<16xi32>
      %swap3A_1258 = arith.constant 4 : i32
      %swap3A_1259 = arith.index_cast %swap3A_1258 : i32 to index
      %swap3A_1260 = arith.constant 32 : index
      %swap3A_1261 = tpu.vector_load %arg7[%swap3A_1259, %swap3A_1260] {strides = array<i32>} : memref<10x128xi32, #tpu.memory_space<vmem>>, vector<1x16xi32>,
      %swap3A_1262 = vector.shape_cast %swap3A_1261 : vector<1x16xi32> to vector<16xi32>
      %swap3A_1263 = vector.shape_cast %add3A_1257 : vector<16xi32> to vector<1x16xi32>
      tpu.vector_store %arg7[%swap3A_1259, %swap3A_1260], %swap3A_1263 {strides = array<i32>} : memref<10x128xi32, #tpu.memory_space<vmem>>, vector<1x16xi32>,
      %add3A_1264 = arith.constant 48 : i32
      %add3A_1265 = vector.broadcast %add3A_1264 : i32 to vector<16xi32>
      %add3A_1266 = arith.addi %iota3A, %add3A_1265 : vector<16xi32>
      %mul3A_1267 = arith.constant 2 : i32
      %mul3A_1268 = vector.broadcast %mul3A_1267 : i32 to vector<16xi32>
      %mul3A_1269 = arith.muli %mul3A_1268, %add3A_1266 : vector<16xi32>
      %add3A_1270 = vector.broadcast %sub3A_1221 : i32 to vector<16xi32>
      %add3A_1271 = arith.addi %add3A_1270, %mul3A_1269 : vector<16xi32>
      %swap3A_1272 = arith.constant 4 : i32
      %swap3A_1273 = arith.index_cast %swap3A_1272 : i32 to index
      %swap3A_1274 = arith.constant 48 : index
      %swap3A_1275 = tpu.vector_load %arg7[%swap3A_1273, %swap3A_1274] {strides = array<i32>} : memref<10x128xi32, #tpu.memory_space<vmem>>, vector<1x16xi32>,
      %swap3A_1276 = vector.shape_cast %swap3A_1275 : vector<1x16xi32> to vector<16xi32>
      %swap3A_1277 = vector.shape_cast %add3A_1271 : vector<16xi32> to vector<1x16xi32>
      tpu.vector_store %arg7[%swap3A_1273, %swap3A_1274], %swap3A_1277 {strides = array<i32>} : memref<10x128xi32, #tpu.memory_space<vmem>>, vector<1x16xi32>,
      %add3A_1278 = arith.constant 64 : i32
      %add3A_1279 = vector.broadcast %add3A_1278 : i32 to vector<16xi32>
      %add3A_1280 = arith.addi %iota3A, %add3A_1279 : vector<16xi32>
      %mul3A_1281 = arith.constant 2 : i32
      %mul3A_1282 = vector.broadcast %mul3A_1281 : i32 to vector<16xi32>
      %mul3A_1283 = arith.muli %mul3A_1282, %add3A_1280 : vector<16xi32>
      %add3A_1284 = vector.broadcast %sub3A_1221 : i32 to vector<16xi32>
      %add3A_1285 = arith.addi %add3A_1284, %mul3A_1283 : vector<16xi32>
      %swap3A_1286 = arith.constant 4 : i32
      %swap3A_1287 = arith.index_cast %swap3A_1286 : i32 to index
      %swap3A_1288 = arith.constant 64 : index
      %swap3A_1289 = tpu.vector_load %arg7[%swap3A_1287, %swap3A_1288] {strides = array<i32>} : memref<10x128xi32, #tpu.memory_space<vmem>>, vector<1x16xi32>,
      %swap3A_1290 = vector.shape_cast %swap3A_1289 : vector<1x16xi32> to vector<16xi32>
      %swap3A_1291 = vector.shape_cast %add3A_1285 : vector<16xi32> to vector<1x16xi32>
      tpu.vector_store %arg7[%swap3A_1287, %swap3A_1288], %swap3A_1291 {strides = array<i32>} : memref<10x128xi32, #tpu.memory_space<vmem>>, vector<1x16xi32>,
      %add3A_1292 = arith.constant 80 : i32
      %add3A_1293 = vector.broadcast %add3A_1292 : i32 to vector<16xi32>
      %add3A_1294 = arith.addi %iota3A, %add3A_1293 : vector<16xi32>
      %mul3A_1295 = arith.constant 2 : i32
      %mul3A_1296 = vector.broadcast %mul3A_1295 : i32 to vector<16xi32>
      %mul3A_1297 = arith.muli %mul3A_1296, %add3A_1294 : vector<16xi32>
      %add3A_1298 = vector.broadcast %sub3A_1221 : i32 to vector<16xi32>
      %add3A_1299 = arith.addi %add3A_1298, %mul3A_1297 : vector<16xi32>
      %swap3A_1300 = arith.constant 4 : i32
      %swap3A_1301 = arith.index_cast %swap3A_1300 : i32 to index
      %swap3A_1302 = arith.constant 80 : index
      %swap3A_1303 = tpu.vector_load %arg7[%swap3A_1301, %swap3A_1302] {strides = array<i32>} : memref<10x128xi32, #tpu.memory_space<vmem>>, vector<1x16xi32>,
      %swap3A_1304 = vector.shape_cast %swap3A_1303 : vector<1x16xi32> to vector<16xi32>
      %swap3A_1305 = vector.shape_cast %add3A_1299 : vector<16xi32> to vector<1x16xi32>
      tpu.vector_store %arg7[%swap3A_1301, %swap3A_1302], %swap3A_1305 {strides = array<i32>} : memref<10x128xi32, #tpu.memory_space<vmem>>, vector<1x16xi32>,
      %add3A_1306 = arith.constant 96 : i32
      %add3A_1307 = vector.broadcast %add3A_1306 : i32 to vector<16xi32>
      %add3A_1308 = arith.addi %iota3A, %add3A_1307 : vector<16xi32>
      %mul3A_1309 = arith.constant 2 : i32
      %mul3A_1310 = vector.broadcast %mul3A_1309 : i32 to vector<16xi32>
      %mul3A_1311 = arith.muli %mul3A_1310, %add3A_1308 : vector<16xi32>
      %add3A_1312 = vector.broadcast %sub3A_1221 : i32 to vector<16xi32>
      %add3A_1313 = arith.addi %add3A_1312, %mul3A_1311 : vector<16xi32>
      %swap3A_1314 = arith.constant 4 : i32
      %swap3A_1315 = arith.index_cast %swap3A_1314 : i32 to index
      %swap3A_1316 = arith.constant 96 : index
      %swap3A_1317 = tpu.vector_load %arg7[%swap3A_1315, %swap3A_1316] {strides = array<i32>} : memref<10x128xi32, #tpu.memory_space<vmem>>, vector<1x16xi32>,
      %swap3A_1318 = vector.shape_cast %swap3A_1317 : vector<1x16xi32> to vector<16xi32>
      %swap3A_1319 = vector.shape_cast %add3A_1313 : vector<16xi32> to vector<1x16xi32>
      tpu.vector_store %arg7[%swap3A_1315, %swap3A_1316], %swap3A_1319 {strides = array<i32>} : memref<10x128xi32, #tpu.memory_space<vmem>>, vector<1x16xi32>,
      %add3A_1320 = arith.constant 112 : i32
      %add3A_1321 = vector.broadcast %add3A_1320 : i32 to vector<16xi32>
      %add3A_1322 = arith.addi %iota3A, %add3A_1321 : vector<16xi32>
      %mul3A_1323 = arith.constant 2 : i32
      %mul3A_1324 = vector.broadcast %mul3A_1323 : i32 to vector<16xi32>
      %mul3A_1325 = arith.muli %mul3A_1324, %add3A_1322 : vector<16xi32>
      %add3A_1326 = vector.broadcast %sub3A_1221 : i32 to vector<16xi32>
      %add3A_1327 = arith.addi %add3A_1326, %mul3A_1325 : vector<16xi32>
      %swap3A_1328 = arith.constant 4 : i32
      %swap3A_1329 = arith.index_cast %swap3A_1328 : i32 to index
      %swap3A_1330 = arith.constant 112 : index
      %swap3A_1331 = tpu.vector_load %arg7[%swap3A_1329, %swap3A_1330] {strides = array<i32>} : memref<10x128xi32, #tpu.memory_space<vmem>>, vector<1x16xi32>,
      %swap3A_1332 = vector.shape_cast %swap3A_1331 : vector<1x16xi32> to vector<16xi32>
      %swap3A_1333 = vector.shape_cast %add3A_1327 : vector<16xi32> to vector<1x16xi32>
      tpu.vector_store %arg7[%swap3A_1329, %swap3A_1330], %swap3A_1333 {strides = array<i32>} : memref<10x128xi32, #tpu.memory_space<vmem>>, vector<1x16xi32>,
      %dma_start3A_1334 = arith.constant 4 : i32
      %dma_start3A_1335 = arith.constant 512 : i32
      %dma_start3A_1336 = arith.constant 0 : i32
      %dma_start3A_1337 = tpu.memref_slice %arg6[%dma_start3A_1335, %dma_start3A_1336] : memref<1280x64xf32, #tpu.memory_space<vmem>> -> memref<128x64xf32, #tpu.memory_space<vmem>>
      %dma_start3A_1338 = arith.constant 0 : i32
      %dma_start3A_1339 = tpu.memref_slice %arg7[%dma_start3A_1334, %dma_start3A_1338] : memref<10x128xi32, #tpu.memory_space<vmem>> -> memref<1x128xi32, #tpu.memory_space<vmem>>
      %dma_start3A_1340 = tpu.memref_squeeze %dma_start3A_1339 : memref<1x128xi32, #tpu.memory_space<vmem>> -> memref<128xi32, #tpu.memory_space<vmem>>
      %dma_start3A_1341 = arith.constant 0 : i32
      %dma_start3A_1342 = arith.constant 0 : i32
      %dma_start3A_1343 = tpu.memref_slice %arg4[%dma_start3A_1341, %dma_start3A_1342] : memref<819200x64xf32, #tpu.memory_space<hbm>> -> memref<819200x64xf32, #tpu.memory_space<hbm>>
      tpu.enqueue_indirect_dma source(%dma_start3A_1337 : memref<128x64xf32, #tpu.memory_space<vmem>>) target(%dma_start3A_1343 : memref<819200x64xf32, #tpu.memory_space<hbm>>) offsets(%dma_start3A_1340 : memref<128xi32, #tpu.memory_space<vmem>>) semaphore(%arg9 : memref<!tpu.dma_semaphore, #tpu.memory_space<semaphore_mem>>)
      %mul3A_1344 = arith.constant 10 : i32
      %mul3A_1345 = arith.muli %scan3A_109, %mul3A_1344 : i32
      %add3A_1346 = arith.addi %mul3A_4, %mul3A_1345 : i32
      %add3A_1347 = arith.constant 5 : i32
      %add3A_1348 = arith.addi %add3A_1346, %add3A_1347 : i32
      %jit3A_1349 = arith.constant 256 : i32
      %div3A_1350 = arith.divsi %add3A_1348, %jit3A_1349 : i32
      %sign3A_1351 = arith.constant 0 : i32
      %sign3A_1352 = arith.cmpi sgt, %add3A_1348, %sign3A_1351 : i32
      %sign3A_1353 = arith.extui %sign3A_1352 : i1 to i32
      %sign3A_1354 = arith.constant 0 : i32
      %sign3A_1355 = arith.cmpi slt, %add3A_1348, %sign3A_1354 : i32
      %sign3A_1356 = arith.extui %sign3A_1355 : i1 to i32
      %sign3A_1357 = arith.subi %sign3A_1353, %sign3A_1356 : i32
      %sign3A_1358 = arith.constant 0 : i32
      %sign3A_1359 = arith.cmpi sgt, %jit3A_1349, %sign3A_1358 : i32
      %sign3A_1360 = arith.extui %sign3A_1359 : i1 to i32
      %sign3A_1361 = arith.constant 0 : i32
      %sign3A_1362 = arith.cmpi slt, %jit3A_1349, %sign3A_1361 : i32
      %sign3A_1363 = arith.extui %sign3A_1362 : i1 to i32
      %sign3A_1364 = arith.subi %sign3A_1360, %sign3A_1363 : i32
      %ne3A_1365 = arith.cmpi ne, %sign3A_1357, %sign3A_1364 : i32
      %rem3A_1366 = arith.remsi %add3A_1348, %jit3A_1349 : i32
      %ne3A_1367 = arith.constant 0 : i32
      %ne3A_1368 = arith.cmpi ne, %rem3A_1366, %ne3A_1367 : i32
      %and3A_1369 = arith.andi %ne3A_1365, %ne3A_1368 : i1
      %sub3A_1370 = arith.constant 1 : i32
      %sub3A_1371 = arith.subi %div3A_1350, %sub3A_1370 : i32
      %select_n3A_1372 = arith.select %and3A_1369, %sub3A_1371, %div3A_1350 : i32
      %jit3A_1373 = arith.constant 8 : i32
      %div3A_1374 = arith.divsi %add3A_1348, %jit3A_1373 : i32
      %sign3A_1375 = arith.constant 0 : i32
      %sign3A_1376 = arith.cmpi sgt, %add3A_1348, %sign3A_1375 : i32
      %sign3A_1377 = arith.extui %sign3A_1376 : i1 to i32
      %sign3A_1378 = arith.constant 0 : i32
      %sign3A_1379 = arith.cmpi slt, %add3A_1348, %sign3A_1378 : i32
      %sign3A_1380 = arith.extui %sign3A_1379 : i1 to i32
      %sign3A_1381 = arith.subi %sign3A_1377, %sign3A_1380 : i32
      %sign3A_1382 = arith.constant 0 : i32
      %sign3A_1383 = arith.cmpi sgt, %jit3A_1373, %sign3A_1382 : i32
      %sign3A_1384 = arith.extui %sign3A_1383 : i1 to i32
      %sign3A_1385 = arith.constant 0 : i32
      %sign3A_1386 = arith.cmpi slt, %jit3A_1373, %sign3A_1385 : i32
      %sign3A_1387 = arith.extui %sign3A_1386 : i1 to i32
      %sign3A_1388 = arith.subi %sign3A_1384, %sign3A_1387 : i32
      %ne3A_1389 = arith.cmpi ne, %sign3A_1381, %sign3A_1388 : i32
      %rem3A_1390 = arith.remsi %add3A_1348, %jit3A_1373 : i32
      %ne3A_1391 = arith.constant 0 : i32
      %ne3A_1392 = arith.cmpi ne, %rem3A_1390, %ne3A_1391 : i32
      %and3A_1393 = arith.andi %ne3A_1389, %ne3A_1392 : i1
      %sub3A_1394 = arith.constant 1 : i32
      %sub3A_1395 = arith.subi %div3A_1374, %sub3A_1394 : i32
      %select_n3A_1396 = arith.select %and3A_1393, %sub3A_1395, %div3A_1374 : i32
      %rem3A_1397 = arith.constant 32 : i32
      %rem3A_1398 = arith.remsi %select_n3A_1396, %rem3A_1397 : i32
      %rem3A_1399 = arith.constant 8 : i32
      %rem3A_1400 = arith.remsi %add3A_1348, %rem3A_1399 : i32
      %mul3A_1401 = arith.constant 8 : i32
      %mul3A_1402 = arith.muli %select_n3A_1372, %mul3A_1401 : i32
      %add3A_1403 = arith.addi %mul3A_1402, %rem3A_1400 : i32
      %mul3A_1404 = arith.constant 128 : i32
      %mul3A_1405 = arith.muli %rem3A_1398, %mul3A_1404 : i32
      %jit3A_1406 = arith.constant 16 : i32
      %div3A_1407 = arith.divsi %rem3A_1398, %jit3A_1406 : i32
      %sign3A_1408 = arith.constant 0 : i32
      %sign3A_1409 = arith.cmpi sgt, %rem3A_1398, %sign3A_1408 : i32
      %sign3A_1410 = arith.extui %sign3A_1409 : i1 to i32
      %sign3A_1411 = arith.constant 0 : i32
      %sign3A_1412 = arith.cmpi slt, %rem3A_1398, %sign3A_1411 : i32
      %sign3A_1413 = arith.extui %sign3A_1412 : i1 to i32
      %sign3A_1414 = arith.subi %sign3A_1410, %sign3A_1413 : i32
      %sign3A_1415 = arith.constant 0 : i32
      %sign3A_1416 = arith.cmpi sgt, %jit3A_1406, %sign3A_1415 : i32
      %sign3A_1417 = arith.extui %sign3A_1416 : i1 to i32
      %sign3A_1418 = arith.constant 0 : i32
      %sign3A_1419 = arith.cmpi slt, %jit3A_1406, %sign3A_1418 : i32
      %sign3A_1420 = arith.extui %sign3A_1419 : i1 to i32
      %sign3A_1421 = arith.subi %sign3A_1417, %sign3A_1420 : i32
      %ne3A_1422 = arith.cmpi ne, %sign3A_1414, %sign3A_1421 : i32
      %rem3A_1423 = arith.remsi %rem3A_1398, %jit3A_1406 : i32
      %ne3A_1424 = arith.constant 0 : i32
      %ne3A_1425 = arith.cmpi ne, %rem3A_1423, %ne3A_1424 : i32
      %and3A_1426 = arith.andi %ne3A_1422, %ne3A_1425 : i1
      %sub3A_1427 = arith.constant 1 : i32
      %sub3A_1428 = arith.subi %div3A_1407, %sub3A_1427 : i32
      %select_n3A_1429 = arith.select %and3A_1426, %sub3A_1428, %div3A_1407 : i32
      %mul3A_1430 = arith.constant 4096 : i32
      %mul3A_1431 = arith.muli %add3A_1403, %mul3A_1430 : i32
      %mul3A_1432 = arith.constant 2 : i32
      %mul3A_1433 = arith.muli %mul3A_1432, %mul3A_1405 : i32
      %add3A_1434 = arith.addi %mul3A_1431, %mul3A_1433 : i32
      %mul3A_1435 = arith.constant 4095 : i32
      %mul3A_1436 = arith.muli %select_n3A_1429, %mul3A_1435 : i32
      %sub3A_1437 = arith.subi %add3A_1434, %mul3A_1436 : i32
      %add3A_1438 = arith.constant 0 : i32
      %add3A_1439 = vector.broadcast %add3A_1438 : i32 to vector<16xi32>
      %add3A_1440 = arith.addi %iota3A, %add3A_1439 : vector<16xi32>
      %mul3A_1441 = arith.constant 2 : i32
      %mul3A_1442 = vector.broadcast %mul3A_1441 : i32 to vector<16xi32>
      %mul3A_1443 = arith.muli %mul3A_1442, %add3A_1440 : vector<16xi32>
      %add3A_1444 = vector.broadcast %sub3A_1437 : i32 to vector<16xi32>
      %add3A_1445 = arith.addi %add3A_1444, %mul3A_1443 : vector<16xi32>
      %swap3A_1446 = arith.constant 5 : i32
      %swap3A_1447 = arith.index_cast %swap3A_1446 : i32 to index
      %swap3A_1448 = arith.constant 0 : index
      %swap3A_1449 = tpu.vector_load %arg7[%swap3A_1447, %swap3A_1448] {strides = array<i32>} : memref<10x128xi32, #tpu.memory_space<vmem>>, vector<1x16xi32>,
      %swap3A_1450 = vector.shape_cast %swap3A_1449 : vector<1x16xi32> to vector<16xi32>
      %swap3A_1451 = vector.shape_cast %add3A_1445 : vector<16xi32> to vector<1x16xi32>
      tpu.vector_store %arg7[%swap3A_1447, %swap3A_1448], %swap3A_1451 {strides = array<i32>} : memref<10x128xi32, #tpu.memory_space<vmem>>, vector<1x16xi32>,
      %add3A_1452 = arith.constant 16 : i32
      %add3A_1453 = vector.broadcast %add3A_1452 : i32 to vector<16xi32>
      %add3A_1454 = arith.addi %iota3A, %add3A_1453 : vector<16xi32>
      %mul3A_1455 = arith.constant 2 : i32
      %mul3A_1456 = vector.broadcast %mul3A_1455 : i32 to vector<16xi32>
      %mul3A_1457 = arith.muli %mul3A_1456, %add3A_1454 : vector<16xi32>
      %add3A_1458 = vector.broadcast %sub3A_1437 : i32 to vector<16xi32>
      %add3A_1459 = arith.addi %add3A_1458, %mul3A_1457 : vector<16xi32>
      %swap3A_1460 = arith.constant 5 : i32
      %swap3A_1461 = arith.index_cast %swap3A_1460 : i32 to index
      %swap3A_1462 = arith.constant 16 : index
      %swap3A_1463 = tpu.vector_load %arg7[%swap3A_1461, %swap3A_1462] {strides = array<i32>} : memref<10x128xi32, #tpu.memory_space<vmem>>, vector<1x16xi32>,
      %swap3A_1464 = vector.shape_cast %swap3A_1463 : vector<1x16xi32> to vector<16xi32>
      %swap3A_1465 = vector.shape_cast %add3A_1459 : vector<16xi32> to vector<1x16xi32>
      tpu.vector_store %arg7[%swap3A_1461, %swap3A_1462], %swap3A_1465 {strides = array<i32>} : memref<10x128xi32, #tpu.memory_space<vmem>>, vector<1x16xi32>,
      %add3A_1466 = arith.constant 32 : i32
      %add3A_1467 = vector.broadcast %add3A_1466 : i32 to vector<16xi32>
      %add3A_1468 = arith.addi %iota3A, %add3A_1467 : vector<16xi32>
      %mul3A_1469 = arith.constant 2 : i32
      %mul3A_1470 = vector.broadcast %mul3A_1469 : i32 to vector<16xi32>
      %mul3A_1471 = arith.muli %mul3A_1470, %add3A_1468 : vector<16xi32>
      %add3A_1472 = vector.broadcast %sub3A_1437 : i32 to vector<16xi32>
      %add3A_1473 = arith.addi %add3A_1472, %mul3A_1471 : vector<16xi32>
      %swap3A_1474 = arith.constant 5 : i32
      %swap3A_1475 = arith.index_cast %swap3A_1474 : i32 to index
      %swap3A_1476 = arith.constant 32 : index
      %swap3A_1477 = tpu.vector_load %arg7[%swap3A_1475, %swap3A_1476] {strides = array<i32>} : memref<10x128xi32, #tpu.memory_space<vmem>>, vector<1x16xi32>,
      %swap3A_1478 = vector.shape_cast %swap3A_1477 : vector<1x16xi32> to vector<16xi32>
      %swap3A_1479 = vector.shape_cast %add3A_1473 : vector<16xi32> to vector<1x16xi32>
      tpu.vector_store %arg7[%swap3A_1475, %swap3A_1476], %swap3A_1479 {strides = array<i32>} : memref<10x128xi32, #tpu.memory_space<vmem>>, vector<1x16xi32>,
      %add3A_1480 = arith.constant 48 : i32
      %add3A_1481 = vector.broadcast %add3A_1480 : i32 to vector<16xi32>
      %add3A_1482 = arith.addi %iota3A, %add3A_1481 : vector<16xi32>
      %mul3A_1483 = arith.constant 2 : i32
      %mul3A_1484 = vector.broadcast %mul3A_1483 : i32 to vector<16xi32>
      %mul3A_1485 = arith.muli %mul3A_1484, %add3A_1482 : vector<16xi32>
      %add3A_1486 = vector.broadcast %sub3A_1437 : i32 to vector<16xi32>
      %add3A_1487 = arith.addi %add3A_1486, %mul3A_1485 : vector<16xi32>
      %swap3A_1488 = arith.constant 5 : i32
      %swap3A_1489 = arith.index_cast %swap3A_1488 : i32 to index
      %swap3A_1490 = arith.constant 48 : index
      %swap3A_1491 = tpu.vector_load %arg7[%swap3A_1489, %swap3A_1490] {strides = array<i32>} : memref<10x128xi32, #tpu.memory_space<vmem>>, vector<1x16xi32>,
      %swap3A_1492 = vector.shape_cast %swap3A_1491 : vector<1x16xi32> to vector<16xi32>
      %swap3A_1493 = vector.shape_cast %add3A_1487 : vector<16xi32> to vector<1x16xi32>
      tpu.vector_store %arg7[%swap3A_1489, %swap3A_1490], %swap3A_1493 {strides = array<i32>} : memref<10x128xi32, #tpu.memory_space<vmem>>, vector<1x16xi32>,
      %add3A_1494 = arith.constant 64 : i32
      %add3A_1495 = vector.broadcast %add3A_1494 : i32 to vector<16xi32>
      %add3A_1496 = arith.addi %iota3A, %add3A_1495 : vector<16xi32>
      %mul3A_1497 = arith.constant 2 : i32
      %mul3A_1498 = vector.broadcast %mul3A_1497 : i32 to vector<16xi32>
      %mul3A_1499 = arith.muli %mul3A_1498, %add3A_1496 : vector<16xi32>
      %add3A_1500 = vector.broadcast %sub3A_1437 : i32 to vector<16xi32>
      %add3A_1501 = arith.addi %add3A_1500, %mul3A_1499 : vector<16xi32>
      %swap3A_1502 = arith.constant 5 : i32
      %swap3A_1503 = arith.index_cast %swap3A_1502 : i32 to index
      %swap3A_1504 = arith.constant 64 : index
      %swap3A_1505 = tpu.vector_load %arg7[%swap3A_1503, %swap3A_1504] {strides = array<i32>} : memref<10x128xi32, #tpu.memory_space<vmem>>, vector<1x16xi32>,
      %swap3A_1506 = vector.shape_cast %swap3A_1505 : vector<1x16xi32> to vector<16xi32>
      %swap3A_1507 = vector.shape_cast %add3A_1501 : vector<16xi32> to vector<1x16xi32>
      tpu.vector_store %arg7[%swap3A_1503, %swap3A_1504], %swap3A_1507 {strides = array<i32>} : memref<10x128xi32, #tpu.memory_space<vmem>>, vector<1x16xi32>,
      %add3A_1508 = arith.constant 80 : i32
      %add3A_1509 = vector.broadcast %add3A_1508 : i32 to vector<16xi32>
      %add3A_1510 = arith.addi %iota3A, %add3A_1509 : vector<16xi32>
      %mul3A_1511 = arith.constant 2 : i32
      %mul3A_1512 = vector.broadcast %mul3A_1511 : i32 to vector<16xi32>
      %mul3A_1513 = arith.muli %mul3A_1512, %add3A_1510 : vector<16xi32>
      %add3A_1514 = vector.broadcast %sub3A_1437 : i32 to vector<16xi32>
      %add3A_1515 = arith.addi %add3A_1514, %mul3A_1513 : vector<16xi32>
      %swap3A_1516 = arith.constant 5 : i32
      %swap3A_1517 = arith.index_cast %swap3A_1516 : i32 to index
      %swap3A_1518 = arith.constant 80 : index
      %swap3A_1519 = tpu.vector_load %arg7[%swap3A_1517, %swap3A_1518] {strides = array<i32>} : memref<10x128xi32, #tpu.memory_space<vmem>>, vector<1x16xi32>,
      %swap3A_1520 = vector.shape_cast %swap3A_1519 : vector<1x16xi32> to vector<16xi32>
      %swap3A_1521 = vector.shape_cast %add3A_1515 : vector<16xi32> to vector<1x16xi32>
      tpu.vector_store %arg7[%swap3A_1517, %swap3A_1518], %swap3A_1521 {strides = array<i32>} : memref<10x128xi32, #tpu.memory_space<vmem>>, vector<1x16xi32>,
      %add3A_1522 = arith.constant 96 : i32
      %add3A_1523 = vector.broadcast %add3A_1522 : i32 to vector<16xi32>
      %add3A_1524 = arith.addi %iota3A, %add3A_1523 : vector<16xi32>
      %mul3A_1525 = arith.constant 2 : i32
      %mul3A_1526 = vector.broadcast %mul3A_1525 : i32 to vector<16xi32>
      %mul3A_1527 = arith.muli %mul3A_1526, %add3A_1524 : vector<16xi32>
      %add3A_1528 = vector.broadcast %sub3A_1437 : i32 to vector<16xi32>
      %add3A_1529 = arith.addi %add3A_1528, %mul3A_1527 : vector<16xi32>
      %swap3A_1530 = arith.constant 5 : i32
      %swap3A_1531 = arith.index_cast %swap3A_1530 : i32 to index
      %swap3A_1532 = arith.constant 96 : index
      %swap3A_1533 = tpu.vector_load %arg7[%swap3A_1531, %swap3A_1532] {strides = array<i32>} : memref<10x128xi32, #tpu.memory_space<vmem>>, vector<1x16xi32>,
      %swap3A_1534 = vector.shape_cast %swap3A_1533 : vector<1x16xi32> to vector<16xi32>
      %swap3A_1535 = vector.shape_cast %add3A_1529 : vector<16xi32> to vector<1x16xi32>
      tpu.vector_store %arg7[%swap3A_1531, %swap3A_1532], %swap3A_1535 {strides = array<i32>} : memref<10x128xi32, #tpu.memory_space<vmem>>, vector<1x16xi32>,
      %add3A_1536 = arith.constant 112 : i32
      %add3A_1537 = vector.broadcast %add3A_1536 : i32 to vector<16xi32>
      %add3A_1538 = arith.addi %iota3A, %add3A_1537 : vector<16xi32>
      %mul3A_1539 = arith.constant 2 : i32
      %mul3A_1540 = vector.broadcast %mul3A_1539 : i32 to vector<16xi32>
      %mul3A_1541 = arith.muli %mul3A_1540, %add3A_1538 : vector<16xi32>
      %add3A_1542 = vector.broadcast %sub3A_1437 : i32 to vector<16xi32>
      %add3A_1543 = arith.addi %add3A_1542, %mul3A_1541 : vector<16xi32>
      %swap3A_1544 = arith.constant 5 : i32
      %swap3A_1545 = arith.index_cast %swap3A_1544 : i32 to index
      %swap3A_1546 = arith.constant 112 : index
      %swap3A_1547 = tpu.vector_load %arg7[%swap3A_1545, %swap3A_1546] {strides = array<i32>} : memref<10x128xi32, #tpu.memory_space<vmem>>, vector<1x16xi32>,
      %swap3A_1548 = vector.shape_cast %swap3A_1547 : vector<1x16xi32> to vector<16xi32>
      %swap3A_1549 = vector.shape_cast %add3A_1543 : vector<16xi32> to vector<1x16xi32>
      tpu.vector_store %arg7[%swap3A_1545, %swap3A_1546], %swap3A_1549 {strides = array<i32>} : memref<10x128xi32, #tpu.memory_space<vmem>>, vector<1x16xi32>,
      %dma_start3A_1550 = arith.constant 5 : i32
      %dma_start3A_1551 = arith.constant 640 : i32
      %dma_start3A_1552 = arith.constant 0 : i32
      %dma_start3A_1553 = tpu.memref_slice %arg6[%dma_start3A_1551, %dma_start3A_1552] : memref<1280x64xf32, #tpu.memory_space<vmem>> -> memref<128x64xf32, #tpu.memory_space<vmem>>
      %dma_start3A_1554 = arith.constant 0 : i32
      %dma_start3A_1555 = tpu.memref_slice %arg7[%dma_start3A_1550, %dma_start3A_1554] : memref<10x128xi32, #tpu.memory_space<vmem>> -> memref<1x128xi32, #tpu.memory_space<vmem>>
      %dma_start3A_1556 = tpu.memref_squeeze %dma_start3A_1555 : memref<1x128xi32, #tpu.memory_space<vmem>> -> memref<128xi32, #tpu.memory_space<vmem>>
      %dma_start3A_1557 = arith.constant 0 : i32
      %dma_start3A_1558 = arith.constant 0 : i32
      %dma_start3A_1559 = tpu.memref_slice %arg4[%dma_start3A_1557, %dma_start3A_1558] : memref<819200x64xf32, #tpu.memory_space<hbm>> -> memref<819200x64xf32, #tpu.memory_space<hbm>>
      tpu.enqueue_indirect_dma source(%dma_start3A_1553 : memref<128x64xf32, #tpu.memory_space<vmem>>) target(%dma_start3A_1559 : memref<819200x64xf32, #tpu.memory_space<hbm>>) offsets(%dma_start3A_1556 : memref<128xi32, #tpu.memory_space<vmem>>) semaphore(%arg9 : memref<!tpu.dma_semaphore, #tpu.memory_space<semaphore_mem>>)
      %mul3A_1560 = arith.constant 10 : i32
      %mul3A_1561 = arith.muli %scan3A_109, %mul3A_1560 : i32
      %add3A_1562 = arith.addi %mul3A_4, %mul3A_1561 : i32
      %add3A_1563 = arith.constant 6 : i32
      %add3A_1564 = arith.addi %add3A_1562, %add3A_1563 : i32
      %jit3A_1565 = arith.constant 256 : i32
      %div3A_1566 = arith.divsi %add3A_1564, %jit3A_1565 : i32
      %sign3A_1567 = arith.constant 0 : i32
      %sign3A_1568 = arith.cmpi sgt, %add3A_1564, %sign3A_1567 : i32
      %sign3A_1569 = arith.extui %sign3A_1568 : i1 to i32
      %sign3A_1570 = arith.constant 0 : i32
      %sign3A_1571 = arith.cmpi slt, %add3A_1564, %sign3A_1570 : i32
      %sign3A_1572 = arith.extui %sign3A_1571 : i1 to i32
      %sign3A_1573 = arith.subi %sign3A_1569, %sign3A_1572 : i32
      %sign3A_1574 = arith.constant 0 : i32
      %sign3A_1575 = arith.cmpi sgt, %jit3A_1565, %sign3A_1574 : i32
      %sign3A_1576 = arith.extui %sign3A_1575 : i1 to i32
      %sign3A_1577 = arith.constant 0 : i32
      %sign3A_1578 = arith.cmpi slt, %jit3A_1565, %sign3A_1577 : i32
      %sign3A_1579 = arith.extui %sign3A_1578 : i1 to i32
      %sign3A_1580 = arith.subi %sign3A_1576, %sign3A_1579 : i32
      %ne3A_1581 = arith.cmpi ne, %sign3A_1573, %sign3A_1580 : i32
      %rem3A_1582 = arith.remsi %add3A_1564, %jit3A_1565 : i32
      %ne3A_1583 = arith.constant 0 : i32
      %ne3A_1584 = arith.cmpi ne, %rem3A_1582, %ne3A_1583 : i32
      %and3A_1585 = arith.andi %ne3A_1581, %ne3A_1584 : i1
      %sub3A_1586 = arith.constant 1 : i32
      %sub3A_1587 = arith.subi %div3A_1566, %sub3A_1586 : i32
      %select_n3A_1588 = arith.select %and3A_1585, %sub3A_1587, %div3A_1566 : i32
      %jit3A_1589 = arith.constant 8 : i32
      %div3A_1590 = arith.divsi %add3A_1564, %jit3A_1589 : i32
      %sign3A_1591 = arith.constant 0 : i32
      %sign3A_1592 = arith.cmpi sgt, %add3A_1564, %sign3A_1591 : i32
      %sign3A_1593 = arith.extui %sign3A_1592 : i1 to i32
      %sign3A_1594 = arith.constant 0 : i32
      %sign3A_1595 = arith.cmpi slt, %add3A_1564, %sign3A_1594 : i32
      %sign3A_1596 = arith.extui %sign3A_1595 : i1 to i32
      %sign3A_1597 = arith.subi %sign3A_1593, %sign3A_1596 : i32
      %sign3A_1598 = arith.constant 0 : i32
      %sign3A_1599 = arith.cmpi sgt, %jit3A_1589, %sign3A_1598 : i32
      %sign3A_1600 = arith.extui %sign3A_1599 : i1 to i32
      %sign3A_1601 = arith.constant 0 : i32
      %sign3A_1602 = arith.cmpi slt, %jit3A_1589, %sign3A_1601 : i32
      %sign3A_1603 = arith.extui %sign3A_1602 : i1 to i32
      %sign3A_1604 = arith.subi %sign3A_1600, %sign3A_1603 : i32
      %ne3A_1605 = arith.cmpi ne, %sign3A_1597, %sign3A_1604 : i32
      %rem3A_1606 = arith.remsi %add3A_1564, %jit3A_1589 : i32
      %ne3A_1607 = arith.constant 0 : i32
      %ne3A_1608 = arith.cmpi ne, %rem3A_1606, %ne3A_1607 : i32
      %and3A_1609 = arith.andi %ne3A_1605, %ne3A_1608 : i1
      %sub3A_1610 = arith.constant 1 : i32
      %sub3A_1611 = arith.subi %div3A_1590, %sub3A_1610 : i32
      %select_n3A_1612 = arith.select %and3A_1609, %sub3A_1611, %div3A_1590 : i32
      %rem3A_1613 = arith.constant 32 : i32
      %rem3A_1614 = arith.remsi %select_n3A_1612, %rem3A_1613 : i32
      %rem3A_1615 = arith.constant 8 : i32
      %rem3A_1616 = arith.remsi %add3A_1564, %rem3A_1615 : i32
      %mul3A_1617 = arith.constant 8 : i32
      %mul3A_1618 = arith.muli %select_n3A_1588, %mul3A_1617 : i32
      %add3A_1619 = arith.addi %mul3A_1618, %rem3A_1616 : i32
      %mul3A_1620 = arith.constant 128 : i32
      %mul3A_1621 = arith.muli %rem3A_1614, %mul3A_1620 : i32
      %jit3A_1622 = arith.constant 16 : i32
      %div3A_1623 = arith.divsi %rem3A_1614, %jit3A_1622 : i32
      %sign3A_1624 = arith.constant 0 : i32
      %sign3A_1625 = arith.cmpi sgt, %rem3A_1614, %sign3A_1624 : i32
      %sign3A_1626 = arith.extui %sign3A_1625 : i1 to i32
      %sign3A_1627 = arith.constant 0 : i32
      %sign3A_1628 = arith.cmpi slt, %rem3A_1614, %sign3A_1627 : i32
      %sign3A_1629 = arith.extui %sign3A_1628 : i1 to i32
      %sign3A_1630 = arith.subi %sign3A_1626, %sign3A_1629 : i32
      %sign3A_1631 = arith.constant 0 : i32
      %sign3A_1632 = arith.cmpi sgt, %jit3A_1622, %sign3A_1631 : i32
      %sign3A_1633 = arith.extui %sign3A_1632 : i1 to i32
      %sign3A_1634 = arith.constant 0 : i32
      %sign3A_1635 = arith.cmpi slt, %jit3A_1622, %sign3A_1634 : i32
      %sign3A_1636 = arith.extui %sign3A_1635 : i1 to i32
      %sign3A_1637 = arith.subi %sign3A_1633, %sign3A_1636 : i32
      %ne3A_1638 = arith.cmpi ne, %sign3A_1630, %sign3A_1637 : i32
      %rem3A_1639 = arith.remsi %rem3A_1614, %jit3A_1622 : i32
      %ne3A_1640 = arith.constant 0 : i32
      %ne3A_1641 = arith.cmpi ne, %rem3A_1639, %ne3A_1640 : i32
      %and3A_1642 = arith.andi %ne3A_1638, %ne3A_1641 : i1
      %sub3A_1643 = arith.constant 1 : i32
      %sub3A_1644 = arith.subi %div3A_1623, %sub3A_1643 : i32
      %select_n3A_1645 = arith.select %and3A_1642, %sub3A_1644, %div3A_1623 : i32
      %mul3A_1646 = arith.constant 4096 : i32
      %mul3A_1647 = arith.muli %add3A_1619, %mul3A_1646 : i32
      %mul3A_1648 = arith.constant 2 : i32
      %mul3A_1649 = arith.muli %mul3A_1648, %mul3A_1621 : i32
      %add3A_1650 = arith.addi %mul3A_1647, %mul3A_1649 : i32
      %mul3A_1651 = arith.constant 4095 : i32
      %mul3A_1652 = arith.muli %select_n3A_1645, %mul3A_1651 : i32
      %sub3A_1653 = arith.subi %add3A_1650, %mul3A_1652 : i32
      %add3A_1654 = arith.constant 0 : i32
      %add3A_1655 = vector.broadcast %add3A_1654 : i32 to vector<16xi32>
      %add3A_1656 = arith.addi %iota3A, %add3A_1655 : vector<16xi32>
      %mul3A_1657 = arith.constant 2 : i32
      %mul3A_1658 = vector.broadcast %mul3A_1657 : i32 to vector<16xi32>
      %mul3A_1659 = arith.muli %mul3A_1658, %add3A_1656 : vector<16xi32>
      %add3A_1660 = vector.broadcast %sub3A_1653 : i32 to vector<16xi32>
      %add3A_1661 = arith.addi %add3A_1660, %mul3A_1659 : vector<16xi32>
      %swap3A_1662 = arith.constant 6 : i32
      %swap3A_1663 = arith.index_cast %swap3A_1662 : i32 to index
      %swap3A_1664 = arith.constant 0 : index
      %swap3A_1665 = tpu.vector_load %arg7[%swap3A_1663, %swap3A_1664] {strides = array<i32>} : memref<10x128xi32, #tpu.memory_space<vmem>>, vector<1x16xi32>,
      %swap3A_1666 = vector.shape_cast %swap3A_1665 : vector<1x16xi32> to vector<16xi32>
      %swap3A_1667 = vector.shape_cast %add3A_1661 : vector<16xi32> to vector<1x16xi32>
      tpu.vector_store %arg7[%swap3A_1663, %swap3A_1664], %swap3A_1667 {strides = array<i32>} : memref<10x128xi32, #tpu.memory_space<vmem>>, vector<1x16xi32>,
      %add3A_1668 = arith.constant 16 : i32
      %add3A_1669 = vector.broadcast %add3A_1668 : i32 to vector<16xi32>
      %add3A_1670 = arith.addi %iota3A, %add3A_1669 : vector<16xi32>
      %mul3A_1671 = arith.constant 2 : i32
      %mul3A_1672 = vector.broadcast %mul3A_1671 : i32 to vector<16xi32>
      %mul3A_1673 = arith.muli %mul3A_1672, %add3A_1670 : vector<16xi32>
      %add3A_1674 = vector.broadcast %sub3A_1653 : i32 to vector<16xi32>
      %add3A_1675 = arith.addi %add3A_1674, %mul3A_1673 : vector<16xi32>
      %swap3A_1676 = arith.constant 6 : i32
      %swap3A_1677 = arith.index_cast %swap3A_1676 : i32 to index
      %swap3A_1678 = arith.constant 16 : index
      %swap3A_1679 = tpu.vector_load %arg7[%swap3A_1677, %swap3A_1678] {strides = array<i32>} : memref<10x128xi32, #tpu.memory_space<vmem>>, vector<1x16xi32>,
      %swap3A_1680 = vector.shape_cast %swap3A_1679 : vector<1x16xi32> to vector<16xi32>
      %swap3A_1681 = vector.shape_cast %add3A_1675 : vector<16xi32> to vector<1x16xi32>
      tpu.vector_store %arg7[%swap3A_1677, %swap3A_1678], %swap3A_1681 {strides = array<i32>} : memref<10x128xi32, #tpu.memory_space<vmem>>, vector<1x16xi32>,
      %add3A_1682 = arith.constant 32 : i32
      %add3A_1683 = vector.broadcast %add3A_1682 : i32 to vector<16xi32>
      %add3A_1684 = arith.addi %iota3A, %add3A_1683 : vector<16xi32>
      %mul3A_1685 = arith.constant 2 : i32
      %mul3A_1686 = vector.broadcast %mul3A_1685 : i32 to vector<16xi32>
      %mul3A_1687 = arith.muli %mul3A_1686, %add3A_1684 : vector<16xi32>
      %add3A_1688 = vector.broadcast %sub3A_1653 : i32 to vector<16xi32>
      %add3A_1689 = arith.addi %add3A_1688, %mul3A_1687 : vector<16xi32>
      %swap3A_1690 = arith.constant 6 : i32
      %swap3A_1691 = arith.index_cast %swap3A_1690 : i32 to index
      %swap3A_1692 = arith.constant 32 : index
      %swap3A_1693 = tpu.vector_load %arg7[%swap3A_1691, %swap3A_1692] {strides = array<i32>} : memref<10x128xi32, #tpu.memory_space<vmem>>, vector<1x16xi32>,
      %swap3A_1694 = vector.shape_cast %swap3A_1693 : vector<1x16xi32> to vector<16xi32>
      %swap3A_1695 = vector.shape_cast %add3A_1689 : vector<16xi32> to vector<1x16xi32>
      tpu.vector_store %arg7[%swap3A_1691, %swap3A_1692], %swap3A_1695 {strides = array<i32>} : memref<10x128xi32, #tpu.memory_space<vmem>>, vector<1x16xi32>,
      %add3A_1696 = arith.constant 48 : i32
      %add3A_1697 = vector.broadcast %add3A_1696 : i32 to vector<16xi32>
      %add3A_1698 = arith.addi %iota3A, %add3A_1697 : vector<16xi32>
      %mul3A_1699 = arith.constant 2 : i32
      %mul3A_1700 = vector.broadcast %mul3A_1699 : i32 to vector<16xi32>
      %mul3A_1701 = arith.muli %mul3A_1700, %add3A_1698 : vector<16xi32>
      %add3A_1702 = vector.broadcast %sub3A_1653 : i32 to vector<16xi32>
      %add3A_1703 = arith.addi %add3A_1702, %mul3A_1701 : vector<16xi32>
      %swap3A_1704 = arith.constant 6 : i32
      %swap3A_1705 = arith.index_cast %swap3A_1704 : i32 to index
      %swap3A_1706 = arith.constant 48 : index
      %swap3A_1707 = tpu.vector_load %arg7[%swap3A_1705, %swap3A_1706] {strides = array<i32>} : memref<10x128xi32, #tpu.memory_space<vmem>>, vector<1x16xi32>,
      %swap3A_1708 = vector.shape_cast %swap3A_1707 : vector<1x16xi32> to vector<16xi32>
      %swap3A_1709 = vector.shape_cast %add3A_1703 : vector<16xi32> to vector<1x16xi32>
      tpu.vector_store %arg7[%swap3A_1705, %swap3A_1706], %swap3A_1709 {strides = array<i32>} : memref<10x128xi32, #tpu.memory_space<vmem>>, vector<1x16xi32>,
      %add3A_1710 = arith.constant 64 : i32
      %add3A_1711 = vector.broadcast %add3A_1710 : i32 to vector<16xi32>
      %add3A_1712 = arith.addi %iota3A, %add3A_1711 : vector<16xi32>
      %mul3A_1713 = arith.constant 2 : i32
      %mul3A_1714 = vector.broadcast %mul3A_1713 : i32 to vector<16xi32>
      %mul3A_1715 = arith.muli %mul3A_1714, %add3A_1712 : vector<16xi32>
      %add3A_1716 = vector.broadcast %sub3A_1653 : i32 to vector<16xi32>
      %add3A_1717 = arith.addi %add3A_1716, %mul3A_1715 : vector<16xi32>
      %swap3A_1718 = arith.constant 6 : i32
      %swap3A_1719 = arith.index_cast %swap3A_1718 : i32 to index
      %swap3A_1720 = arith.constant 64 : index
      %swap3A_1721 = tpu.vector_load %arg7[%swap3A_1719, %swap3A_1720] {strides = array<i32>} : memref<10x128xi32, #tpu.memory_space<vmem>>, vector<1x16xi32>,
      %swap3A_1722 = vector.shape_cast %swap3A_1721 : vector<1x16xi32> to vector<16xi32>
      %swap3A_1723 = vector.shape_cast %add3A_1717 : vector<16xi32> to vector<1x16xi32>
      tpu.vector_store %arg7[%swap3A_1719, %swap3A_1720], %swap3A_1723 {strides = array<i32>} : memref<10x128xi32, #tpu.memory_space<vmem>>, vector<1x16xi32>,
      %add3A_1724 = arith.constant 80 : i32
      %add3A_1725 = vector.broadcast %add3A_1724 : i32 to vector<16xi32>
      %add3A_1726 = arith.addi %iota3A, %add3A_1725 : vector<16xi32>
      %mul3A_1727 = arith.constant 2 : i32
      %mul3A_1728 = vector.broadcast %mul3A_1727 : i32 to vector<16xi32>
      %mul3A_1729 = arith.muli %mul3A_1728, %add3A_1726 : vector<16xi32>
      %add3A_1730 = vector.broadcast %sub3A_1653 : i32 to vector<16xi32>
      %add3A_1731 = arith.addi %add3A_1730, %mul3A_1729 : vector<16xi32>
      %swap3A_1732 = arith.constant 6 : i32
      %swap3A_1733 = arith.index_cast %swap3A_1732 : i32 to index
      %swap3A_1734 = arith.constant 80 : index
      %swap3A_1735 = tpu.vector_load %arg7[%swap3A_1733, %swap3A_1734] {strides = array<i32>} : memref<10x128xi32, #tpu.memory_space<vmem>>, vector<1x16xi32>,
      %swap3A_1736 = vector.shape_cast %swap3A_1735 : vector<1x16xi32> to vector<16xi32>
      %swap3A_1737 = vector.shape_cast %add3A_1731 : vector<16xi32> to vector<1x16xi32>
      tpu.vector_store %arg7[%swap3A_1733, %swap3A_1734], %swap3A_1737 {strides = array<i32>} : memref<10x128xi32, #tpu.memory_space<vmem>>, vector<1x16xi32>,
      %add3A_1738 = arith.constant 96 : i32
      %add3A_1739 = vector.broadcast %add3A_1738 : i32 to vector<16xi32>
      %add3A_1740 = arith.addi %iota3A, %add3A_1739 : vector<16xi32>
      %mul3A_1741 = arith.constant 2 : i32
      %mul3A_1742 = vector.broadcast %mul3A_1741 : i32 to vector<16xi32>
      %mul3A_1743 = arith.muli %mul3A_1742, %add3A_1740 : vector<16xi32>
      %add3A_1744 = vector.broadcast %sub3A_1653 : i32 to vector<16xi32>
      %add3A_1745 = arith.addi %add3A_1744, %mul3A_1743 : vector<16xi32>
      %swap3A_1746 = arith.constant 6 : i32
      %swap3A_1747 = arith.index_cast %swap3A_1746 : i32 to index
      %swap3A_1748 = arith.constant 96 : index
      %swap3A_1749 = tpu.vector_load %arg7[%swap3A_1747, %swap3A_1748] {strides = array<i32>} : memref<10x128xi32, #tpu.memory_space<vmem>>, vector<1x16xi32>,
      %swap3A_1750 = vector.shape_cast %swap3A_1749 : vector<1x16xi32> to vector<16xi32>
      %swap3A_1751 = vector.shape_cast %add3A_1745 : vector<16xi32> to vector<1x16xi32>
      tpu.vector_store %arg7[%swap3A_1747, %swap3A_1748], %swap3A_1751 {strides = array<i32>} : memref<10x128xi32, #tpu.memory_space<vmem>>, vector<1x16xi32>,
      %add3A_1752 = arith.constant 112 : i32
      %add3A_1753 = vector.broadcast %add3A_1752 : i32 to vector<16xi32>
      %add3A_1754 = arith.addi %iota3A, %add3A_1753 : vector<16xi32>
      %mul3A_1755 = arith.constant 2 : i32
      %mul3A_1756 = vector.broadcast %mul3A_1755 : i32 to vector<16xi32>
      %mul3A_1757 = arith.muli %mul3A_1756, %add3A_1754 : vector<16xi32>
      %add3A_1758 = vector.broadcast %sub3A_1653 : i32 to vector<16xi32>
      %add3A_1759 = arith.addi %add3A_1758, %mul3A_1757 : vector<16xi32>
      %swap3A_1760 = arith.constant 6 : i32
      %swap3A_1761 = arith.index_cast %swap3A_1760 : i32 to index
      %swap3A_1762 = arith.constant 112 : index
      %swap3A_1763 = tpu.vector_load %arg7[%swap3A_1761, %swap3A_1762] {strides = array<i32>} : memref<10x128xi32, #tpu.memory_space<vmem>>, vector<1x16xi32>,
      %swap3A_1764 = vector.shape_cast %swap3A_1763 : vector<1x16xi32> to vector<16xi32>
      %swap3A_1765 = vector.shape_cast %add3A_1759 : vector<16xi32> to vector<1x16xi32>
      tpu.vector_store %arg7[%swap3A_1761, %swap3A_1762], %swap3A_1765 {strides = array<i32>} : memref<10x128xi32, #tpu.memory_space<vmem>>, vector<1x16xi32>,
      %dma_start3A_1766 = arith.constant 6 : i32
      %dma_start3A_1767 = arith.constant 768 : i32
      %dma_start3A_1768 = arith.constant 0 : i32
      %dma_start3A_1769 = tpu.memref_slice %arg6[%dma_start3A_1767, %dma_start3A_1768] : memref<1280x64xf32, #tpu.memory_space<vmem>> -> memref<128x64xf32, #tpu.memory_space<vmem>>
      %dma_start3A_1770 = arith.constant 0 : i32
      %dma_start3A_1771 = tpu.memref_slice %arg7[%dma_start3A_1766, %dma_start3A_1770] : memref<10x128xi32, #tpu.memory_space<vmem>> -> memref<1x128xi32, #tpu.memory_space<vmem>>
      %dma_start3A_1772 = tpu.memref_squeeze %dma_start3A_1771 : memref<1x128xi32, #tpu.memory_space<vmem>> -> memref<128xi32, #tpu.memory_space<vmem>>
      %dma_start3A_1773 = arith.constant 0 : i32
      %dma_start3A_1774 = arith.constant 0 : i32
      %dma_start3A_1775 = tpu.memref_slice %arg4[%dma_start3A_1773, %dma_start3A_1774] : memref<819200x64xf32, #tpu.memory_space<hbm>> -> memref<819200x64xf32, #tpu.memory_space<hbm>>
      tpu.enqueue_indirect_dma source(%dma_start3A_1769 : memref<128x64xf32, #tpu.memory_space<vmem>>) target(%dma_start3A_1775 : memref<819200x64xf32, #tpu.memory_space<hbm>>) offsets(%dma_start3A_1772 : memref<128xi32, #tpu.memory_space<vmem>>) semaphore(%arg9 : memref<!tpu.dma_semaphore, #tpu.memory_space<semaphore_mem>>)
      %mul3A_1776 = arith.constant 10 : i32
      %mul3A_1777 = arith.muli %scan3A_109, %mul3A_1776 : i32
      %add3A_1778 = arith.addi %mul3A_4, %mul3A_1777 : i32
      %add3A_1779 = arith.constant 7 : i32
      %add3A_1780 = arith.addi %add3A_1778, %add3A_1779 : i32
      %jit3A_1781 = arith.constant 256 : i32
      %div3A_1782 = arith.divsi %add3A_1780, %jit3A_1781 : i32
      %sign3A_1783 = arith.constant 0 : i32
      %sign3A_1784 = arith.cmpi sgt, %add3A_1780, %sign3A_1783 : i32
      %sign3A_1785 = arith.extui %sign3A_1784 : i1 to i32
      %sign3A_1786 = arith.constant 0 : i32
      %sign3A_1787 = arith.cmpi slt, %add3A_1780, %sign3A_1786 : i32
      %sign3A_1788 = arith.extui %sign3A_1787 : i1 to i32
      %sign3A_1789 = arith.subi %sign3A_1785, %sign3A_1788 : i32
      %sign3A_1790 = arith.constant 0 : i32
      %sign3A_1791 = arith.cmpi sgt, %jit3A_1781, %sign3A_1790 : i32
      %sign3A_1792 = arith.extui %sign3A_1791 : i1 to i32
      %sign3A_1793 = arith.constant 0 : i32
      %sign3A_1794 = arith.cmpi slt, %jit3A_1781, %sign3A_1793 : i32
      %sign3A_1795 = arith.extui %sign3A_1794 : i1 to i32
      %sign3A_1796 = arith.subi %sign3A_1792, %sign3A_1795 : i32
      %ne3A_1797 = arith.cmpi ne, %sign3A_1789, %sign3A_1796 : i32
      %rem3A_1798 = arith.remsi %add3A_1780, %jit3A_1781 : i32
      %ne3A_1799 = arith.constant 0 : i32
      %ne3A_1800 = arith.cmpi ne, %rem3A_1798, %ne3A_1799 : i32
      %and3A_1801 = arith.andi %ne3A_1797, %ne3A_1800 : i1
      %sub3A_1802 = arith.constant 1 : i32
      %sub3A_1803 = arith.subi %div3A_1782, %sub3A_1802 : i32
      %select_n3A_1804 = arith.select %and3A_1801, %sub3A_1803, %div3A_1782 : i32
      %jit3A_1805 = arith.constant 8 : i32
      %div3A_1806 = arith.divsi %add3A_1780, %jit3A_1805 : i32
      %sign3A_1807 = arith.constant 0 : i32
      %sign3A_1808 = arith.cmpi sgt, %add3A_1780, %sign3A_1807 : i32
      %sign3A_1809 = arith.extui %sign3A_1808 : i1 to i32
      %sign3A_1810 = arith.constant 0 : i32
      %sign3A_1811 = arith.cmpi slt, %add3A_1780, %sign3A_1810 : i32
      %sign3A_1812 = arith.extui %sign3A_1811 : i1 to i32
      %sign3A_1813 = arith.subi %sign3A_1809, %sign3A_1812 : i32
      %sign3A_1814 = arith.constant 0 : i32
      %sign3A_1815 = arith.cmpi sgt, %jit3A_1805, %sign3A_1814 : i32
      %sign3A_1816 = arith.extui %sign3A_1815 : i1 to i32
      %sign3A_1817 = arith.constant 0 : i32
      %sign3A_1818 = arith.cmpi slt, %jit3A_1805, %sign3A_1817 : i32
      %sign3A_1819 = arith.extui %sign3A_1818 : i1 to i32
      %sign3A_1820 = arith.subi %sign3A_1816, %sign3A_1819 : i32
      %ne3A_1821 = arith.cmpi ne, %sign3A_1813, %sign3A_1820 : i32
      %rem3A_1822 = arith.remsi %add3A_1780, %jit3A_1805 : i32
      %ne3A_1823 = arith.constant 0 : i32
      %ne3A_1824 = arith.cmpi ne, %rem3A_1822, %ne3A_1823 : i32
      %and3A_1825 = arith.andi %ne3A_1821, %ne3A_1824 : i1
      %sub3A_1826 = arith.constant 1 : i32
      %sub3A_1827 = arith.subi %div3A_1806, %sub3A_1826 : i32
      %select_n3A_1828 = arith.select %and3A_1825, %sub3A_1827, %div3A_1806 : i32
      %rem3A_1829 = arith.constant 32 : i32
      %rem3A_1830 = arith.remsi %select_n3A_1828, %rem3A_1829 : i32
      %rem3A_1831 = arith.constant 8 : i32
      %rem3A_1832 = arith.remsi %add3A_1780, %rem3A_1831 : i32
      %mul3A_1833 = arith.constant 8 : i32
      %mul3A_1834 = arith.muli %select_n3A_1804, %mul3A_1833 : i32
      %add3A_1835 = arith.addi %mul3A_1834, %rem3A_1832 : i32
      %mul3A_1836 = arith.constant 128 : i32
      %mul3A_1837 = arith.muli %rem3A_1830, %mul3A_1836 : i32
      %jit3A_1838 = arith.constant 16 : i32
      %div3A_1839 = arith.divsi %rem3A_1830, %jit3A_1838 : i32
      %sign3A_1840 = arith.constant 0 : i32
      %sign3A_1841 = arith.cmpi sgt, %rem3A_1830, %sign3A_1840 : i32
      %sign3A_1842 = arith.extui %sign3A_1841 : i1 to i32
      %sign3A_1843 = arith.constant 0 : i32
      %sign3A_1844 = arith.cmpi slt, %rem3A_1830, %sign3A_1843 : i32
      %sign3A_1845 = arith.extui %sign3A_1844 : i1 to i32
      %sign3A_1846 = arith.subi %sign3A_1842, %sign3A_1845 : i32
      %sign3A_1847 = arith.constant 0 : i32
      %sign3A_1848 = arith.cmpi sgt, %jit3A_1838, %sign3A_1847 : i32
      %sign3A_1849 = arith.extui %sign3A_1848 : i1 to i32
      %sign3A_1850 = arith.constant 0 : i32
      %sign3A_1851 = arith.cmpi slt, %jit3A_1838, %sign3A_1850 : i32
      %sign3A_1852 = arith.extui %sign3A_1851 : i1 to i32
      %sign3A_1853 = arith.subi %sign3A_1849, %sign3A_1852 : i32
      %ne3A_1854 = arith.cmpi ne, %sign3A_1846, %sign3A_1853 : i32
      %rem3A_1855 = arith.remsi %rem3A_1830, %jit3A_1838 : i32
      %ne3A_1856 = arith.constant 0 : i32
      %ne3A_1857 = arith.cmpi ne, %rem3A_1855, %ne3A_1856 : i32
      %and3A_1858 = arith.andi %ne3A_1854, %ne3A_1857 : i1
      %sub3A_1859 = arith.constant 1 : i32
      %sub3A_1860 = arith.subi %div3A_1839, %sub3A_1859 : i32
      %select_n3A_1861 = arith.select %and3A_1858, %sub3A_1860, %div3A_1839 : i32
      %mul3A_1862 = arith.constant 4096 : i32
      %mul3A_1863 = arith.muli %add3A_1835, %mul3A_1862 : i32
      %mul3A_1864 = arith.constant 2 : i32
      %mul3A_1865 = arith.muli %mul3A_1864, %mul3A_1837 : i32
      %add3A_1866 = arith.addi %mul3A_1863, %mul3A_1865 : i32
      %mul3A_1867 = arith.constant 4095 : i32
      %mul3A_1868 = arith.muli %select_n3A_1861, %mul3A_1867 : i32
      %sub3A_1869 = arith.subi %add3A_1866, %mul3A_1868 : i32
      %add3A_1870 = arith.constant 0 : i32
      %add3A_1871 = vector.broadcast %add3A_1870 : i32 to vector<16xi32>
      %add3A_1872 = arith.addi %iota3A, %add3A_1871 : vector<16xi32>
      %mul3A_1873 = arith.constant 2 : i32
      %mul3A_1874 = vector.broadcast %mul3A_1873 : i32 to vector<16xi32>
      %mul3A_1875 = arith.muli %mul3A_1874, %add3A_1872 : vector<16xi32>
      %add3A_1876 = vector.broadcast %sub3A_1869 : i32 to vector<16xi32>
      %add3A_1877 = arith.addi %add3A_1876, %mul3A_1875 : vector<16xi32>
      %swap3A_1878 = arith.constant 7 : i32
      %swap3A_1879 = arith.index_cast %swap3A_1878 : i32 to index
      %swap3A_1880 = arith.constant 0 : index
      %swap3A_1881 = tpu.vector_load %arg7[%swap3A_1879, %swap3A_1880] {strides = array<i32>} : memref<10x128xi32, #tpu.memory_space<vmem>>, vector<1x16xi32>,
      %swap3A_1882 = vector.shape_cast %swap3A_1881 : vector<1x16xi32> to vector<16xi32>
      %swap3A_1883 = vector.shape_cast %add3A_1877 : vector<16xi32> to vector<1x16xi32>
      tpu.vector_store %arg7[%swap3A_1879, %swap3A_1880], %swap3A_1883 {strides = array<i32>} : memref<10x128xi32, #tpu.memory_space<vmem>>, vector<1x16xi32>,
      %add3A_1884 = arith.constant 16 : i32
      %add3A_1885 = vector.broadcast %add3A_1884 : i32 to vector<16xi32>
      %add3A_1886 = arith.addi %iota3A, %add3A_1885 : vector<16xi32>
      %mul3A_1887 = arith.constant 2 : i32
      %mul3A_1888 = vector.broadcast %mul3A_1887 : i32 to vector<16xi32>
      %mul3A_1889 = arith.muli %mul3A_1888, %add3A_1886 : vector<16xi32>
      %add3A_1890 = vector.broadcast %sub3A_1869 : i32 to vector<16xi32>
      %add3A_1891 = arith.addi %add3A_1890, %mul3A_1889 : vector<16xi32>
      %swap3A_1892 = arith.constant 7 : i32
      %swap3A_1893 = arith.index_cast %swap3A_1892 : i32 to index
      %swap3A_1894 = arith.constant 16 : index
      %swap3A_1895 = tpu.vector_load %arg7[%swap3A_1893, %swap3A_1894] {strides = array<i32>} : memref<10x128xi32, #tpu.memory_space<vmem>>, vector<1x16xi32>,
      %swap3A_1896 = vector.shape_cast %swap3A_1895 : vector<1x16xi32> to vector<16xi32>
      %swap3A_1897 = vector.shape_cast %add3A_1891 : vector<16xi32> to vector<1x16xi32>
      tpu.vector_store %arg7[%swap3A_1893, %swap3A_1894], %swap3A_1897 {strides = array<i32>} : memref<10x128xi32, #tpu.memory_space<vmem>>, vector<1x16xi32>,
      %add3A_1898 = arith.constant 32 : i32
      %add3A_1899 = vector.broadcast %add3A_1898 : i32 to vector<16xi32>
      %add3A_1900 = arith.addi %iota3A, %add3A_1899 : vector<16xi32>
      %mul3A_1901 = arith.constant 2 : i32
      %mul3A_1902 = vector.broadcast %mul3A_1901 : i32 to vector<16xi32>
      %mul3A_1903 = arith.muli %mul3A_1902, %add3A_1900 : vector<16xi32>
      %add3A_1904 = vector.broadcast %sub3A_1869 : i32 to vector<16xi32>
      %add3A_1905 = arith.addi %add3A_1904, %mul3A_1903 : vector<16xi32>
      %swap3A_1906 = arith.constant 7 : i32
      %swap3A_1907 = arith.index_cast %swap3A_1906 : i32 to index
      %swap3A_1908 = arith.constant 32 : index
      %swap3A_1909 = tpu.vector_load %arg7[%swap3A_1907, %swap3A_1908] {strides = array<i32>} : memref<10x128xi32, #tpu.memory_space<vmem>>, vector<1x16xi32>,
      %swap3A_1910 = vector.shape_cast %swap3A_1909 : vector<1x16xi32> to vector<16xi32>
      %swap3A_1911 = vector.shape_cast %add3A_1905 : vector<16xi32> to vector<1x16xi32>
      tpu.vector_store %arg7[%swap3A_1907, %swap3A_1908], %swap3A_1911 {strides = array<i32>} : memref<10x128xi32, #tpu.memory_space<vmem>>, vector<1x16xi32>,
      %add3A_1912 = arith.constant 48 : i32
      %add3A_1913 = vector.broadcast %add3A_1912 : i32 to vector<16xi32>
      %add3A_1914 = arith.addi %iota3A, %add3A_1913 : vector<16xi32>
      %mul3A_1915 = arith.constant 2 : i32
      %mul3A_1916 = vector.broadcast %mul3A_1915 : i32 to vector<16xi32>
      %mul3A_1917 = arith.muli %mul3A_1916, %add3A_1914 : vector<16xi32>
      %add3A_1918 = vector.broadcast %sub3A_1869 : i32 to vector<16xi32>
      %add3A_1919 = arith.addi %add3A_1918, %mul3A_1917 : vector<16xi32>
      %swap3A_1920 = arith.constant 7 : i32
      %swap3A_1921 = arith.index_cast %swap3A_1920 : i32 to index
      %swap3A_1922 = arith.constant 48 : index
      %swap3A_1923 = tpu.vector_load %arg7[%swap3A_1921, %swap3A_1922] {strides = array<i32>} : memref<10x128xi32, #tpu.memory_space<vmem>>, vector<1x16xi32>,
      %swap3A_1924 = vector.shape_cast %swap3A_1923 : vector<1x16xi32> to vector<16xi32>
      %swap3A_1925 = vector.shape_cast %add3A_1919 : vector<16xi32> to vector<1x16xi32>
      tpu.vector_store %arg7[%swap3A_1921, %swap3A_1922], %swap3A_1925 {strides = array<i32>} : memref<10x128xi32, #tpu.memory_space<vmem>>, vector<1x16xi32>,
      %add3A_1926 = arith.constant 64 : i32
      %add3A_1927 = vector.broadcast %add3A_1926 : i32 to vector<16xi32>
      %add3A_1928 = arith.addi %iota3A, %add3A_1927 : vector<16xi32>
      %mul3A_1929 = arith.constant 2 : i32
      %mul3A_1930 = vector.broadcast %mul3A_1929 : i32 to vector<16xi32>
      %mul3A_1931 = arith.muli %mul3A_1930, %add3A_1928 : vector<16xi32>
      %add3A_1932 = vector.broadcast %sub3A_1869 : i32 to vector<16xi32>
      %add3A_1933 = arith.addi %add3A_1932, %mul3A_1931 : vector<16xi32>
      %swap3A_1934 = arith.constant 7 : i32
      %swap3A_1935 = arith.index_cast %swap3A_1934 : i32 to index
      %swap3A_1936 = arith.constant 64 : index
      %swap3A_1937 = tpu.vector_load %arg7[%swap3A_1935, %swap3A_1936] {strides = array<i32>} : memref<10x128xi32, #tpu.memory_space<vmem>>, vector<1x16xi32>,
      %swap3A_1938 = vector.shape_cast %swap3A_1937 : vector<1x16xi32> to vector<16xi32>
      %swap3A_1939 = vector.shape_cast %add3A_1933 : vector<16xi32> to vector<1x16xi32>
      tpu.vector_store %arg7[%swap3A_1935, %swap3A_1936], %swap3A_1939 {strides = array<i32>} : memref<10x128xi32, #tpu.memory_space<vmem>>, vector<1x16xi32>,
      %add3A_1940 = arith.constant 80 : i32
      %add3A_1941 = vector.broadcast %add3A_1940 : i32 to vector<16xi32>
      %add3A_1942 = arith.addi %iota3A, %add3A_1941 : vector<16xi32>
      %mul3A_1943 = arith.constant 2 : i32
      %mul3A_1944 = vector.broadcast %mul3A_1943 : i32 to vector<16xi32>
      %mul3A_1945 = arith.muli %mul3A_1944, %add3A_1942 : vector<16xi32>
      %add3A_1946 = vector.broadcast %sub3A_1869 : i32 to vector<16xi32>
      %add3A_1947 = arith.addi %add3A_1946, %mul3A_1945 : vector<16xi32>
      %swap3A_1948 = arith.constant 7 : i32
      %swap3A_1949 = arith.index_cast %swap3A_1948 : i32 to index
      %swap3A_1950 = arith.constant 80 : index
      %swap3A_1951 = tpu.vector_load %arg7[%swap3A_1949, %swap3A_1950] {strides = array<i32>} : memref<10x128xi32, #tpu.memory_space<vmem>>, vector<1x16xi32>,
      %swap3A_1952 = vector.shape_cast %swap3A_1951 : vector<1x16xi32> to vector<16xi32>
      %swap3A_1953 = vector.shape_cast %add3A_1947 : vector<16xi32> to vector<1x16xi32>
      tpu.vector_store %arg7[%swap3A_1949, %swap3A_1950], %swap3A_1953 {strides = array<i32>} : memref<10x128xi32, #tpu.memory_space<vmem>>, vector<1x16xi32>,
      %add3A_1954 = arith.constant 96 : i32
      %add3A_1955 = vector.broadcast %add3A_1954 : i32 to vector<16xi32>
      %add3A_1956 = arith.addi %iota3A, %add3A_1955 : vector<16xi32>
      %mul3A_1957 = arith.constant 2 : i32
      %mul3A_1958 = vector.broadcast %mul3A_1957 : i32 to vector<16xi32>
      %mul3A_1959 = arith.muli %mul3A_1958, %add3A_1956 : vector<16xi32>
      %add3A_1960 = vector.broadcast %sub3A_1869 : i32 to vector<16xi32>
      %add3A_1961 = arith.addi %add3A_1960, %mul3A_1959 : vector<16xi32>
      %swap3A_1962 = arith.constant 7 : i32
      %swap3A_1963 = arith.index_cast %swap3A_1962 : i32 to index
      %swap3A_1964 = arith.constant 96 : index
      %swap3A_1965 = tpu.vector_load %arg7[%swap3A_1963, %swap3A_1964] {strides = array<i32>} : memref<10x128xi32, #tpu.memory_space<vmem>>, vector<1x16xi32>,
      %swap3A_1966 = vector.shape_cast %swap3A_1965 : vector<1x16xi32> to vector<16xi32>
      %swap3A_1967 = vector.shape_cast %add3A_1961 : vector<16xi32> to vector<1x16xi32>
      tpu.vector_store %arg7[%swap3A_1963, %swap3A_1964], %swap3A_1967 {strides = array<i32>} : memref<10x128xi32, #tpu.memory_space<vmem>>, vector<1x16xi32>,
      %add3A_1968 = arith.constant 112 : i32
      %add3A_1969 = vector.broadcast %add3A_1968 : i32 to vector<16xi32>
      %add3A_1970 = arith.addi %iota3A, %add3A_1969 : vector<16xi32>
      %mul3A_1971 = arith.constant 2 : i32
      %mul3A_1972 = vector.broadcast %mul3A_1971 : i32 to vector<16xi32>
      %mul3A_1973 = arith.muli %mul3A_1972, %add3A_1970 : vector<16xi32>
      %add3A_1974 = vector.broadcast %sub3A_1869 : i32 to vector<16xi32>
      %add3A_1975 = arith.addi %add3A_1974, %mul3A_1973 : vector<16xi32>
      %swap3A_1976 = arith.constant 7 : i32
      %swap3A_1977 = arith.index_cast %swap3A_1976 : i32 to index
      %swap3A_1978 = arith.constant 112 : index
      %swap3A_1979 = tpu.vector_load %arg7[%swap3A_1977, %swap3A_1978] {strides = array<i32>} : memref<10x128xi32, #tpu.memory_space<vmem>>, vector<1x16xi32>,
      %swap3A_1980 = vector.shape_cast %swap3A_1979 : vector<1x16xi32> to vector<16xi32>
      %swap3A_1981 = vector.shape_cast %add3A_1975 : vector<16xi32> to vector<1x16xi32>
      tpu.vector_store %arg7[%swap3A_1977, %swap3A_1978], %swap3A_1981 {strides = array<i32>} : memref<10x128xi32, #tpu.memory_space<vmem>>, vector<1x16xi32>,
      %dma_start3A_1982 = arith.constant 7 : i32
      %dma_start3A_1983 = arith.constant 896 : i32
      %dma_start3A_1984 = arith.constant 0 : i32
      %dma_start3A_1985 = tpu.memref_slice %arg6[%dma_start3A_1983, %dma_start3A_1984] : memref<1280x64xf32, #tpu.memory_space<vmem>> -> memref<128x64xf32, #tpu.memory_space<vmem>>
      %dma_start3A_1986 = arith.constant 0 : i32
      %dma_start3A_1987 = tpu.memref_slice %arg7[%dma_start3A_1982, %dma_start3A_1986] : memref<10x128xi32, #tpu.memory_space<vmem>> -> memref<1x128xi32, #tpu.memory_space<vmem>>
      %dma_start3A_1988 = tpu.memref_squeeze %dma_start3A_1987 : memref<1x128xi32, #tpu.memory_space<vmem>> -> memref<128xi32, #tpu.memory_space<vmem>>
      %dma_start3A_1989 = arith.constant 0 : i32
      %dma_start3A_1990 = arith.constant 0 : i32
      %dma_start3A_1991 = tpu.memref_slice %arg4[%dma_start3A_1989, %dma_start3A_1990] : memref<819200x64xf32, #tpu.memory_space<hbm>> -> memref<819200x64xf32, #tpu.memory_space<hbm>>
      tpu.enqueue_indirect_dma source(%dma_start3A_1985 : memref<128x64xf32, #tpu.memory_space<vmem>>) target(%dma_start3A_1991 : memref<819200x64xf32, #tpu.memory_space<hbm>>) offsets(%dma_start3A_1988 : memref<128xi32, #tpu.memory_space<vmem>>) semaphore(%arg9 : memref<!tpu.dma_semaphore, #tpu.memory_space<semaphore_mem>>)
      %mul3A_1992 = arith.constant 10 : i32
      %mul3A_1993 = arith.muli %scan3A_109, %mul3A_1992 : i32
      %add3A_1994 = arith.addi %mul3A_4, %mul3A_1993 : i32
      %add3A_1995 = arith.constant 8 : i32
      %add3A_1996 = arith.addi %add3A_1994, %add3A_1995 : i32
      %jit3A_1997 = arith.constant 256 : i32
      %div3A_1998 = arith.divsi %add3A_1996, %jit3A_1997 : i32
      %sign3A_1999 = arith.constant 0 : i32
      %sign3A_2000 = arith.cmpi sgt, %add3A_1996, %sign3A_1999 : i32
      %sign3A_2001 = arith.extui %sign3A_2000 : i1 to i32
      %sign3A_2002 = arith.constant 0 : i32
      %sign3A_2003 = arith.cmpi slt, %add3A_1996, %sign3A_2002 : i32
      %sign3A_2004 = arith.extui %sign3A_2003 : i1 to i32
      %sign3A_2005 = arith.subi %sign3A_2001, %sign3A_2004 : i32
      %sign3A_2006 = arith.constant 0 : i32
      %sign3A_2007 = arith.cmpi sgt, %jit3A_1997, %sign3A_2006 : i32
      %sign3A_2008 = arith.extui %sign3A_2007 : i1 to i32
      %sign3A_2009 = arith.constant 0 : i32
      %sign3A_2010 = arith.cmpi slt, %jit3A_1997, %sign3A_2009 : i32
      %sign3A_2011 = arith.extui %sign3A_2010 : i1 to i32
      %sign3A_2012 = arith.subi %sign3A_2008, %sign3A_2011 : i32
      %ne3A_2013 = arith.cmpi ne, %sign3A_2005, %sign3A_2012 : i32
      %rem3A_2014 = arith.remsi %add3A_1996, %jit3A_1997 : i32
      %ne3A_2015 = arith.constant 0 : i32
      %ne3A_2016 = arith.cmpi ne, %rem3A_2014, %ne3A_2015 : i32
      %and3A_2017 = arith.andi %ne3A_2013, %ne3A_2016 : i1
      %sub3A_2018 = arith.constant 1 : i32
      %sub3A_2019 = arith.subi %div3A_1998, %sub3A_2018 : i32
      %select_n3A_2020 = arith.select %and3A_2017, %sub3A_2019, %div3A_1998 : i32
      %jit3A_2021 = arith.constant 8 : i32
      %div3A_2022 = arith.divsi %add3A_1996, %jit3A_2021 : i32
      %sign3A_2023 = arith.constant 0 : i32
      %sign3A_2024 = arith.cmpi sgt, %add3A_1996, %sign3A_2023 : i32
      %sign3A_2025 = arith.extui %sign3A_2024 : i1 to i32
      %sign3A_2026 = arith.constant 0 : i32
      %sign3A_2027 = arith.cmpi slt, %add3A_1996, %sign3A_2026 : i32
      %sign3A_2028 = arith.extui %sign3A_2027 : i1 to i32
      %sign3A_2029 = arith.subi %sign3A_2025, %sign3A_2028 : i32
      %sign3A_2030 = arith.constant 0 : i32
      %sign3A_2031 = arith.cmpi sgt, %jit3A_2021, %sign3A_2030 : i32
      %sign3A_2032 = arith.extui %sign3A_2031 : i1 to i32
      %sign3A_2033 = arith.constant 0 : i32
      %sign3A_2034 = arith.cmpi slt, %jit3A_2021, %sign3A_2033 : i32
      %sign3A_2035 = arith.extui %sign3A_2034 : i1 to i32
      %sign3A_2036 = arith.subi %sign3A_2032, %sign3A_2035 : i32
      %ne3A_2037 = arith.cmpi ne, %sign3A_2029, %sign3A_2036 : i32
      %rem3A_2038 = arith.remsi %add3A_1996, %jit3A_2021 : i32
      %ne3A_2039 = arith.constant 0 : i32
      %ne3A_2040 = arith.cmpi ne, %rem3A_2038, %ne3A_2039 : i32
      %and3A_2041 = arith.andi %ne3A_2037, %ne3A_2040 : i1
      %sub3A_2042 = arith.constant 1 : i32
      %sub3A_2043 = arith.subi %div3A_2022, %sub3A_2042 : i32
      %select_n3A_2044 = arith.select %and3A_2041, %sub3A_2043, %div3A_2022 : i32
      %rem3A_2045 = arith.constant 32 : i32
      %rem3A_2046 = arith.remsi %select_n3A_2044, %rem3A_2045 : i32
      %rem3A_2047 = arith.constant 8 : i32
      %rem3A_2048 = arith.remsi %add3A_1996, %rem3A_2047 : i32
      %mul3A_2049 = arith.constant 8 : i32
      %mul3A_2050 = arith.muli %select_n3A_2020, %mul3A_2049 : i32
      %add3A_2051 = arith.addi %mul3A_2050, %rem3A_2048 : i32
      %mul3A_2052 = arith.constant 128 : i32
      %mul3A_2053 = arith.muli %rem3A_2046, %mul3A_2052 : i32
      %jit3A_2054 = arith.constant 16 : i32
      %div3A_2055 = arith.divsi %rem3A_2046, %jit3A_2054 : i32
      %sign3A_2056 = arith.constant 0 : i32
      %sign3A_2057 = arith.cmpi sgt, %rem3A_2046, %sign3A_2056 : i32
      %sign3A_2058 = arith.extui %sign3A_2057 : i1 to i32
      %sign3A_2059 = arith.constant 0 : i32
      %sign3A_2060 = arith.cmpi slt, %rem3A_2046, %sign3A_2059 : i32
      %sign3A_2061 = arith.extui %sign3A_2060 : i1 to i32
      %sign3A_2062 = arith.subi %sign3A_2058, %sign3A_2061 : i32
      %sign3A_2063 = arith.constant 0 : i32
      %sign3A_2064 = arith.cmpi sgt, %jit3A_2054, %sign3A_2063 : i32
      %sign3A_2065 = arith.extui %sign3A_2064 : i1 to i32
      %sign3A_2066 = arith.constant 0 : i32
      %sign3A_2067 = arith.cmpi slt, %jit3A_2054, %sign3A_2066 : i32
      %sign3A_2068 = arith.extui %sign3A_2067 : i1 to i32
      %sign3A_2069 = arith.subi %sign3A_2065, %sign3A_2068 : i32
      %ne3A_2070 = arith.cmpi ne, %sign3A_2062, %sign3A_2069 : i32
      %rem3A_2071 = arith.remsi %rem3A_2046, %jit3A_2054 : i32
      %ne3A_2072 = arith.constant 0 : i32
      %ne3A_2073 = arith.cmpi ne, %rem3A_2071, %ne3A_2072 : i32
      %and3A_2074 = arith.andi %ne3A_2070, %ne3A_2073 : i1
      %sub3A_2075 = arith.constant 1 : i32
      %sub3A_2076 = arith.subi %div3A_2055, %sub3A_2075 : i32
      %select_n3A_2077 = arith.select %and3A_2074, %sub3A_2076, %div3A_2055 : i32
      %mul3A_2078 = arith.constant 4096 : i32
      %mul3A_2079 = arith.muli %add3A_2051, %mul3A_2078 : i32
      %mul3A_2080 = arith.constant 2 : i32
      %mul3A_2081 = arith.muli %mul3A_2080, %mul3A_2053 : i32
      %add3A_2082 = arith.addi %mul3A_2079, %mul3A_2081 : i32
      %mul3A_2083 = arith.constant 4095 : i32
      %mul3A_2084 = arith.muli %select_n3A_2077, %mul3A_2083 : i32
      %sub3A_2085 = arith.subi %add3A_2082, %mul3A_2084 : i32
      %add3A_2086 = arith.constant 0 : i32
      %add3A_2087 = vector.broadcast %add3A_2086 : i32 to vector<16xi32>
      %add3A_2088 = arith.addi %iota3A, %add3A_2087 : vector<16xi32>
      %mul3A_2089 = arith.constant 2 : i32
      %mul3A_2090 = vector.broadcast %mul3A_2089 : i32 to vector<16xi32>
      %mul3A_2091 = arith.muli %mul3A_2090, %add3A_2088 : vector<16xi32>
      %add3A_2092 = vector.broadcast %sub3A_2085 : i32 to vector<16xi32>
      %add3A_2093 = arith.addi %add3A_2092, %mul3A_2091 : vector<16xi32>
      %swap3A_2094 = arith.constant 8 : i32
      %swap3A_2095 = arith.index_cast %swap3A_2094 : i32 to index
      %swap3A_2096 = arith.constant 0 : index
      %swap3A_2097 = tpu.vector_load %arg7[%swap3A_2095, %swap3A_2096] {strides = array<i32>} : memref<10x128xi32, #tpu.memory_space<vmem>>, vector<1x16xi32>,
      %swap3A_2098 = vector.shape_cast %swap3A_2097 : vector<1x16xi32> to vector<16xi32>
      %swap3A_2099 = vector.shape_cast %add3A_2093 : vector<16xi32> to vector<1x16xi32>
      tpu.vector_store %arg7[%swap3A_2095, %swap3A_2096], %swap3A_2099 {strides = array<i32>} : memref<10x128xi32, #tpu.memory_space<vmem>>, vector<1x16xi32>,
      %add3A_2100 = arith.constant 16 : i32
      %add3A_2101 = vector.broadcast %add3A_2100 : i32 to vector<16xi32>
      %add3A_2102 = arith.addi %iota3A, %add3A_2101 : vector<16xi32>
      %mul3A_2103 = arith.constant 2 : i32
      %mul3A_2104 = vector.broadcast %mul3A_2103 : i32 to vector<16xi32>
      %mul3A_2105 = arith.muli %mul3A_2104, %add3A_2102 : vector<16xi32>
      %add3A_2106 = vector.broadcast %sub3A_2085 : i32 to vector<16xi32>
      %add3A_2107 = arith.addi %add3A_2106, %mul3A_2105 : vector<16xi32>
      %swap3A_2108 = arith.constant 8 : i32
      %swap3A_2109 = arith.index_cast %swap3A_2108 : i32 to index
      %swap3A_2110 = arith.constant 16 : index
      %swap3A_2111 = tpu.vector_load %arg7[%swap3A_2109, %swap3A_2110] {strides = array<i32>} : memref<10x128xi32, #tpu.memory_space<vmem>>, vector<1x16xi32>,
      %swap3A_2112 = vector.shape_cast %swap3A_2111 : vector<1x16xi32> to vector<16xi32>
      %swap3A_2113 = vector.shape_cast %add3A_2107 : vector<16xi32> to vector<1x16xi32>
      tpu.vector_store %arg7[%swap3A_2109, %swap3A_2110], %swap3A_2113 {strides = array<i32>} : memref<10x128xi32, #tpu.memory_space<vmem>>, vector<1x16xi32>,
      %add3A_2114 = arith.constant 32 : i32
      %add3A_2115 = vector.broadcast %add3A_2114 : i32 to vector<16xi32>
      %add3A_2116 = arith.addi %iota3A, %add3A_2115 : vector<16xi32>
      %mul3A_2117 = arith.constant 2 : i32
      %mul3A_2118 = vector.broadcast %mul3A_2117 : i32 to vector<16xi32>
      %mul3A_2119 = arith.muli %mul3A_2118, %add3A_2116 : vector<16xi32>
      %add3A_2120 = vector.broadcast %sub3A_2085 : i32 to vector<16xi32>
      %add3A_2121 = arith.addi %add3A_2120, %mul3A_2119 : vector<16xi32>
      %swap3A_2122 = arith.constant 8 : i32
      %swap3A_2123 = arith.index_cast %swap3A_2122 : i32 to index
      %swap3A_2124 = arith.constant 32 : index
      %swap3A_2125 = tpu.vector_load %arg7[%swap3A_2123, %swap3A_2124] {strides = array<i32>} : memref<10x128xi32, #tpu.memory_space<vmem>>, vector<1x16xi32>,
      %swap3A_2126 = vector.shape_cast %swap3A_2125 : vector<1x16xi32> to vector<16xi32>
      %swap3A_2127 = vector.shape_cast %add3A_2121 : vector<16xi32> to vector<1x16xi32>
      tpu.vector_store %arg7[%swap3A_2123, %swap3A_2124], %swap3A_2127 {strides = array<i32>} : memref<10x128xi32, #tpu.memory_space<vmem>>, vector<1x16xi32>,
      %add3A_2128 = arith.constant 48 : i32
      %add3A_2129 = vector.broadcast %add3A_2128 : i32 to vector<16xi32>
      %add3A_2130 = arith.addi %iota3A, %add3A_2129 : vector<16xi32>
      %mul3A_2131 = arith.constant 2 : i32
      %mul3A_2132 = vector.broadcast %mul3A_2131 : i32 to vector<16xi32>
      %mul3A_2133 = arith.muli %mul3A_2132, %add3A_2130 : vector<16xi32>
      %add3A_2134 = vector.broadcast %sub3A_2085 : i32 to vector<16xi32>
      %add3A_2135 = arith.addi %add3A_2134, %mul3A_2133 : vector<16xi32>
      %swap3A_2136 = arith.constant 8 : i32
      %swap3A_2137 = arith.index_cast %swap3A_2136 : i32 to index
      %swap3A_2138 = arith.constant 48 : index
      %swap3A_2139 = tpu.vector_load %arg7[%swap3A_2137, %swap3A_2138] {strides = array<i32>} : memref<10x128xi32, #tpu.memory_space<vmem>>, vector<1x16xi32>,
      %swap3A_2140 = vector.shape_cast %swap3A_2139 : vector<1x16xi32> to vector<16xi32>
      %swap3A_2141 = vector.shape_cast %add3A_2135 : vector<16xi32> to vector<1x16xi32>
      tpu.vector_store %arg7[%swap3A_2137, %swap3A_2138], %swap3A_2141 {strides = array<i32>} : memref<10x128xi32, #tpu.memory_space<vmem>>, vector<1x16xi32>,
      %add3A_2142 = arith.constant 64 : i32
      %add3A_2143 = vector.broadcast %add3A_2142 : i32 to vector<16xi32>
      %add3A_2144 = arith.addi %iota3A, %add3A_2143 : vector<16xi32>
      %mul3A_2145 = arith.constant 2 : i32
      %mul3A_2146 = vector.broadcast %mul3A_2145 : i32 to vector<16xi32>
      %mul3A_2147 = arith.muli %mul3A_2146, %add3A_2144 : vector<16xi32>
      %add3A_2148 = vector.broadcast %sub3A_2085 : i32 to vector<16xi32>
      %add3A_2149 = arith.addi %add3A_2148, %mul3A_2147 : vector<16xi32>
      %swap3A_2150 = arith.constant 8 : i32
      %swap3A_2151 = arith.index_cast %swap3A_2150 : i32 to index
      %swap3A_2152 = arith.constant 64 : index
      %swap3A_2153 = tpu.vector_load %arg7[%swap3A_2151, %swap3A_2152] {strides = array<i32>} : memref<10x128xi32, #tpu.memory_space<vmem>>, vector<1x16xi32>,
      %swap3A_2154 = vector.shape_cast %swap3A_2153 : vector<1x16xi32> to vector<16xi32>
      %swap3A_2155 = vector.shape_cast %add3A_2149 : vector<16xi32> to vector<1x16xi32>
      tpu.vector_store %arg7[%swap3A_2151, %swap3A_2152], %swap3A_2155 {strides = array<i32>} : memref<10x128xi32, #tpu.memory_space<vmem>>, vector<1x16xi32>,
      %add3A_2156 = arith.constant 80 : i32
      %add3A_2157 = vector.broadcast %add3A_2156 : i32 to vector<16xi32>
      %add3A_2158 = arith.addi %iota3A, %add3A_2157 : vector<16xi32>
      %mul3A_2159 = arith.constant 2 : i32
      %mul3A_2160 = vector.broadcast %mul3A_2159 : i32 to vector<16xi32>
      %mul3A_2161 = arith.muli %mul3A_2160, %add3A_2158 : vector<16xi32>
      %add3A_2162 = vector.broadcast %sub3A_2085 : i32 to vector<16xi32>
      %add3A_2163 = arith.addi %add3A_2162, %mul3A_2161 : vector<16xi32>
      %swap3A_2164 = arith.constant 8 : i32
      %swap3A_2165 = arith.index_cast %swap3A_2164 : i32 to index
      %swap3A_2166 = arith.constant 80 : index
      %swap3A_2167 = tpu.vector_load %arg7[%swap3A_2165, %swap3A_2166] {strides = array<i32>} : memref<10x128xi32, #tpu.memory_space<vmem>>, vector<1x16xi32>,
      %swap3A_2168 = vector.shape_cast %swap3A_2167 : vector<1x16xi32> to vector<16xi32>
      %swap3A_2169 = vector.shape_cast %add3A_2163 : vector<16xi32> to vector<1x16xi32>
      tpu.vector_store %arg7[%swap3A_2165, %swap3A_2166], %swap3A_2169 {strides = array<i32>} : memref<10x128xi32, #tpu.memory_space<vmem>>, vector<1x16xi32>,
      %add3A_2170 = arith.constant 96 : i32
      %add3A_2171 = vector.broadcast %add3A_2170 : i32 to vector<16xi32>
      %add3A_2172 = arith.addi %iota3A, %add3A_2171 : vector<16xi32>
      %mul3A_2173 = arith.constant 2 : i32
      %mul3A_2174 = vector.broadcast %mul3A_2173 : i32 to vector<16xi32>
      %mul3A_2175 = arith.muli %mul3A_2174, %add3A_2172 : vector<16xi32>
      %add3A_2176 = vector.broadcast %sub3A_2085 : i32 to vector<16xi32>
      %add3A_2177 = arith.addi %add3A_2176, %mul3A_2175 : vector<16xi32>
      %swap3A_2178 = arith.constant 8 : i32
      %swap3A_2179 = arith.index_cast %swap3A_2178 : i32 to index
      %swap3A_2180 = arith.constant 96 : index
      %swap3A_2181 = tpu.vector_load %arg7[%swap3A_2179, %swap3A_2180] {strides = array<i32>} : memref<10x128xi32, #tpu.memory_space<vmem>>, vector<1x16xi32>,
      %swap3A_2182 = vector.shape_cast %swap3A_2181 : vector<1x16xi32> to vector<16xi32>
      %swap3A_2183 = vector.shape_cast %add3A_2177 : vector<16xi32> to vector<1x16xi32>
      tpu.vector_store %arg7[%swap3A_2179, %swap3A_2180], %swap3A_2183 {strides = array<i32>} : memref<10x128xi32, #tpu.memory_space<vmem>>, vector<1x16xi32>,
      %add3A_2184 = arith.constant 112 : i32
      %add3A_2185 = vector.broadcast %add3A_2184 : i32 to vector<16xi32>
      %add3A_2186 = arith.addi %iota3A, %add3A_2185 : vector<16xi32>
      %mul3A_2187 = arith.constant 2 : i32
      %mul3A_2188 = vector.broadcast %mul3A_2187 : i32 to vector<16xi32>
      %mul3A_2189 = arith.muli %mul3A_2188, %add3A_2186 : vector<16xi32>
      %add3A_2190 = vector.broadcast %sub3A_2085 : i32 to vector<16xi32>
      %add3A_2191 = arith.addi %add3A_2190, %mul3A_2189 : vector<16xi32>
      %swap3A_2192 = arith.constant 8 : i32
      %swap3A_2193 = arith.index_cast %swap3A_2192 : i32 to index
      %swap3A_2194 = arith.constant 112 : index
      %swap3A_2195 = tpu.vector_load %arg7[%swap3A_2193, %swap3A_2194] {strides = array<i32>} : memref<10x128xi32, #tpu.memory_space<vmem>>, vector<1x16xi32>,
      %swap3A_2196 = vector.shape_cast %swap3A_2195 : vector<1x16xi32> to vector<16xi32>
      %swap3A_2197 = vector.shape_cast %add3A_2191 : vector<16xi32> to vector<1x16xi32>
      tpu.vector_store %arg7[%swap3A_2193, %swap3A_2194], %swap3A_2197 {strides = array<i32>} : memref<10x128xi32, #tpu.memory_space<vmem>>, vector<1x16xi32>,
      %dma_start3A_2198 = arith.constant 8 : i32
      %dma_start3A_2199 = arith.constant 1024 : i32
      %dma_start3A_2200 = arith.constant 0 : i32
      %dma_start3A_2201 = tpu.memref_slice %arg6[%dma_start3A_2199, %dma_start3A_2200] : memref<1280x64xf32, #tpu.memory_space<vmem>> -> memref<128x64xf32, #tpu.memory_space<vmem>>
      %dma_start3A_2202 = arith.constant 0 : i32
      %dma_start3A_2203 = tpu.memref_slice %arg7[%dma_start3A_2198, %dma_start3A_2202] : memref<10x128xi32, #tpu.memory_space<vmem>> -> memref<1x128xi32, #tpu.memory_space<vmem>>
      %dma_start3A_2204 = tpu.memref_squeeze %dma_start3A_2203 : memref<1x128xi32, #tpu.memory_space<vmem>> -> memref<128xi32, #tpu.memory_space<vmem>>
      %dma_start3A_2205 = arith.constant 0 : i32
      %dma_start3A_2206 = arith.constant 0 : i32
      %dma_start3A_2207 = tpu.memref_slice %arg4[%dma_start3A_2205, %dma_start3A_2206] : memref<819200x64xf32, #tpu.memory_space<hbm>> -> memref<819200x64xf32, #tpu.memory_space<hbm>>
      tpu.enqueue_indirect_dma source(%dma_start3A_2201 : memref<128x64xf32, #tpu.memory_space<vmem>>) target(%dma_start3A_2207 : memref<819200x64xf32, #tpu.memory_space<hbm>>) offsets(%dma_start3A_2204 : memref<128xi32, #tpu.memory_space<vmem>>) semaphore(%arg9 : memref<!tpu.dma_semaphore, #tpu.memory_space<semaphore_mem>>)
      %mul3A_2208 = arith.constant 10 : i32
      %mul3A_2209 = arith.muli %scan3A_109, %mul3A_2208 : i32
      %add3A_2210 = arith.addi %mul3A_4, %mul3A_2209 : i32
      %add3A_2211 = arith.constant 9 : i32
      %add3A_2212 = arith.addi %add3A_2210, %add3A_2211 : i32
      %jit3A_2213 = arith.constant 256 : i32
      %div3A_2214 = arith.divsi %add3A_2212, %jit3A_2213 : i32
      %sign3A_2215 = arith.constant 0 : i32
      %sign3A_2216 = arith.cmpi sgt, %add3A_2212, %sign3A_2215 : i32
      %sign3A_2217 = arith.extui %sign3A_2216 : i1 to i32
      %sign3A_2218 = arith.constant 0 : i32
      %sign3A_2219 = arith.cmpi slt, %add3A_2212, %sign3A_2218 : i32
      %sign3A_2220 = arith.extui %sign3A_2219 : i1 to i32
      %sign3A_2221 = arith.subi %sign3A_2217, %sign3A_2220 : i32
      %sign3A_2222 = arith.constant 0 : i32
      %sign3A_2223 = arith.cmpi sgt, %jit3A_2213, %sign3A_2222 : i32
      %sign3A_2224 = arith.extui %sign3A_2223 : i1 to i32
      %sign3A_2225 = arith.constant 0 : i32
      %sign3A_2226 = arith.cmpi slt, %jit3A_2213, %sign3A_2225 : i32
      %sign3A_2227 = arith.extui %sign3A_2226 : i1 to i32
      %sign3A_2228 = arith.subi %sign3A_2224, %sign3A_2227 : i32
      %ne3A_2229 = arith.cmpi ne, %sign3A_2221, %sign3A_2228 : i32
      %rem3A_2230 = arith.remsi %add3A_2212, %jit3A_2213 : i32
      %ne3A_2231 = arith.constant 0 : i32
      %ne3A_2232 = arith.cmpi ne, %rem3A_2230, %ne3A_2231 : i32
      %and3A_2233 = arith.andi %ne3A_2229, %ne3A_2232 : i1
      %sub3A_2234 = arith.constant 1 : i32
      %sub3A_2235 = arith.subi %div3A_2214, %sub3A_2234 : i32
      %select_n3A_2236 = arith.select %and3A_2233, %sub3A_2235, %div3A_2214 : i32
      %jit3A_2237 = arith.constant 8 : i32
      %div3A_2238 = arith.divsi %add3A_2212, %jit3A_2237 : i32
      %sign3A_2239 = arith.constant 0 : i32
      %sign3A_2240 = arith.cmpi sgt, %add3A_2212, %sign3A_2239 : i32
      %sign3A_2241 = arith.extui %sign3A_2240 : i1 to i32
      %sign3A_2242 = arith.constant 0 : i32
      %sign3A_2243 = arith.cmpi slt, %add3A_2212, %sign3A_2242 : i32
      %sign3A_2244 = arith.extui %sign3A_2243 : i1 to i32
      %sign3A_2245 = arith.subi %sign3A_2241, %sign3A_2244 : i32
      %sign3A_2246 = arith.constant 0 : i32
      %sign3A_2247 = arith.cmpi sgt, %jit3A_2237, %sign3A_2246 : i32
      %sign3A_2248 = arith.extui %sign3A_2247 : i1 to i32
      %sign3A_2249 = arith.constant 0 : i32
      %sign3A_2250 = arith.cmpi slt, %jit3A_2237, %sign3A_2249 : i32
      %sign3A_2251 = arith.extui %sign3A_2250 : i1 to i32
      %sign3A_2252 = arith.subi %sign3A_2248, %sign3A_2251 : i32
      %ne3A_2253 = arith.cmpi ne, %sign3A_2245, %sign3A_2252 : i32
      %rem3A_2254 = arith.remsi %add3A_2212, %jit3A_2237 : i32
      %ne3A_2255 = arith.constant 0 : i32
      %ne3A_2256 = arith.cmpi ne, %rem3A_2254, %ne3A_2255 : i32
      %and3A_2257 = arith.andi %ne3A_2253, %ne3A_2256 : i1
      %sub3A_2258 = arith.constant 1 : i32
      %sub3A_2259 = arith.subi %div3A_2238, %sub3A_2258 : i32
      %select_n3A_2260 = arith.select %and3A_2257, %sub3A_2259, %div3A_2238 : i32
      %rem3A_2261 = arith.constant 32 : i32
      %rem3A_2262 = arith.remsi %select_n3A_2260, %rem3A_2261 : i32
      %rem3A_2263 = arith.constant 8 : i32
      %rem3A_2264 = arith.remsi %add3A_2212, %rem3A_2263 : i32
      %mul3A_2265 = arith.constant 8 : i32
      %mul3A_2266 = arith.muli %select_n3A_2236, %mul3A_2265 : i32
      %add3A_2267 = arith.addi %mul3A_2266, %rem3A_2264 : i32
      %mul3A_2268 = arith.constant 128 : i32
      %mul3A_2269 = arith.muli %rem3A_2262, %mul3A_2268 : i32
      %jit3A_2270 = arith.constant 16 : i32
      %div3A_2271 = arith.divsi %rem3A_2262, %jit3A_2270 : i32
      %sign3A_2272 = arith.constant 0 : i32
      %sign3A_2273 = arith.cmpi sgt, %rem3A_2262, %sign3A_2272 : i32
      %sign3A_2274 = arith.extui %sign3A_2273 : i1 to i32
      %sign3A_2275 = arith.constant 0 : i32
      %sign3A_2276 = arith.cmpi slt, %rem3A_2262, %sign3A_2275 : i32
      %sign3A_2277 = arith.extui %sign3A_2276 : i1 to i32
      %sign3A_2278 = arith.subi %sign3A_2274, %sign3A_2277 : i32
      %sign3A_2279 = arith.constant 0 : i32
      %sign3A_2280 = arith.cmpi sgt, %jit3A_2270, %sign3A_2279 : i32
      %sign3A_2281 = arith.extui %sign3A_2280 : i1 to i32
      %sign3A_2282 = arith.constant 0 : i32
      %sign3A_2283 = arith.cmpi slt, %jit3A_2270, %sign3A_2282 : i32
      %sign3A_2284 = arith.extui %sign3A_2283 : i1 to i32
      %sign3A_2285 = arith.subi %sign3A_2281, %sign3A_2284 : i32
      %ne3A_2286 = arith.cmpi ne, %sign3A_2278, %sign3A_2285 : i32
      %rem3A_2287 = arith.remsi %rem3A_2262, %jit3A_2270 : i32
      %ne3A_2288 = arith.constant 0 : i32
      %ne3A_2289 = arith.cmpi ne, %rem3A_2287, %ne3A_2288 : i32
      %and3A_2290 = arith.andi %ne3A_2286, %ne3A_2289 : i1
      %sub3A_2291 = arith.constant 1 : i32
      %sub3A_2292 = arith.subi %div3A_2271, %sub3A_2291 : i32
      %select_n3A_2293 = arith.select %and3A_2290, %sub3A_2292, %div3A_2271 : i32
      %mul3A_2294 = arith.constant 4096 : i32
      %mul3A_2295 = arith.muli %add3A_2267, %mul3A_2294 : i32
      %mul3A_2296 = arith.constant 2 : i32
      %mul3A_2297 = arith.muli %mul3A_2296, %mul3A_2269 : i32
      %add3A_2298 = arith.addi %mul3A_2295, %mul3A_2297 : i32
      %mul3A_2299 = arith.constant 4095 : i32
      %mul3A_2300 = arith.muli %select_n3A_2293, %mul3A_2299 : i32
      %sub3A_2301 = arith.subi %add3A_2298, %mul3A_2300 : i32
      %add3A_2302 = arith.constant 0 : i32
      %add3A_2303 = vector.broadcast %add3A_2302 : i32 to vector<16xi32>
      %add3A_2304 = arith.addi %iota3A, %add3A_2303 : vector<16xi32>
      %mul3A_2305 = arith.constant 2 : i32
      %mul3A_2306 = vector.broadcast %mul3A_2305 : i32 to vector<16xi32>
      %mul3A_2307 = arith.muli %mul3A_2306, %add3A_2304 : vector<16xi32>
      %add3A_2308 = vector.broadcast %sub3A_2301 : i32 to vector<16xi32>
      %add3A_2309 = arith.addi %add3A_2308, %mul3A_2307 : vector<16xi32>
      %swap3A_2310 = arith.constant 9 : i32
      %swap3A_2311 = arith.index_cast %swap3A_2310 : i32 to index
      %swap3A_2312 = arith.constant 0 : index
      %swap3A_2313 = tpu.vector_load %arg7[%swap3A_2311, %swap3A_2312] {strides = array<i32>} : memref<10x128xi32, #tpu.memory_space<vmem>>, vector<1x16xi32>,
      %swap3A_2314 = vector.shape_cast %swap3A_2313 : vector<1x16xi32> to vector<16xi32>
      %swap3A_2315 = vector.shape_cast %add3A_2309 : vector<16xi32> to vector<1x16xi32>
      tpu.vector_store %arg7[%swap3A_2311, %swap3A_2312], %swap3A_2315 {strides = array<i32>} : memref<10x128xi32, #tpu.memory_space<vmem>>, vector<1x16xi32>,
      %add3A_2316 = arith.constant 16 : i32
      %add3A_2317 = vector.broadcast %add3A_2316 : i32 to vector<16xi32>
      %add3A_2318 = arith.addi %iota3A, %add3A_2317 : vector<16xi32>
      %mul3A_2319 = arith.constant 2 : i32
      %mul3A_2320 = vector.broadcast %mul3A_2319 : i32 to vector<16xi32>
      %mul3A_2321 = arith.muli %mul3A_2320, %add3A_2318 : vector<16xi32>
      %add3A_2322 = vector.broadcast %sub3A_2301 : i32 to vector<16xi32>
      %add3A_2323 = arith.addi %add3A_2322, %mul3A_2321 : vector<16xi32>
      %swap3A_2324 = arith.constant 9 : i32
      %swap3A_2325 = arith.index_cast %swap3A_2324 : i32 to index
      %swap3A_2326 = arith.constant 16 : index
      %swap3A_2327 = tpu.vector_load %arg7[%swap3A_2325, %swap3A_2326] {strides = array<i32>} : memref<10x128xi32, #tpu.memory_space<vmem>>, vector<1x16xi32>,
      %swap3A_2328 = vector.shape_cast %swap3A_2327 : vector<1x16xi32> to vector<16xi32>
      %swap3A_2329 = vector.shape_cast %add3A_2323 : vector<16xi32> to vector<1x16xi32>
      tpu.vector_store %arg7[%swap3A_2325, %swap3A_2326], %swap3A_2329 {strides = array<i32>} : memref<10x128xi32, #tpu.memory_space<vmem>>, vector<1x16xi32>,
      %add3A_2330 = arith.constant 32 : i32
      %add3A_2331 = vector.broadcast %add3A_2330 : i32 to vector<16xi32>
      %add3A_2332 = arith.addi %iota3A, %add3A_2331 : vector<16xi32>
      %mul3A_2333 = arith.constant 2 : i32
      %mul3A_2334 = vector.broadcast %mul3A_2333 : i32 to vector<16xi32>
      %mul3A_2335 = arith.muli %mul3A_2334, %add3A_2332 : vector<16xi32>
      %add3A_2336 = vector.broadcast %sub3A_2301 : i32 to vector<16xi32>
      %add3A_2337 = arith.addi %add3A_2336, %mul3A_2335 : vector<16xi32>
      %swap3A_2338 = arith.constant 9 : i32
      %swap3A_2339 = arith.index_cast %swap3A_2338 : i32 to index
      %swap3A_2340 = arith.constant 32 : index
      %swap3A_2341 = tpu.vector_load %arg7[%swap3A_2339, %swap3A_2340] {strides = array<i32>} : memref<10x128xi32, #tpu.memory_space<vmem>>, vector<1x16xi32>,
      %swap3A_2342 = vector.shape_cast %swap3A_2341 : vector<1x16xi32> to vector<16xi32>
      %swap3A_2343 = vector.shape_cast %add3A_2337 : vector<16xi32> to vector<1x16xi32>
      tpu.vector_store %arg7[%swap3A_2339, %swap3A_2340], %swap3A_2343 {strides = array<i32>} : memref<10x128xi32, #tpu.memory_space<vmem>>, vector<1x16xi32>,
      %add3A_2344 = arith.constant 48 : i32
      %add3A_2345 = vector.broadcast %add3A_2344 : i32 to vector<16xi32>
      %add3A_2346 = arith.addi %iota3A, %add3A_2345 : vector<16xi32>
      %mul3A_2347 = arith.constant 2 : i32
      %mul3A_2348 = vector.broadcast %mul3A_2347 : i32 to vector<16xi32>
      %mul3A_2349 = arith.muli %mul3A_2348, %add3A_2346 : vector<16xi32>
      %add3A_2350 = vector.broadcast %sub3A_2301 : i32 to vector<16xi32>
      %add3A_2351 = arith.addi %add3A_2350, %mul3A_2349 : vector<16xi32>
      %swap3A_2352 = arith.constant 9 : i32
      %swap3A_2353 = arith.index_cast %swap3A_2352 : i32 to index
      %swap3A_2354 = arith.constant 48 : index
      %swap3A_2355 = tpu.vector_load %arg7[%swap3A_2353, %swap3A_2354] {strides = array<i32>} : memref<10x128xi32, #tpu.memory_space<vmem>>, vector<1x16xi32>,
      %swap3A_2356 = vector.shape_cast %swap3A_2355 : vector<1x16xi32> to vector<16xi32>
      %swap3A_2357 = vector.shape_cast %add3A_2351 : vector<16xi32> to vector<1x16xi32>
      tpu.vector_store %arg7[%swap3A_2353, %swap3A_2354], %swap3A_2357 {strides = array<i32>} : memref<10x128xi32, #tpu.memory_space<vmem>>, vector<1x16xi32>,
      %add3A_2358 = arith.constant 64 : i32
      %add3A_2359 = vector.broadcast %add3A_2358 : i32 to vector<16xi32>
      %add3A_2360 = arith.addi %iota3A, %add3A_2359 : vector<16xi32>
      %mul3A_2361 = arith.constant 2 : i32
      %mul3A_2362 = vector.broadcast %mul3A_2361 : i32 to vector<16xi32>
      %mul3A_2363 = arith.muli %mul3A_2362, %add3A_2360 : vector<16xi32>
      %add3A_2364 = vector.broadcast %sub3A_2301 : i32 to vector<16xi32>
      %add3A_2365 = arith.addi %add3A_2364, %mul3A_2363 : vector<16xi32>
      %swap3A_2366 = arith.constant 9 : i32
      %swap3A_2367 = arith.index_cast %swap3A_2366 : i32 to index
      %swap3A_2368 = arith.constant 64 : index
      %swap3A_2369 = tpu.vector_load %arg7[%swap3A_2367, %swap3A_2368] {strides = array<i32>} : memref<10x128xi32, #tpu.memory_space<vmem>>, vector<1x16xi32>,
      %swap3A_2370 = vector.shape_cast %swap3A_2369 : vector<1x16xi32> to vector<16xi32>
      %swap3A_2371 = vector.shape_cast %add3A_2365 : vector<16xi32> to vector<1x16xi32>
      tpu.vector_store %arg7[%swap3A_2367, %swap3A_2368], %swap3A_2371 {strides = array<i32>} : memref<10x128xi32, #tpu.memory_space<vmem>>, vector<1x16xi32>,
      %add3A_2372 = arith.constant 80 : i32
      %add3A_2373 = vector.broadcast %add3A_2372 : i32 to vector<16xi32>
      %add3A_2374 = arith.addi %iota3A, %add3A_2373 : vector<16xi32>
      %mul3A_2375 = arith.constant 2 : i32
      %mul3A_2376 = vector.broadcast %mul3A_2375 : i32 to vector<16xi32>
      %mul3A_2377 = arith.muli %mul3A_2376, %add3A_2374 : vector<16xi32>
      %add3A_2378 = vector.broadcast %sub3A_2301 : i32 to vector<16xi32>
      %add3A_2379 = arith.addi %add3A_2378, %mul3A_2377 : vector<16xi32>
      %swap3A_2380 = arith.constant 9 : i32
      %swap3A_2381 = arith.index_cast %swap3A_2380 : i32 to index
      %swap3A_2382 = arith.constant 80 : index
      %swap3A_2383 = tpu.vector_load %arg7[%swap3A_2381, %swap3A_2382] {strides = array<i32>} : memref<10x128xi32, #tpu.memory_space<vmem>>, vector<1x16xi32>,
      %swap3A_2384 = vector.shape_cast %swap3A_2383 : vector<1x16xi32> to vector<16xi32>
      %swap3A_2385 = vector.shape_cast %add3A_2379 : vector<16xi32> to vector<1x16xi32>
      tpu.vector_store %arg7[%swap3A_2381, %swap3A_2382], %swap3A_2385 {strides = array<i32>} : memref<10x128xi32, #tpu.memory_space<vmem>>, vector<1x16xi32>,
      %add3A_2386 = arith.constant 96 : i32
      %add3A_2387 = vector.broadcast %add3A_2386 : i32 to vector<16xi32>
      %add3A_2388 = arith.addi %iota3A, %add3A_2387 : vector<16xi32>
      %mul3A_2389 = arith.constant 2 : i32
      %mul3A_2390 = vector.broadcast %mul3A_2389 : i32 to vector<16xi32>
      %mul3A_2391 = arith.muli %mul3A_2390, %add3A_2388 : vector<16xi32>
      %add3A_2392 = vector.broadcast %sub3A_2301 : i32 to vector<16xi32>
      %add3A_2393 = arith.addi %add3A_2392, %mul3A_2391 : vector<16xi32>
      %swap3A_2394 = arith.constant 9 : i32
      %swap3A_2395 = arith.index_cast %swap3A_2394 : i32 to index
      %swap3A_2396 = arith.constant 96 : index
      %swap3A_2397 = tpu.vector_load %arg7[%swap3A_2395, %swap3A_2396] {strides = array<i32>} : memref<10x128xi32, #tpu.memory_space<vmem>>, vector<1x16xi32>,
      %swap3A_2398 = vector.shape_cast %swap3A_2397 : vector<1x16xi32> to vector<16xi32>
      %swap3A_2399 = vector.shape_cast %add3A_2393 : vector<16xi32> to vector<1x16xi32>
      tpu.vector_store %arg7[%swap3A_2395, %swap3A_2396], %swap3A_2399 {strides = array<i32>} : memref<10x128xi32, #tpu.memory_space<vmem>>, vector<1x16xi32>,
      %add3A_2400 = arith.constant 112 : i32
      %add3A_2401 = vector.broadcast %add3A_2400 : i32 to vector<16xi32>
      %add3A_2402 = arith.addi %iota3A, %add3A_2401 : vector<16xi32>
      %mul3A_2403 = arith.constant 2 : i32
      %mul3A_2404 = vector.broadcast %mul3A_2403 : i32 to vector<16xi32>
      %mul3A_2405 = arith.muli %mul3A_2404, %add3A_2402 : vector<16xi32>
      %add3A_2406 = vector.broadcast %sub3A_2301 : i32 to vector<16xi32>
      %add3A_2407 = arith.addi %add3A_2406, %mul3A_2405 : vector<16xi32>
      %swap3A_2408 = arith.constant 9 : i32
      %swap3A_2409 = arith.index_cast %swap3A_2408 : i32 to index
      %swap3A_2410 = arith.constant 112 : index
      %swap3A_2411 = tpu.vector_load %arg7[%swap3A_2409, %swap3A_2410] {strides = array<i32>} : memref<10x128xi32, #tpu.memory_space<vmem>>, vector<1x16xi32>,
      %swap3A_2412 = vector.shape_cast %swap3A_2411 : vector<1x16xi32> to vector<16xi32>
      %swap3A_2413 = vector.shape_cast %add3A_2407 : vector<16xi32> to vector<1x16xi32>
      tpu.vector_store %arg7[%swap3A_2409, %swap3A_2410], %swap3A_2413 {strides = array<i32>} : memref<10x128xi32, #tpu.memory_space<vmem>>, vector<1x16xi32>,
      %dma_start3A_2414 = arith.constant 9 : i32
      %dma_start3A_2415 = arith.constant 1152 : i32
      %dma_start3A_2416 = arith.constant 0 : i32
      %dma_start3A_2417 = tpu.memref_slice %arg6[%dma_start3A_2415, %dma_start3A_2416] : memref<1280x64xf32, #tpu.memory_space<vmem>> -> memref<128x64xf32, #tpu.memory_space<vmem>>
      %dma_start3A_2418 = arith.constant 0 : i32
      %dma_start3A_2419 = tpu.memref_slice %arg7[%dma_start3A_2414, %dma_start3A_2418] : memref<10x128xi32, #tpu.memory_space<vmem>> -> memref<1x128xi32, #tpu.memory_space<vmem>>
      %dma_start3A_2420 = tpu.memref_squeeze %dma_start3A_2419 : memref<1x128xi32, #tpu.memory_space<vmem>> -> memref<128xi32, #tpu.memory_space<vmem>>
      %dma_start3A_2421 = arith.constant 0 : i32
      %dma_start3A_2422 = arith.constant 0 : i32
      %dma_start3A_2423 = tpu.memref_slice %arg4[%dma_start3A_2421, %dma_start3A_2422] : memref<819200x64xf32, #tpu.memory_space<hbm>> -> memref<819200x64xf32, #tpu.memory_space<hbm>>
      tpu.enqueue_indirect_dma source(%dma_start3A_2417 : memref<128x64xf32, #tpu.memory_space<vmem>>) target(%dma_start3A_2423 : memref<819200x64xf32, #tpu.memory_space<hbm>>) offsets(%dma_start3A_2420 : memref<128xi32, #tpu.memory_space<vmem>>) semaphore(%arg9 : memref<!tpu.dma_semaphore, #tpu.memory_space<semaphore_mem>>)
    }
    %scan3A_9 = arith.constant 20 : i32
    %dma_wait3A = arith.constant 0 : i32
    %dma_wait3A_10 = arith.constant 0 : i32
    %dma_wait3A_11 = tpu.memref_slice %arg6[%dma_wait3A, %dma_wait3A_10] : memref<1280x64xf32, #tpu.memory_space<vmem>> -> memref<128x64xf32, #tpu.memory_space<vmem>>
    %dma_wait3A_12 = arith.constant 0 : i32
    %dma_wait3A_13 = tpu.memref_slice %arg4[%mul3A_2, %dma_wait3A_12] : memref<819200x64xf32, #tpu.memory_space<hbm>> -> memref<128x64xf32, #tpu.memory_space<hbm>>
    %dma_wait3A_14 = arith.constant 0 : i32
    %dma_wait3A_15 = tpu.memref_slice %arg4[%mul3A_2, %dma_wait3A_14] : memref<819200x64xf32, #tpu.memory_space<hbm>> -> memref<128x64xf32, #tpu.memory_space<hbm>>
    %dma_wait3A_16 = arith.constant 0 : i32
    %dma_wait3A_17 = arith.constant 0 : i32
    %dma_wait3A_18 = tpu.memref_slice %arg6[%dma_wait3A_16, %dma_wait3A_17] : memref<1280x64xf32, #tpu.memory_space<vmem>> -> memref<128x64xf32, #tpu.memory_space<vmem>>
    tpu.wait_dma2 semaphore(%arg9 : memref<!tpu.dma_semaphore, #tpu.memory_space<semaphore_mem>>) src(%dma_wait3A_18 : memref<128x64xf32, #tpu.memory_space<vmem>>) dst(%dma_wait3A_15 : memref<128x64xf32, #tpu.memory_space<hbm>>)
    %dma_wait3A_19 = arith.constant 128 : i32
    %dma_wait3A_20 = arith.constant 0 : i32
    %dma_wait3A_21 = tpu.memref_slice %arg6[%dma_wait3A_19, %dma_wait3A_20] : memref<1280x64xf32, #tpu.memory_space<vmem>> -> memref<128x64xf32, #tpu.memory_space<vmem>>
    %dma_wait3A_22 = arith.constant 0 : i32
    %dma_wait3A_23 = tpu.memref_slice %arg4[%mul3A_2, %dma_wait3A_22] : memref<819200x64xf32, #tpu.memory_space<hbm>> -> memref<128x64xf32, #tpu.memory_space<hbm>>
    %dma_wait3A_24 = arith.constant 0 : i32
    %dma_wait3A_25 = tpu.memref_slice %arg4[%mul3A_2, %dma_wait3A_24] : memref<819200x64xf32, #tpu.memory_space<hbm>> -> memref<128x64xf32, #tpu.memory_space<hbm>>
    %dma_wait3A_26 = arith.constant 128 : i32
    %dma_wait3A_27 = arith.constant 0 : i32
    %dma_wait3A_28 = tpu.memref_slice %arg6[%dma_wait3A_26, %dma_wait3A_27] : memref<1280x64xf32, #tpu.memory_space<vmem>> -> memref<128x64xf32, #tpu.memory_space<vmem>>
    tpu.wait_dma2 semaphore(%arg9 : memref<!tpu.dma_semaphore, #tpu.memory_space<semaphore_mem>>) src(%dma_wait3A_28 : memref<128x64xf32, #tpu.memory_space<vmem>>) dst(%dma_wait3A_25 : memref<128x64xf32, #tpu.memory_space<hbm>>)
    %dma_wait3A_29 = arith.constant 256 : i32
    %dma_wait3A_30 = arith.constant 0 : i32
    %dma_wait3A_31 = tpu.memref_slice %arg6[%dma_wait3A_29, %dma_wait3A_30] : memref<1280x64xf32, #tpu.memory_space<vmem>> -> memref<128x64xf32, #tpu.memory_space<vmem>>
    %dma_wait3A_32 = arith.constant 0 : i32
    %dma_wait3A_33 = tpu.memref_slice %arg4[%mul3A_2, %dma_wait3A_32] : memref<819200x64xf32, #tpu.memory_space<hbm>> -> memref<128x64xf32, #tpu.memory_space<hbm>>
    %dma_wait3A_34 = arith.constant 0 : i32
    %dma_wait3A_35 = tpu.memref_slice %arg4[%mul3A_2, %dma_wait3A_34] : memref<819200x64xf32, #tpu.memory_space<hbm>> -> memref<128x64xf32, #tpu.memory_space<hbm>>
    %dma_wait3A_36 = arith.constant 256 : i32
    %dma_wait3A_37 = arith.constant 0 : i32
    %dma_wait3A_38 = tpu.memref_slice %arg6[%dma_wait3A_36, %dma_wait3A_37] : memref<1280x64xf32, #tpu.memory_space<vmem>> -> memref<128x64xf32, #tpu.memory_space<vmem>>
    tpu.wait_dma2 semaphore(%arg9 : memref<!tpu.dma_semaphore, #tpu.memory_space<semaphore_mem>>) src(%dma_wait3A_38 : memref<128x64xf32, #tpu.memory_space<vmem>>) dst(%dma_wait3A_35 : memref<128x64xf32, #tpu.memory_space<hbm>>)
    %dma_wait3A_39 = arith.constant 384 : i32
    %dma_wait3A_40 = arith.constant 0 : i32
    %dma_wait3A_41 = tpu.memref_slice %arg6[%dma_wait3A_39, %dma_wait3A_40] : memref<1280x64xf32, #tpu.memory_space<vmem>> -> memref<128x64xf32, #tpu.memory_space<vmem>>
    %dma_wait3A_42 = arith.constant 0 : i32
    %dma_wait3A_43 = tpu.memref_slice %arg4[%mul3A_2, %dma_wait3A_42] : memref<819200x64xf32, #tpu.memory_space<hbm>> -> memref<128x64xf32, #tpu.memory_space<hbm>>
    %dma_wait3A_44 = arith.constant 0 : i32
    %dma_wait3A_45 = tpu.memref_slice %arg4[%mul3A_2, %dma_wait3A_44] : memref<819200x64xf32, #tpu.memory_space<hbm>> -> memref<128x64xf32, #tpu.memory_space<hbm>>
    %dma_wait3A_46 = arith.constant 384 : i32
    %dma_wait3A_47 = arith.constant 0 : i32
    %dma_wait3A_48 = tpu.memref_slice %arg6[%dma_wait3A_46, %dma_wait3A_47] : memref<1280x64xf32, #tpu.memory_space<vmem>> -> memref<128x64xf32, #tpu.memory_space<vmem>>
    tpu.wait_dma2 semaphore(%arg9 : memref<!tpu.dma_semaphore, #tpu.memory_space<semaphore_mem>>) src(%dma_wait3A_48 : memref<128x64xf32, #tpu.memory_space<vmem>>) dst(%dma_wait3A_45 : memref<128x64xf32, #tpu.memory_space<hbm>>)
    %dma_wait3A_49 = arith.constant 512 : i32
    %dma_wait3A_50 = arith.constant 0 : i32
    %dma_wait3A_51 = tpu.memref_slice %arg6[%dma_wait3A_49, %dma_wait3A_50] : memref<1280x64xf32, #tpu.memory_space<vmem>> -> memref<128x64xf32, #tpu.memory_space<vmem>>
    %dma_wait3A_52 = arith.constant 0 : i32
    %dma_wait3A_53 = tpu.memref_slice %arg4[%mul3A_2, %dma_wait3A_52] : memref<819200x64xf32, #tpu.memory_space<hbm>> -> memref<128x64xf32, #tpu.memory_space<hbm>>
    %dma_wait3A_54 = arith.constant 0 : i32
    %dma_wait3A_55 = tpu.memref_slice %arg4[%mul3A_2, %dma_wait3A_54] : memref<819200x64xf32, #tpu.memory_space<hbm>> -> memref<128x64xf32, #tpu.memory_space<hbm>>
    %dma_wait3A_56 = arith.constant 512 : i32
    %dma_wait3A_57 = arith.constant 0 : i32
    %dma_wait3A_58 = tpu.memref_slice %arg6[%dma_wait3A_56, %dma_wait3A_57] : memref<1280x64xf32, #tpu.memory_space<vmem>> -> memref<128x64xf32, #tpu.memory_space<vmem>>
    tpu.wait_dma2 semaphore(%arg9 : memref<!tpu.dma_semaphore, #tpu.memory_space<semaphore_mem>>) src(%dma_wait3A_58 : memref<128x64xf32, #tpu.memory_space<vmem>>) dst(%dma_wait3A_55 : memref<128x64xf32, #tpu.memory_space<hbm>>)
    %dma_wait3A_59 = arith.constant 640 : i32
    %dma_wait3A_60 = arith.constant 0 : i32
    %dma_wait3A_61 = tpu.memref_slice %arg6[%dma_wait3A_59, %dma_wait3A_60] : memref<1280x64xf32, #tpu.memory_space<vmem>> -> memref<128x64xf32, #tpu.memory_space<vmem>>
    %dma_wait3A_62 = arith.constant 0 : i32
    %dma_wait3A_63 = tpu.memref_slice %arg4[%mul3A_2, %dma_wait3A_62] : memref<819200x64xf32, #tpu.memory_space<hbm>> -> memref<128x64xf32, #tpu.memory_space<hbm>>
    %dma_wait3A_64 = arith.constant 0 : i32
    %dma_wait3A_65 = tpu.memref_slice %arg4[%mul3A_2, %dma_wait3A_64] : memref<819200x64xf32, #tpu.memory_space<hbm>> -> memref<128x64xf32, #tpu.memory_space<hbm>>
    %dma_wait3A_66 = arith.constant 640 : i32
    %dma_wait3A_67 = arith.constant 0 : i32
    %dma_wait3A_68 = tpu.memref_slice %arg6[%dma_wait3A_66, %dma_wait3A_67] : memref<1280x64xf32, #tpu.memory_space<vmem>> -> memref<128x64xf32, #tpu.memory_space<vmem>>
    tpu.wait_dma2 semaphore(%arg9 : memref<!tpu.dma_semaphore, #tpu.memory_space<semaphore_mem>>) src(%dma_wait3A_68 : memref<128x64xf32, #tpu.memory_space<vmem>>) dst(%dma_wait3A_65 : memref<128x64xf32, #tpu.memory_space<hbm>>)
    %dma_wait3A_69 = arith.constant 768 : i32
    %dma_wait3A_70 = arith.constant 0 : i32
    %dma_wait3A_71 = tpu.memref_slice %arg6[%dma_wait3A_69, %dma_wait3A_70] : memref<1280x64xf32, #tpu.memory_space<vmem>> -> memref<128x64xf32, #tpu.memory_space<vmem>>
    %dma_wait3A_72 = arith.constant 0 : i32
    %dma_wait3A_73 = tpu.memref_slice %arg4[%mul3A_2, %dma_wait3A_72] : memref<819200x64xf32, #tpu.memory_space<hbm>> -> memref<128x64xf32, #tpu.memory_space<hbm>>
    %dma_wait3A_74 = arith.constant 0 : i32
    %dma_wait3A_75 = tpu.memref_slice %arg4[%mul3A_2, %dma_wait3A_74] : memref<819200x64xf32, #tpu.memory_space<hbm>> -> memref<128x64xf32, #tpu.memory_space<hbm>>
    %dma_wait3A_76 = arith.constant 768 : i32
    %dma_wait3A_77 = arith.constant 0 : i32
    %dma_wait3A_78 = tpu.memref_slice %arg6[%dma_wait3A_76, %dma_wait3A_77] : memref<1280x64xf32, #tpu.memory_space<vmem>> -> memref<128x64xf32, #tpu.memory_space<vmem>>
    tpu.wait_dma2 semaphore(%arg9 : memref<!tpu.dma_semaphore, #tpu.memory_space<semaphore_mem>>) src(%dma_wait3A_78 : memref<128x64xf32, #tpu.memory_space<vmem>>) dst(%dma_wait3A_75 : memref<128x64xf32, #tpu.memory_space<hbm>>)
    %dma_wait3A_79 = arith.constant 896 : i32
    %dma_wait3A_80 = arith.constant 0 : i32
    %dma_wait3A_81 = tpu.memref_slice %arg6[%dma_wait3A_79, %dma_wait3A_80] : memref<1280x64xf32, #tpu.memory_space<vmem>> -> memref<128x64xf32, #tpu.memory_space<vmem>>
    %dma_wait3A_82 = arith.constant 0 : i32
    %dma_wait3A_83 = tpu.memref_slice %arg4[%mul3A_2, %dma_wait3A_82] : memref<819200x64xf32, #tpu.memory_space<hbm>> -> memref<128x64xf32, #tpu.memory_space<hbm>>
    %dma_wait3A_84 = arith.constant 0 : i32
    %dma_wait3A_85 = tpu.memref_slice %arg4[%mul3A_2, %dma_wait3A_84] : memref<819200x64xf32, #tpu.memory_space<hbm>> -> memref<128x64xf32, #tpu.memory_space<hbm>>
    %dma_wait3A_86 = arith.constant 896 : i32
    %dma_wait3A_87 = arith.constant 0 : i32
    %dma_wait3A_88 = tpu.memref_slice %arg6[%dma_wait3A_86, %dma_wait3A_87] : memref<1280x64xf32, #tpu.memory_space<vmem>> -> memref<128x64xf32, #tpu.memory_space<vmem>>
    tpu.wait_dma2 semaphore(%arg9 : memref<!tpu.dma_semaphore, #tpu.memory_space<semaphore_mem>>) src(%dma_wait3A_88 : memref<128x64xf32, #tpu.memory_space<vmem>>) dst(%dma_wait3A_85 : memref<128x64xf32, #tpu.memory_space<hbm>>)
    %dma_wait3A_89 = arith.constant 1024 : i32
    %dma_wait3A_90 = arith.constant 0 : i32
    %dma_wait3A_91 = tpu.memref_slice %arg6[%dma_wait3A_89, %dma_wait3A_90] : memref<1280x64xf32, #tpu.memory_space<vmem>> -> memref<128x64xf32, #tpu.memory_space<vmem>>
    %dma_wait3A_92 = arith.constant 0 : i32
    %dma_wait3A_93 = tpu.memref_slice %arg4[%mul3A_2, %dma_wait3A_92] : memref<819200x64xf32, #tpu.memory_space<hbm>> -> memref<128x64xf32, #tpu.memory_space<hbm>>
    %dma_wait3A_94 = arith.constant 0 : i32
    %dma_wait3A_95 = tpu.memref_slice %arg4[%mul3A_2, %dma_wait3A_94] : memref<819200x64xf32, #tpu.memory_space<hbm>> -> memref<128x64xf32, #tpu.memory_space<hbm>>
    %dma_wait3A_96 = arith.constant 1024 : i32
    %dma_wait3A_97 = arith.constant 0 : i32
    %dma_wait3A_98 = tpu.memref_slice %arg6[%dma_wait3A_96, %dma_wait3A_97] : memref<1280x64xf32, #tpu.memory_space<vmem>> -> memref<128x64xf32, #tpu.memory_space<vmem>>
    tpu.wait_dma2 semaphore(%arg9 : memref<!tpu.dma_semaphore, #tpu.memory_space<semaphore_mem>>) src(%dma_wait3A_98 : memref<128x64xf32, #tpu.memory_space<vmem>>) dst(%dma_wait3A_95 : memref<128x64xf32, #tpu.memory_space<hbm>>)
    %dma_wait3A_99 = arith.constant 1152 : i32
    %dma_wait3A_100 = arith.constant 0 : i32
    %dma_wait3A_101 = tpu.memref_slice %arg6[%dma_wait3A_99, %dma_wait3A_100] : memref<1280x64xf32, #tpu.memory_space<vmem>> -> memref<128x64xf32, #tpu.memory_space<vmem>>
    %dma_wait3A_102 = arith.constant 0 : i32
    %dma_wait3A_103 = tpu.memref_slice %arg4[%mul3A_2, %dma_wait3A_102] : memref<819200x64xf32, #tpu.memory_space<hbm>> -> memref<128x64xf32, #tpu.memory_space<hbm>>
    %dma_wait3A_104 = arith.constant 0 : i32
    %dma_wait3A_105 = tpu.memref_slice %arg4[%mul3A_2, %dma_wait3A_104] : memref<819200x64xf32, #tpu.memory_space<hbm>> -> memref<128x64xf32, #tpu.memory_space<hbm>>
    %dma_wait3A_106 = arith.constant 1152 : i32
    %dma_wait3A_107 = arith.constant 0 : i32
    %dma_wait3A_108 = tpu.memref_slice %arg6[%dma_wait3A_106, %dma_wait3A_107] : memref<1280x64xf32, #tpu.memory_space<vmem>> -> memref<128x64xf32, #tpu.memory_space<vmem>>
    tpu.wait_dma2 semaphore(%arg9 : memref<!tpu.dma_semaphore, #tpu.memory_space<semaphore_mem>>) src(%dma_wait3A_108 : memref<128x64xf32, #tpu.memory_space<vmem>>) dst(%dma_wait3A_105 : memref<128x64xf32, #tpu.memory_space<hbm>>)
    return
  }
}

module attributes {stable_mosaic.version = 14 : i64} {
  func.func @_retile_body(%arg0: i32, %arg1: memref<2x2048x128xf32, #tpu.memory_space<vmem>>, %arg2: memref<2x64x4096xf32, #tpu.memory_space<vmem>>) attributes {dimension_semantics = [#tpu.dimension_semantics<arbitrary>], iteration_bounds = array<i64: 100>, scalar_prefetch = 0 : i64, scratch_operands = 0 : i64, tpu.core_type = #tpu.core_type<tc>, window_params = [{transform_indices = @transform_0, window_bounds = array<i64: 2, 2048, 128>}, {transform_indices = @transform_1, window_bounds = array<i64: 2, 64, 4096>}]} {
    %iota3A = tpu.iota {dimensions = array<i32: 0>} : vector<64x64xi32>
    %iota3A_0 = tpu.iota {dimensions = array<i32: 1>} : vector<64x64xi32>
    %add3A = arith.constant 0 : i32
    %add3A_1 = vector.broadcast %add3A : i32 to vector<64x64xi32>
    %add3A_2 = arith.addi %iota3A, %add3A_1 : vector<64x64xi32>
    %eq3A = arith.cmpi eq, %add3A_2, %iota3A_0 : vector<64x64xi32>
    %convert_element_type3A = arith.extui %eq3A : vector<64x64xi1> to vector<64x64xi32>
    %convert_element_type3A_3 = arith.sitofp %convert_element_type3A : vector<64x64xi32> to vector<64x64xf32>
    %get3A = arith.constant 0 : index
    %get3A_4 = arith.constant 0 : index
    %get3A_5 = arith.constant 0 : index
    %get3A_6 = vector.load %arg1[%get3A, %get3A_4, %get3A_5] : memref<2x2048x128xf32, #tpu.memory_space<vmem>>, vector<1x2048x128xf32>
    %get3A_7 = vector.shape_cast %get3A_6 : vector<1x2048x128xf32> to vector<2048x128xf32>
    %slice3A = vector.extract_strided_slice %get3A_7 {offsets = [0, 0], sizes = [2048, 64], strides = [1, 1]} : vector<2048x128xf32> to vector<2048x64xf32>
    %dot_general3A = arith.constant dense<0.000000e+00> : vector<64x2048xf32>
    %dot_general3A_8 = tpu.matmul %convert_element_type3A_3, %slice3A, %dot_general3A {dimension_numbers = #tpu.dot_dimension_numbers<[1], [1], [0], [0], [0, 0, 1, 0], [], []>, transpose_lhs_hint = false} : vector<64x64xf32>, vector<2048x64xf32>, vector<64x2048xf32> -> vector<64x2048xf32>
    %slice3A_9 = vector.extract_strided_slice %get3A_7 {offsets = [0, 64], sizes = [2048, 64], strides = [1, 1]} : vector<2048x128xf32> to vector<2048x64xf32>
    %dot_general3A_10 = arith.constant dense<0.000000e+00> : vector<64x2048xf32>
    %dot_general3A_11 = tpu.matmul %convert_element_type3A_3, %slice3A_9, %dot_general3A_10 {dimension_numbers = #tpu.dot_dimension_numbers<[1], [1], [0], [0], [0, 0, 1, 0], [], []>, transpose_lhs_hint = false} : vector<64x64xf32>, vector<2048x64xf32>, vector<64x2048xf32> -> vector<64x2048xf32>
    %concatenate3A = tpu.concatenate %dot_general3A_8, %dot_general3A_11 in 1 : vector<64x2048xf32>, vector<64x2048xf32> -> vector<64x4096xf32>
    %swap3A = arith.constant 0 : index
    %swap3A_12 = arith.constant 0 : index
    %swap3A_13 = arith.constant 0 : index
    %swap3A_14 = vector.load %arg2[%swap3A, %swap3A_12, %swap3A_13] : memref<2x64x4096xf32, #tpu.memory_space<vmem>>, vector<1x64x4096xf32>
    %swap3A_15 = vector.shape_cast %swap3A_14 : vector<1x64x4096xf32> to vector<64x4096xf32>
    %swap3A_16 = vector.shape_cast %concatenate3A : vector<64x4096xf32> to vector<1x64x4096xf32>
    tpu.vector_store %arg2[%swap3A, %swap3A_12, %swap3A_13], %swap3A_16 {strides = array<i32>} : memref<2x64x4096xf32, #tpu.memory_space<vmem>>, vector<1x64x4096xf32>,
    %get3A_17 = arith.constant 1 : index
    %get3A_18 = arith.constant 0 : index
    %get3A_19 = arith.constant 0 : index
    %get3A_20 = vector.load %arg1[%get3A_17, %get3A_18, %get3A_19] : memref<2x2048x128xf32, #tpu.memory_space<vmem>>, vector<1x2048x128xf32>
    %get3A_21 = vector.shape_cast %get3A_20 : vector<1x2048x128xf32> to vector<2048x128xf32>
    %slice3A_22 = vector.extract_strided_slice %get3A_21 {offsets = [0, 0], sizes = [2048, 64], strides = [1, 1]} : vector<2048x128xf32> to vector<2048x64xf32>
    %dot_general3A_23 = arith.constant dense<0.000000e+00> : vector<64x2048xf32>
    %dot_general3A_24 = tpu.matmul %convert_element_type3A_3, %slice3A_22, %dot_general3A_23 {dimension_numbers = #tpu.dot_dimension_numbers<[1], [1], [0], [0], [0, 0, 1, 0], [], []>, transpose_lhs_hint = false} : vector<64x64xf32>, vector<2048x64xf32>, vector<64x2048xf32> -> vector<64x2048xf32>
    %slice3A_25 = vector.extract_strided_slice %get3A_21 {offsets = [0, 64], sizes = [2048, 64], strides = [1, 1]} : vector<2048x128xf32> to vector<2048x64xf32>
    %dot_general3A_26 = arith.constant dense<0.000000e+00> : vector<64x2048xf32>
    %dot_general3A_27 = tpu.matmul %convert_element_type3A_3, %slice3A_25, %dot_general3A_26 {dimension_numbers = #tpu.dot_dimension_numbers<[1], [1], [0], [0], [0, 0, 1, 0], [], []>, transpose_lhs_hint = false} : vector<64x64xf32>, vector<2048x64xf32>, vector<64x2048xf32> -> vector<64x2048xf32>
    %concatenate3A_28 = tpu.concatenate %dot_general3A_24, %dot_general3A_27 in 1 : vector<64x2048xf32>, vector<64x2048xf32> -> vector<64x4096xf32>
    %swap3A_29 = arith.constant 1 : index
    %swap3A_30 = arith.constant 0 : index
    %swap3A_31 = arith.constant 0 : index
    %swap3A_32 = vector.load %arg2[%swap3A_29, %swap3A_30, %swap3A_31] : memref<2x64x4096xf32, #tpu.memory_space<vmem>>, vector<1x64x4096xf32>
    %swap3A_33 = vector.shape_cast %swap3A_32 : vector<1x64x4096xf32> to vector<64x4096xf32>
    %swap3A_34 = vector.shape_cast %concatenate3A_28 : vector<64x4096xf32> to vector<1x64x4096xf32>
    tpu.vector_store %arg2[%swap3A_29, %swap3A_30, %swap3A_31], %swap3A_34 {strides = array<i32>} : memref<2x64x4096xf32, #tpu.memory_space<vmem>>, vector<1x64x4096xf32>,
    return
  }
  func.func @transform_0(%arg0: i32) -> (i32, i32, i32) {
    %c0_i32 = arith.constant 0 : i32
    %c0_i32_0 = arith.constant 0 : i32
    %c0_i32_1 = arith.constant 0 : i32
    return %arg0, %c0_i32, %c0_i32_0 : i32, i32, i32
  }
  func.func @transform_1(%arg0: i32) -> (i32, i32, i32) {
    %c0_i32 = arith.constant 0 : i32
    %c0_i32_0 = arith.constant 0 : i32
    %c0_i32_1 = arith.constant 0 : i32
    return %arg0, %c0_i32, %c0_i32_0 : i32, i32, i32
  }
}

</mosaic_0001>

<sc_bundles>
// kernel: kernel.4.cloned.1.call-start
scs
__scs_entry_jumppad:
0x0: {  	(pc) =	sbr.rel $0x88, $3  }
0x1: {  	(tag) =	ssettag $0x0;
	lr =	simm.s32 $0x1  }
0x2: {  	[smem:$0x3F9F] =	sst lr;
	_ =	strace $0xD0000000  }
0x3: {  	_ = 	snop  }
0x4: {  	_ = 	snop  }
0x5: {  	_ = 	snop  }
0x6: {  	_ = 	snop  }
0x7: {  	_ = 	snop  }
__scs_overlays_trampoline_lowered:
0x8: {  	[smem:$0x3FAE] =	sst s0  }
0x9: {  	[smem:$0x3FAF] =	sst s1  }
0xa: {  	[smem:$0x3FB0] =	sst s2  }
0xb: {  	[smem:$0x3FB1] =	sst s3  }
0xc: {  	[smem:$0x3FB2] =	sst s4  }
0xd: {  	[smem:$0x3FB3] =	sst s5  }
0xe: {  	[smem:$0x3FB4] =	sst s6  }
0xf: {  	[smem:$0x3FB5] =	sst s7  }
0x10: {  	[smem:$0x3FB6] =	sst s8  }
0x11: {  	[smem:$0x3FB7] =	sst s9;
	s0 =	simm.s32 @!p0 $0x0  }
0x12: {  	s1 =	sld [smem:$0x3F9D];
	s0 =	simm.s32 @p0 $0x1  }
0x13: {  	[smem:$0x3FB8] =	sst s0;
	s0 =	simm.s32 @!p1 $0x0  }
0x14: {  	s2 =	sld [smem:$0x3F9C];
	s0 =	simm.s32 @p1 $0x1  }
0x15: {  	[smem:$0x3FB9] =	sst s0;
	s0 =	simm.s32 @!p2 $0x0  }
0x16: {  	s3 =	sld [smem:$0x3FDB];
	s0 =	simm.s32 @p2 $0x1  }
0x17: {  	s4 =	simm.s32 $0x1BF5;
	[smem:$0x3FBB] =	sst s0  }
0x18: {  	s0 =	sld [smem:$0x3F9E];
	_ =	swait.ge [sflag:s4], $0x0  }
0x19: {  	s7 =	sld [smem:$0x3F9F]  }
0x1a: {  	s8 =	sadd.s32 $0xFFFFE003, lr  }
0x1b: {  	s9 =	sadd.s32 $0xFFFFFEF7, lr;
	s5 =	simm.s32 $0xFFFFFFFF;
	p2 =	slt.u32 s8, $0xFFFFF086  }
0x1c: {  	p1 =	slt.u32 s9, $0xF7A;
	s5 =	simm.s32 @!p2 $0x0  }
0x1d: {  	s5 =	simm.s32 @p1 $0x1;
	p0 =	seq.s32 s7, s2  }
0x1e: {  	s7 =	smul.u32 @!p0 $0xF7A, s2;
	p2 =	seq.s32 @!p0 s5, $0x0  }
0x1f: {  	s9 =	smul.u32 $0xF7A, s1;
	s8 =	simm.s32 @!p0 $0x1BF5;
	p2 =	por !p2, p0  }
0x20: {  	[sflag:s8] =	ssyncset.s32 @!p0 $0xFFFFF086;
	s6 =	sadd.s32 @!p0 s3, s7;
	s7 =	simm.s32 @!p0 $0x108  }
0x21: {  	s3 =	sadd.s32 s3, s9;
	s6 =	sadd.s32 @!p0 $0x88, s6;
	s7 =	simm.s32 @p2 $0x1082  }
0x22: {  	[simem:s7], [sflag:s8] =	dma.local @!p0 [hbm:s6], $0xF7A  }
0x23: {  	s9 =	sor.u32 $0xD0000000, s2;
	s6 =	simm.s32 $0x108;
	_ =	swait.ge @!p0 [sflag:s8], $0x0  }
0x24: {  	s3 =	sadd.s32 $0x88, s3;
	s6 =	simm.s32 @!p1 $0x1082;
	[sflag:s4] =	ssyncset.s32 $0xFFFFF086  }
0x25: {  	[simem:s6], [sflag:s4] =	dma.local [hbm:s3], $0xF7A  }
0x26: {  	[smem:$0x3F9F] =	sst s1;
	(tag) =	ssettag s2;
	_ =	strace s9  }
0x27: {  	s1 =	sld [smem:$0x3FAF]  }
0x28: {  	s2 =	sld [smem:$0x3FB0]  }
0x29: {  	s4 =	sld [smem:$0x3FB2]  }
0x2a: {  	p0 =	seq.s32 s5, $0x0;
	s5 =	sld [smem:$0x3FB3]  }
0x2b: {  	s6 =	sld [smem:$0x3FB4]  }
0x2c: {  	s7 =	sld [smem:$0x3FB5]  }
0x2d: {  	s3 =	simm.s32 $0x108;
	s8 =	sld [smem:$0x3FB6]  }
0x2e: {  	s3 =	simm.s32 @!p0 $0x1082;
	s9 =	sld [smem:$0x3FB7]  }
0x2f: {  	lr =	sadd.s32 s0, s3;
	s0 =	sld [smem:$0x3FAE]  }
0x30: {  	s3 =	sld [smem:$0x3FB1]  }
0x31: {  	[smem:$0x3FBA] =	sst s10  }
0x32: {  	s10 =	sld [smem:$0x3FB8];
	_ =	sdelay $0x3  }
0x33: {  	p0 =	seq.s32 s10, $0x1;
	s10 =	sld [smem:$0x3FBA];
	_ =	sdelay $0x3  }
0x34: {  	[smem:$0x3FBA] =	sst s10  }
0x35: {  	s10 =	sld [smem:$0x3FB9];
	_ =	sdelay $0x3  }
0x36: {  	p1 =	seq.s32 s10, $0x1;
	s10 =	sld [smem:$0x3FBA];
	_ =	sdelay $0x3  }
0x37: {  	[smem:$0x3FBA] =	sst s10  }
0x38: {  	s10 =	sld [smem:$0x3FBB]  }
0x39: {  	_ = 	snop;
	(pc) =	sbr.ind lr, $3  }
0x3a: {  	_ = 	snop  }
0x3b: {  	_ = 	snop  }
0x3c: {  	p2 =	seq.s32 s10, $0x1;
	s10 =	sld [smem:$0x3FBA]  }
0x3d: {  	_ =	shalt  }
0x3e: {  	_ =	shalt  }
0x3f: {  	_ =	shalt  }
0x40: {  	_ =	shalt  }
0x41: {  	_ =	shalt  }
0x42: {  	_ =	shalt  }
0x43: {  	_ =	shalt  }
0x44: {  	_ =	shalt  }
0x45: {  	_ =	shalt  }
0x46: {  	_ =	shalt  }
0x47: {  	_ =	shalt  }
0x48: {  	_ =	shalt  }
0x49: {  	_ =	shalt  }
0x4a: {  	_ =	shalt  }
0x4b: {  	_ =	shalt  }
0x4c: {  	_ =	shalt  }
0x4d: {  	_ =	shalt  }
0x4e: {  	_ =	shalt  }
0x4f: {  	_ =	shalt  }
0x50: {  	_ =	shalt  }
0x51: {  	_ =	shalt  }
0x52: {  	_ =	shalt  }
0x53: {  	_ =	shalt  }
0x54: {  	_ =	shalt  }
0x55: {  	_ =	shalt  }
0x56: {  	_ =	shalt  }
0x57: {  	_ =	shalt  }
0x58: {  	_ =	shalt  }
0x59: {  	_ =	shalt  }
0x5a: {  	_ =	shalt  }
0x5b: {  	_ =	shalt  }
0x5c: {  	_ =	shalt  }
0x5d: {  	_ =	shalt  }
0x5e: {  	_ =	shalt  }
0x5f: {  	_ =	shalt  }
0x60: {  	_ =	shalt  }
0x61: {  	_ =	shalt  }
0x62: {  	_ =	shalt  }
0x63: {  	_ =	shalt  }
0x64: {  	_ =	shalt  }
0x65: {  	_ =	shalt  }
0x66: {  	_ =	shalt  }
0x67: {  	_ =	shalt  }
0x68: {  	_ =	shalt  }
0x69: {  	_ =	shalt  }
0x6a: {  	_ =	shalt  }
0x6b: {  	_ =	shalt  }
0x6c: {  	_ =	shalt  }
0x6d: {  	_ =	shalt  }
0x6e: {  	_ =	shalt  }
0x6f: {  	_ =	shalt  }
0x70: {  	_ =	shalt  }
0x71: {  	_ =	shalt  }
0x72: {  	_ =	shalt  }
0x73: {  	_ =	shalt  }
0x74: {  	_ =	shalt  }
0x75: {  	_ =	shalt  }
0x76: {  	_ =	shalt  }
0x77: {  	_ =	shalt  }
0x78: {  	_ =	shalt  }
0x79: {  	_ =	shalt  }
0x7a: {  	_ =	shalt  }
0x7b: {  	_ =	shalt  }
0x7c: {  	_ =	shalt  }
0x7d: {  	_ =	shalt  }
0x7e: {  	_ =	shalt  }
0x7f: {  	_ =	shalt  }
0x80: {  	_ =	shalt  }
0x81: {  	_ =	shalt  }
0x82: {  	_ =	shalt  }
0x83: {  	_ =	shalt  }
0x84: {  	_ =	shalt  }
0x85: {  	_ =	shalt  }
0x86: {  	_ =	shalt  }
0x87: {  	_ =	shalt  }
.Lfunc_end0:
.L_simem_size_0:
called_computation_lowered:
.L_overlay_start_0:
0x88: {  	s2 =	sld [smem:$0x3FD9]  }
0x89: {  	s3 =	sld [smem:$0x3FFE];
	_ =	sdelay $0x1  }
0x8a: {  	s1 =	srdreg.scid  }
0x8b: {  	s0 =	sand.u32 $0x1, s1  }
0x8c: {  	s17 =	sshll.u32 s0, $0xA;
	s2 =	sadd.s32 s3, s2  }
0x8d: {  	s2 =	sadd.s32 s2, s17  }
0x8e: {  	[smem:$0x3FC6] =	sst s2  }
0x8f: {  	_ = 	snop  }
0x90: {  	s2 =	sld [smem:$0x3FC9];
	(tm) =	ssettm $0x1  }
0x91: {  	s18 =	sld [smem:$0x3FFB];
	_ =	sdelay $0x3  }
0x92: {  	_ =	strace s18  }
0x93: {  	s3 =	sld [smem:$0x3FFC];
	_ =	sdelay $0x3  }
0x94: {  	_ =	strace s3  }
0x95: {  	s3 =	sld [smem:$0x3FFD];
	_ =	sdelay $0x3  }
0x96: {  	_ =	strace s3  }
0x97: {  	_ =	strace $0x8FFFFFFF  }
0x98: {  	s19 =	sld [smem:$0x3FDB];
	_ =	sdelay $0x1  }
0x99: {  	s4 =	simm.s32 $_scs_section_size  }
0x9a: {  	s5 =	simm.s32 $_size__tile_overlayer_lowered;
	s6 =	simm.s32 $_tile_overlayer_lowered  }
0x9b: {  	s22 =	simm.s32 $0x1BFF;
	s21 =	sshll.u32 s6, $0x1;
	s3 =	sadd.s32 s4, s19  }
0x9c: {  	s7 =	simm.s32 $0x0;
	s20 =	sshll.u32 s5, $0x1;
	s5 =	sadd.s32 s21, s3  }
0x9d: {  	[timem:s7], [sflag:s22] =	dma.local [hbm:s5], s20  }
0x9e: {  	_ =	swait.ge [sflag:s22], s20  }
0x9f: {  	s4 =	ssub.s32 $0x0, s20;
	[sflag:s22] =	ssyncset.done $0x0  }
0xa0: {  	[sflag:s22] =	ssyncadd.s32 s4;
	_ =	sdelay $0x1  }
0xa1: {  	s23 =	simm.s32 $0x1B8B  }
0xa2: {  	_ =	swait.ge [sflag:s23], $0x1  }
0xa3: {  	[sflag:s23] =	ssyncset.done $0x0  }
0xa4: {  	s25 =	simm.s32 $0x1B8E;
	s24 =	sld [smem:$0x3FFE];
	[sflag:s23] =	ssyncadd.s32 $0xFFFFFFFF  }
0xa5: {  	s26 =	simm.s32 $execute0_lowered;
	[smem:$0x3FD2] =	sst s25  }
0xa6: {  	s5 =	sshll.u32 s26, $0x1;
	_ =	strace $0x80000046;
	[dreg:$0x1] =	wrdreg $0xFFFFFFFF  }
0xa7: {  	s28 =	simm.s32 $_size_execute0_lowered;
	s3 =	sadd.s32 s3, s5;
	[dreg:$0x0] =	wrdreg $0x0  }
0xa8: {  	s5 =	sshll.u32 s28, $0x1;
	[dreg:$0x2] =	wrdreg s3  }
0xa9: {  	[dreg:$0x3] =	wrdreg s5  }
0xaa: {  	[dreg:$0x4] =	wrdreg $0xC0  }
0xab: {  	_ =	task [dreg:s7], $0x5FFFF  }
0xac: {  	[dreg:$0x1] =	wrdreg $0xFFFFFFFF  }
0xad: {  	[dreg:$0x0] =	wrdreg $0x60  }
0xae: {  	[dreg:$0x2] =	wrdreg s2  }
0xaf: {  	[dreg:$0x3] =	wrdreg s24  }
0xb0: {  	[dreg:$0x4] =	wrdreg $0x9  }
0xb1: {  	_ =	task.clear_ibuf [dreg:s7], $0x5FFFF;
	_ =	strace $0x90000046  }
0xb2: {  	s29 =	simm.s32 $0x9;
	_ =	strace $0x80000048  }
0xb3: {  	_ =	swait.ge [sflag:s29], $0x1  }
0xb4: {  	[sflag:s29] =	ssyncadd.s32 $0xFFFFFFFF  }
0xb5: {  	_ =	strace $0x90000048  }
0xb6: {  	_ =	sfence  }
0xb7: {  	s30 =	sld [smem:$0x0];
	_ =	sdelay $0x2  }
0xb8: {  	s31 =	sshll.u32 s1, $0xD;
	s1 =	sshrl.u32 s1, $0x2  }
0xb9: {  	s3 =	sand.u32 $0x4000, s31;
	s1 =	sadd.s32 s1, s30  }
0xba: {  	s0 =	sor.u32 s3, s0;
	s1 =	sshll.u32 s1, $0x11  }
0xbb: {  	s0 =	sor.u32 s1, s0  }
0xbc: {  	s0 =	sadd.s32 $0x8F2B, s0  }
0xbd: {  	[sflag:s0] =	ssyncadd.remote.s32 $0x1  }
0xbe: {  	_ =	sfence.sel $0xFFFF  }
0xbf: {  	[dreg:$0x0] =	wrdreg $0xFFFFFFFF;
	(pc) =	sbr.abs _section_cstart, $3  }
0xc0: {  	[dreg:$0x1] =	wrdreg $0xFFFFFFFF  }
0xc1: {  	_ =	task.clear_ibuf [dreg:s7], $0x2FFFF;
	_ =	strace $0x9FFFFFFF  }
0xc2: {  	(tm) =	ssettm $0x7FFFFFFF  }
0xc3: {  	_ =	shalt  }
tec
execute0_lowered:
.L_overlay_start_1:
0x0: {  	(tag) =	ssettag $0x1  }
0x1: {  	s1 =	srdreg.scid  }
0x2: {  	s0 =	stileid.u32;
	s5 =	rddreg [dreg:$0x0]  }
0x3: {  	s4 =	rddreg [dreg:$0x1];
	s23 =	simm.s32 $0x0;
	s14 =	simm.s32 $0x1A400  }
0x4: {  	s15 =	simm.s32 $0x1A480;
	s16 =	simm.s32 $0x1A500;
	s17 =	simm.s32 $0x1A580  }
0x5: {  	s18 =	simm.s32 $0x1A600;
	s19 =	simm.s32 $0x1A680;
	s20 =	simm.s32 $0x1A700  }
0x6: {  	s21 =	simm.s32 $0x1A780;
	s31 =	simm.s32 $0x1A880;
	s6 =	sand.u32 $0x1, s1  }
0x7: {  	s22 =	sshll.u32 s0, $0x1;
	s8 =	smul.u32 $0x190, s0;
	[smem:$0x7FF] =	sst s23  }
0x8: {  	s11 =	smul.u32 $0xC800, s0;
	s3 =	sadd.s32 $0x400, s4;
	s4 =	sadd.s32 $0xC3A00, s4  }
0x9: {  	s24 =	smul.u32 $0x190000, s0;
	_ =	strace $0x80000047;
	[dreg:$0x4] =	wrdreg s14  }
0xa: {  	s23 =	simm.s32 $0x0;
	s9 =	smul.u32 $0xC8, s6;
	[dreg:$0x5] =	wrdreg s15  }
0xb: {  	s1 =	sor.u32 s6, s22;
	s13 =	smul.u32 $0x6400, s6;
	[dreg:$0x6] =	wrdreg s16  }
0xc: {  	s10 =	ssub.s32 $0x2, s6;
	s28 =	smul.u32 $0xC8000, s6;
	[dreg:$0x7] =	wrdreg s17  }
0xd: {  	s14 =	simm.s32 $0xC400;
	s15 =	simm.s32 $0xE400;
	[dreg:$0x8] =	wrdreg s18  }
0xe: {  	s16 =	simm.s32 $0x10400;
	s17 =	simm.s32 $0x12400;
	[dreg:$0x9] =	wrdreg s19  }
0xf: {  	s18 =	simm.s32 $0x14400;
	s19 =	simm.s32 $0x16400;
	[dreg:$0xa] =	wrdreg s20  }
0x10: {  	s20 =	simm.s32 $0x18400;
	[dreg:$0xb] =	wrdreg s21;
	s22 =	simm.s32 $0x1A800  }
0x11: {  	s21 =	simm.s32 $0x1;
	[dreg:$0xd] =	wrdreg s31;
	s7 =	smul.u32 $0xC80, s1  }
0x12: {  	v0 =	vlaneseq.u32;
	s12 =	sshrl.u32 s10, $0x1;
	[dreg:$0xc] =	wrdreg s22;
	s22 =	simm.s32 $0x2  }
0x13: {  	v0 =	vmul.u32 $0x2, v0;
	s10 =	ssub.s32 s10, s12;
	s26 =	sadd.s32 s9, s8;
	s30 =	sadd.s32 s13, s11  }
0x14: {  	s8 =	sadd.s32 s28, s24;
	s9 =	simm.s32 $0x3;
	[dreg:$0x3] =	wrdreg s26  }
0x15: {  	v1 =	vor.u32 $0x20, v0;
	s11 =	simm.s32 $0x6400;
	s25 =	sadd.s32 s5, s7;
	[dreg:$0x10] =	wrdreg s30  }
0x16: {  	v2 =	vor.u32 $0x40, v0;
	v3 =	vor.u32 $0x60, v0;
	v4 =	vor.u32 $0x80, v0;
	s12 =	simm.s32 $0x8400;
	s29 =	smax.u32 s10, $0x1;
	[dreg:$0xe] =	wrdreg s25  }
0x17: {  	v5 =	vor.u32 $0xA0, v0;
	v6 =	vor.u32 $0xC0, v0;
	v7 =	vor.u32 $0xE0, v0;
	s13 =	simm.s32 $0xA400;
	s10 =	simm.s32 $0x80;
	[dreg:$0xf] =	wrdreg s29  }
.LBB2_1:
0x18: {  	s0 =	simm.s32 $0x0;
	s1 =	rddreg [dreg:$0xe]  }
0x19: {  	[tilespmem:s0], [sflag:$0x3] =	stream.linear.gather [hbm4b:s1+s0], $0x6400, $0x38;
	[tilespmem:$0x1A900] =	vst v63  }
0x1a: {  	s24 =	simm.s32 $0x0;
	_ =	swait.ge [sflag:s9], $0x6400  }
0x1b: {  	s25 =	simm.s32 $0x0;
	s26 =	smov.u32 s8;
	[sflag:s9] =	ssyncset.done $0x0  }
0x1c: {  	s29 =	simm.s32 $0x0;
	s28 =	rddreg [dreg:$0x10];
	[sflag:s9] =	ssyncadd.s32 $0xFFFF9C00  }
.LBB2_2:
0x1d: {  	p0 =	seq.s32 s29, $0x0  }
0x1e: {  	s30 =	simm.s32 @!p0 $0x2  }
0x1f: {  	_ =	swait.ge @!p0 [sflag:s30], $0x2000  }
0x20: {  	[sflag:s30] =	ssyncset.done @!p0 $0x0  }
0x21: {  	[sflag:s30] =	ssyncadd.s32 @!p0 $0xFFFFE000  }
0x22: {  	_ =	swait.ge @!p0 [sflag:s30], $0x2000  }
0x23: {  	[sflag:s30] =	ssyncset.done @!p0 $0x0  }
0x24: {  	[sflag:s30] =	ssyncadd.s32 @!p0 $0xFFFFE000  }
0x25: {  	_ =	swait.ge @!p0 [sflag:s30], $0x2000  }
0x26: {  	[sflag:s30] =	ssyncset.done @!p0 $0x0  }
0x27: {  	[sflag:s30] =	ssyncadd.s32 @!p0 $0xFFFFE000  }
0x28: {  	_ =	swait.ge @!p0 [sflag:s30], $0x2000  }
0x29: {  	[sflag:s30] =	ssyncset.done @!p0 $0x0  }
0x2a: {  	[sflag:s30] =	ssyncadd.s32 @!p0 $0xFFFFE000  }
0x2b: {  	_ =	swait.ge @!p0 [sflag:s30], $0x2000  }
0x2c: {  	[sflag:s30] =	ssyncset.done @!p0 $0x0  }
0x2d: {  	[sflag:s30] =	ssyncadd.s32 @!p0 $0xFFFFE000  }
0x2e: {  	_ =	swait.ge @!p0 [sflag:s30], $0x2000  }
0x2f: {  	[sflag:s30] =	ssyncset.done @!p0 $0x0  }
0x30: {  	[sflag:s30] =	ssyncadd.s32 @!p0 $0xFFFFE000  }
0x31: {  	_ =	swait.ge @!p0 [sflag:s30], $0x2000  }
0x32: {  	[sflag:s30] =	ssyncset.done @!p0 $0x0  }
0x33: {  	[sflag:s30] =	ssyncadd.s32 @!p0 $0xFFFFE000  }
0x34: {  	_ =	swait.ge @!p0 [sflag:s30], $0x2000  }
0x35: {  	[sflag:s30] =	ssyncset.done @!p0 $0x0  }
0x36: {  	[sflag:s30] =	ssyncadd.s32 @!p0 $0xFFFFE000  }
0x37: {  	_ =	swait.ge @!p0 [sflag:s30], $0x2000  }
0x38: {  	[sflag:s30] =	ssyncset.done @!p0 $0x0  }
0x39: {  	[sflag:s30] =	ssyncadd.s32 @!p0 $0xFFFFE000  }
0x3a: {  	_ =	swait.ge @!p0 [sflag:s30], $0x2000  }
0x3b: {  	[sflag:s30] =	ssyncset.done @!p0 $0x0  }
0x3c: {  	[sflag:s30] =	ssyncadd.s32 @!p0 $0xFFFFE000  }
0x3d: {  	[tilespmem:s11], [sflag:$0x1] =	stream.indirect.gather [hbm4b:s3+s10], $0x40, s24, s10, $0xb8;
	[tilespmem:$0x1A900] =	vst v63  }
0x3e: {  	s2 =	sadd.s32 $0x80, s24  }
0x3f: {  	[tilespmem:s12], [sflag:$0x1] =	stream.indirect.gather [hbm4b:s3+s10], $0x40, s2, s10, $0xb8;
	[tilespmem:$0x1A900] =	vst v63  }
0x40: {  	s5 =	sadd.s32 $0x100, s24  }
0x41: {  	[tilespmem:s13], [sflag:$0x1] =	stream.indirect.gather [hbm4b:s3+s10], $0x40, s5, s10, $0xb8;
	[tilespmem:$0x1A900] =	vst v63  }
0x42: {  	s6 =	sadd.s32 $0x180, s24  }
0x43: {  	[tilespmem:s14], [sflag:$0x1] =	stream.indirect.gather [hbm4b:s3+s10], $0x40, s6, s10, $0xb8;
	[tilespmem:$0x1A900] =	vst v63  }
0x44: {  	s7 =	sadd.s32 $0x200, s24  }
0x45: {  	[tilespmem:s15], [sflag:$0x1] =	stream.indirect.gather [hbm4b:s3+s10], $0x40, s7, s10, $0xb8;
	[tilespmem:$0x1A900] =	vst v63  }
0x46: {  	s31 =	sadd.s32 $0x280, s24  }
0x47: {  	[tilespmem:s16], [sflag:$0x1] =	stream.indirect.gather [hbm4b:s3+s10], $0x40, s31, s10, $0xb8;
	[tilespmem:$0x1A900] =	vst v63  }
0x48: {  	s0 =	sadd.s32 $0x300, s24  }
0x49: {  	[tilespmem:s17], [sflag:$0x1] =	stream.indirect.gather [hbm4b:s3+s10], $0x40, s0, s10, $0xb8;
	[tilespmem:$0x1A900] =	vst v63  }
0x4a: {  	s1 =	sadd.s32 $0x380, s24  }
0x4b: {  	[tilespmem:s18], [sflag:$0x1] =	stream.indirect.gather [hbm4b:s3+s10], $0x40, s1, s10, $0xb8;
	[tilespmem:$0x1A900] =	vst v63  }
0x4c: {  	s2 =	sadd.s32 $0x400, s24  }
0x4d: {  	[tilespmem:s19], [sflag:$0x1] =	stream.indirect.gather [hbm4b:s3+s10], $0x40, s2, s10, $0xb8;
	[tilespmem:$0x1A900] =	vst v63  }
0x4e: {  	s5 =	sadd.s32 $0x480, s24  }
0x4f: {  	[tilespmem:s20], [sflag:$0x1] =	stream.indirect.gather [hbm4b:s3+s10], $0x40, s5, s10, $0xb8;
	[tilespmem:$0x1A900] =	vst v63  }
0x50: {  	_ =	swait.ge [sflag:s21], $0x2000  }
0x51: {  	[sflag:s21] =	ssyncset.done $0x0  }
0x52: {  	[sflag:s21] =	ssyncadd.s32 $0xFFFFE000  }
0x53: {  	_ =	swait.ge [sflag:s21], $0x2000  }
0x54: {  	[sflag:s21] =	ssyncset.done $0x0  }
0x55: {  	[sflag:s21] =	ssyncadd.s32 $0xFFFFE000  }
0x56: {  	_ =	swait.ge [sflag:s21], $0x2000  }
0x57: {  	[sflag:s21] =	ssyncset.done $0x0  }
0x58: {  	[sflag:s21] =	ssyncadd.s32 $0xFFFFE000  }
0x59: {  	_ =	swait.ge [sflag:s21], $0x2000  }
0x5a: {  	[sflag:s21] =	ssyncset.done $0x0  }
0x5b: {  	[sflag:s21] =	ssyncadd.s32 $0xFFFFE000  }
0x5c: {  	_ =	swait.ge [sflag:s21], $0x2000  }
0x5d: {  	[sflag:s21] =	ssyncset.done $0x0  }
0x5e: {  	[sflag:s21] =	ssyncadd.s32 $0xFFFFE000  }
0x5f: {  	_ =	swait.ge [sflag:s21], $0x2000  }
0x60: {  	[sflag:s21] =	ssyncset.done $0x0  }
0x61: {  	[sflag:s21] =	ssyncadd.s32 $0xFFFFE000  }
0x62: {  	_ =	swait.ge [sflag:s21], $0x2000  }
0x63: {  	[sflag:s21] =	ssyncset.done $0x0  }
0x64: {  	[sflag:s21] =	ssyncadd.s32 $0xFFFFE000  }
0x65: {  	_ =	swait.ge [sflag:s21], $0x2000  }
0x66: {  	[sflag:s21] =	ssyncset.done $0x0  }
0x67: {  	[sflag:s21] =	ssyncadd.s32 $0xFFFFE000  }
0x68: {  	_ =	swait.ge [sflag:s21], $0x2000  }
0x69: {  	[sflag:s21] =	ssyncset.done $0x0  }
0x6a: {  	[sflag:s21] =	ssyncadd.s32 $0xFFFFE000  }
0x6b: {  	_ =	swait.ge [sflag:s21], $0x2000  }
0x6c: {  	s6 =	rddreg [dreg:$0x3]  }
0x6d: {  	s31 =	sand.u32 $0x6, s29;
	s30 =	sadd.s32 s29, s6  }
0x6e: {  	p1 =	sne.s32 s31, $0x0;
	p4 =	seq.s32 s30, $0x0  }
0x6f: {  	p0 =	por !p4, !p1  }
0x70: {  	s1 =	simm.s32 $0x1;
	p0 =	por !p0, !p0  }
0x71: {  	s0 =	sshrl.u32 s30, $0x3;
	s1 =	simm.s32 @!p0 $0x0  }
0x72: {  	s1 =	ssub.s32 s0, s1  }
0x73: {  	s2 =	sshra.s32 s1, $0x1F  }
0x74: {  	s2 =	sshrl.u32 s2, $0x1B  }
0x75: {  	s2 =	sadd.s32 s2, s1  }
0x76: {  	s2 =	sand.u32 $0xFFFFFFE0, s2  }
0x77: {  	s1 =	ssub.s32 s1, s2  }
0x78: {  	s2 =	sshll.u32 s1, $0x18  }
0x79: {  	s2 =	sshra.s32 s2, $0x1F  }
0x7a: {  	s5 =	sand.u32 $0xF, s1;
	s2 =	sand.u32 $0xF, s2  }
0x7b: {  	p5 =	slt.s32 s1, $0x1;
	p6 =	sne.s32 s5, $0x0;
	s2 =	sadd.s32 s2, s1  }
0x7c: {  	p0 =	por !p5, !p6;
	s2 =	sshll.u32 s2, $0x18  }
0x7d: {  	s5 =	simm.s32 $0x1;
	p0 =	por !p0, !p0;
	s2 =	sshra.s32 s2, $0x1C  }
0x7e: {  	s5 =	simm.s32 @!p0 $0x0;
	s2 =	sand.u32 $0xFF, s2  }
0x7f: {  	s7 =	sand.u32 $0x7FFF8000, s28;
	s31 =	sshll.u32 s31, $0xC;
	s2 =	ssub.s32 s2, s5  }
0x80: {  	s31 =	sor.u32 s31, s7;
	s1 =	sshll.u32 s1, $0x8;
	s2 =	smul.u32 $0xFFFFF001, s2  }
0x81: {  	[sflag:s21] =	ssyncset.done $0x0;
	s1 =	sadd.s32 s1, s31  }
0x82: {  	s0 =	sand.u32 $0x1F, s0;
	s31 =	sand.u32 $0x78, s30;
	s1 =	sadd.s32 s2, s1  }
0x83: {  	[sflag:s21] =	ssyncadd.s32 $0xFFFFE000;
	p1 =	seq.s32 s0, $0x0;
	p2 =	sne.s32 s31, $0x0;
	v8 =	vadd.s32 s1, v0  }
0x84: {  	p0 =	por !p2, !p1;
	[tilespmem:$0x1A400] =	vst v8;
	v8 =	vadd.s32 s1, v1  }
0x85: {  	p0 =	por !p0, !p0;
	s2 =	simm.s32 $0x1;
	[tilespmem:$0x1A410] =	vst v8;
	v8 =	vadd.s32 s1, v2  }
0x86: {  	s6 =	sshrl.u32 s0, $0x4;
	s2 =	simm.s32 @!p0 $0x0;
	[tilespmem:$0x1A420] =	vst v8;
	v8 =	vadd.s32 s1, v3  }
0x87: {  	s31 =	sand.u32 $0x6000, s25;
	s2 =	ssub.s32 s6, s2;
	[tilespmem:$0x1A430] =	vst v8;
	v8 =	vadd.s32 s1, v4  }
0x88: {  	s0 =	sshll.u32 s0, $0x8;
	s5 =	sor.u32 s7, s31;
	s2 =	smul.u32 $0xFFFFF001, s2;
	[tilespmem:$0x1A440] =	vst v8;
	v8 =	vadd.s32 s1, v5  }
0x89: {  	s0 =	sor.u32 s5, s0;
	[tilespmem:$0x1A450] =	vst v8;
	v8 =	vadd.s32 s1, v6  }
0x8a: {  	s0 =	sadd.s32 s2, s0;
	[tilespmem:$0x1A460] =	vst v8;
	v8 =	vadd.s32 s1, v7  }
0x8b: {  	s6 =	rddreg [dreg:$0x4];
	s0 =	sadd.s32 $0x1000, s0;
	[tilespmem:$0x1A470] =	vst v8  }
0x8c: {  	v8 =	vadd.s32 s0, v0;
	[hbm4b:s4+s10] =	stream.indirect.scatter [tilespmem:s11], [sflag:$0x2], $0x40, s6, s10, $0xb8;
	[tilespmem:$0x1A900] =	vst v63  }
0x8d: {  	[tilespmem:$0x1A480] =	vst v8;
	v8 =	vadd.s32 s0, v1  }
0x8e: {  	[tilespmem:$0x1A490] =	vst v8;
	v8 =	vadd.s32 s0, v2  }
0x8f: {  	[tilespmem:$0x1A4A0] =	vst v8;
	v8 =	vadd.s32 s0, v3  }
0x90: {  	[tilespmem:$0x1A4B0] =	vst v8;
	v8 =	vadd.s32 s0, v4  }
0x91: {  	s2 =	sadd.s32 $0x2, s30;
	[tilespmem:$0x1A4C0] =	vst v8;
	v8 =	vadd.s32 s0, v5  }
0x92: {  	s5 =	sshrl.u32 s2, $0x3;
	[tilespmem:$0x1A4D0] =	vst v8;
	v8 =	vadd.s32 s0, v6  }
0x93: {  	s1 =	sand.u32 $0x1F, s5;
	[tilespmem:$0x1A4E0] =	vst v8;
	v8 =	vadd.s32 s0, v7;
	s0 =	sand.u32 $0x78, s2  }
0x94: {  	s7 =	rddreg [dreg:$0x5];
	p3 =	seq.s32 s1, $0x0;
	[tilespmem:$0x1A4F0] =	vst v8;
	p4 =	sne.s32 s0, $0x0  }
0x95: {  	[hbm4b:s4+s10] =	stream.indirect.scatter [tilespmem:s12], [sflag:$0x2], $0x40, s7, s10, $0xb8;
	[tilespmem:$0x1A900] =	vst v63  }
0x96: {  	p0 =	por !p4, !p3  }
0x97: {  	s6 =	sadd.s32 $0x100, s28;
	s2 =	simm.s32 $0x1;
	p0 =	por !p0, !p0  }
0x98: {  	s0 =	sshrl.u32 s1, $0x4;
	s7 =	sadd.s32 $0x2000, s26;
	s2 =	simm.s32 @!p0 $0x0  }
0x99: {  	s5 =	sand.u32 $0x7FFF8000, s6;
	s6 =	sand.u32 $0x6000, s7;
	s0 =	ssub.s32 s0, s2  }
0x9a: {  	s1 =	sshll.u32 s1, $0x8;
	s5 =	sor.u32 s6, s5;
	s0 =	smul.u32 $0xFFFFF001, s0  }
0x9b: {  	s6 =	sadd.s32 $0x3, s30;
	s1 =	sor.u32 s1, s5  }
0x9c: {  	s7 =	sshrl.u32 s6, $0x3;
	s0 =	sadd.s32 s0, s1  }
0x9d: {  	s6 =	sand.u32 $0x78, s6;
	s1 =	sand.u32 $0x1F, s7;
	v8 =	vadd.s32 s0, v0  }
0x9e: {  	p6 =	sne.s32 s6, $0x0;
	p5 =	seq.s32 s1, $0x0;
	[tilespmem:$0x1A500] =	vst v8;
	v8 =	vadd.s32 s0, v1  }
0x9f: {  	p0 =	por !p6, !p5;
	[tilespmem:$0x1A510] =	vst v8;
	v8 =	vadd.s32 s0, v2  }
0xa0: {  	s2 =	simm.s32 $0x1;
	s5 =	sadd.s32 $0x180, s28;
	p0 =	por !p0, !p0;
	[tilespmem:$0x1A520] =	vst v8;
	v8 =	vadd.s32 s0, v3  }
0xa1: {  	s6 =	sadd.s32 $0x3000, s26;
	s7 =	sshrl.u32 s1, $0x4;
	s2 =	simm.s32 @!p0 $0x0;
	[tilespmem:$0x1A530] =	vst v8;
	v8 =	vadd.s32 s0, v4  }
0xa2: {  	s5 =	sand.u32 $0x7FFF8000, s5;
	s6 =	sand.u32 $0x7000, s6;
	s2 =	ssub.s32 s7, s2;
	[tilespmem:$0x1A540] =	vst v8;
	v8 =	vadd.s32 s0, v5  }
0xa3: {  	s5 =	sor.u32 s6, s5;
	s1 =	sshll.u32 s1, $0x8;
	s2 =	smul.u32 $0xFFFFF001, s2;
	[tilespmem:$0x1A550] =	vst v8;
	v8 =	vadd.s32 s0, v6  }
0xa4: {  	s6 =	sadd.s32 s1, s5;
	[tilespmem:$0x1A560] =	vst v8;
	v8 =	vadd.s32 s0, v7  }
0xa5: {  	s7 =	rddreg [dreg:$0x6];
	s0 =	sadd.s32 s2, s6;
	[tilespmem:$0x1A570] =	vst v8  }
0xa6: {  	v8 =	vadd.s32 s0, v0;
	[hbm4b:s4+s10] =	stream.indirect.scatter [tilespmem:s13], [sflag:$0x2], $0x40, s7, s10, $0xb8;
	[tilespmem:$0x1A900] =	vst v63  }
0xa7: {  	[tilespmem:$0x1A580] =	vst v8;
	v8 =	vadd.s32 s0, v1  }
0xa8: {  	[tilespmem:$0x1A590] =	vst v8;
	v8 =	vadd.s32 s0, v2  }
0xa9: {  	[tilespmem:$0x1A5A0] =	vst v8;
	v8 =	vadd.s32 s0, v3  }
0xaa: {  	[tilespmem:$0x1A5B0] =	vst v8;
	v8 =	vadd.s32 s0, v4  }
0xab: {  	s2 =	sadd.s32 $0x4, s30;
	[tilespmem:$0x1A5C0] =	vst v8;
	v8 =	vadd.s32 s0, v5  }
0xac: {  	s5 =	sshrl.u32 s2, $0x3;
	[tilespmem:$0x1A5D0] =	vst v8;
	v8 =	vadd.s32 s0, v6  }
0xad: {  	s1 =	sand.u32 $0x1F, s5;
	[tilespmem:$0x1A5E0] =	vst v8;
	v8 =	vadd.s32 s0, v7;
	s0 =	sand.u32 $0x78, s2  }
0xae: {  	s7 =	rddreg [dreg:$0x7];
	p1 =	seq.s32 s1, $0x0;
	[tilespmem:$0x1A5F0] =	vst v8;
	p2 =	sne.s32 s0, $0x0  }
0xaf: {  	[hbm4b:s4+s10] =	stream.indirect.scatter [tilespmem:s14], [sflag:$0x2], $0x40, s7, s10, $0xb8;
	[tilespmem:$0x1A900] =	vst v63  }
0xb0: {  	p0 =	por !p2, !p1  }
0xb1: {  	s6 =	sadd.s32 $0x200, s28;
	s2 =	simm.s32 $0x1;
	p0 =	por !p0, !p0  }
0xb2: {  	s0 =	sshrl.u32 s1, $0x4;
	s7 =	sadd.s32 $0x4000, s26;
	s2 =	simm.s32 @!p0 $0x0  }
0xb3: {  	s5 =	sand.u32 $0x7FFF8000, s6;
	s6 =	sand.u32 $0x6000, s7;
	s0 =	ssub.s32 s0, s2  }
0xb4: {  	s1 =	sshll.u32 s1, $0x8;
	s5 =	sor.u32 s6, s5;
	s0 =	smul.u32 $0xFFFFF001, s0  }
0xb5: {  	s6 =	sadd.s32 $0x5, s30;
	s1 =	sor.u32 s1, s5  }
0xb6: {  	s7 =	sshrl.u32 s6, $0x3;
	s0 =	sadd.s32 s0, s1  }
0xb7: {  	s6 =	sand.u32 $0x78, s6;
	s1 =	sand.u32 $0x1F, s7;
	v8 =	vadd.s32 s0, v0  }
0xb8: {  	p4 =	sne.s32 s6, $0x0;
	p3 =	seq.s32 s1, $0x0;
	[tilespmem:$0x1A600] =	vst v8;
	v8 =	vadd.s32 s0, v1  }
0xb9: {  	p0 =	por !p4, !p3;
	[tilespmem:$0x1A610] =	vst v8;
	v8 =	vadd.s32 s0, v2  }
0xba: {  	s2 =	simm.s32 $0x1;
	s5 =	sadd.s32 $0x280, s28;
	p0 =	por !p0, !p0;
	[tilespmem:$0x1A620] =	vst v8;
	v8 =	vadd.s32 s0, v3  }
0xbb: {  	s6 =	sadd.s32 $0x5000, s26;
	s7 =	sshrl.u32 s1, $0x4;
	s2 =	simm.s32 @!p0 $0x0;
	[tilespmem:$0x1A630] =	vst v8;
	v8 =	vadd.s32 s0, v4  }
0xbc: {  	s5 =	sand.u32 $0x7FFF8000, s5;
	s6 =	sand.u32 $0x7000, s6;
	s2 =	ssub.s32 s7, s2;
	[tilespmem:$0x1A640] =	vst v8;
	v8 =	vadd.s32 s0, v5  }
0xbd: {  	s5 =	sor.u32 s6, s5;
	s1 =	sshll.u32 s1, $0x8;
	s2 =	smul.u32 $0xFFFFF001, s2;
	[tilespmem:$0x1A650] =	vst v8;
	v8 =	vadd.s32 s0, v6  }
0xbe: {  	s6 =	sadd.s32 s1, s5;
	[tilespmem:$0x1A660] =	vst v8;
	v8 =	vadd.s32 s0, v7  }
0xbf: {  	s7 =	rddreg [dreg:$0x8];
	s0 =	sadd.s32 s2, s6;
	[tilespmem:$0x1A670] =	vst v8  }
0xc0: {  	v8 =	vadd.s32 s0, v0;
	[hbm4b:s4+s10] =	stream.indirect.scatter [tilespmem:s15], [sflag:$0x2], $0x40, s7, s10, $0xb8;
	[tilespmem:$0x1A900] =	vst v63  }
0xc1: {  	[tilespmem:$0x1A680] =	vst v8;
	v8 =	vadd.s32 s0, v1  }
0xc2: {  	[tilespmem:$0x1A690] =	vst v8;
	v8 =	vadd.s32 s0, v2  }
0xc3: {  	[tilespmem:$0x1A6A0] =	vst v8;
	v8 =	vadd.s32 s0, v3  }
0xc4: {  	[tilespmem:$0x1A6B0] =	vst v8;
	v8 =	vadd.s32 s0, v4  }
0xc5: {  	s2 =	sadd.s32 $0x6, s30;
	[tilespmem:$0x1A6C0] =	vst v8;
	v8 =	vadd.s32 s0, v5  }
0xc6: {  	s5 =	sshrl.u32 s2, $0x3;
	[tilespmem:$0x1A6D0] =	vst v8;
	v8 =	vadd.s32 s0, v6  }
0xc7: {  	s1 =	sand.u32 $0x1F, s5;
	[tilespmem:$0x1A6E0] =	vst v8;
	v8 =	vadd.s32 s0, v7;
	s0 =	sand.u32 $0x78, s2  }
0xc8: {  	s7 =	rddreg [dreg:$0x9];
	p5 =	seq.s32 s1, $0x0;
	[tilespmem:$0x1A6F0] =	vst v8;
	p6 =	sne.s32 s0, $0x0  }
0xc9: {  	[hbm4b:s4+s10] =	stream.indirect.scatter [tilespmem:s16], [sflag:$0x2], $0x40, s7, s10, $0xb8;
	[tilespmem:$0x1A900] =	vst v63  }
0xca: {  	p0 =	por !p6, !p5  }
0xcb: {  	s6 =	sadd.s32 $0x300, s28;
	s2 =	simm.s32 $0x1;
	p0 =	por !p0, !p0  }
0xcc: {  	s0 =	sshrl.u32 s1, $0x4;
	s7 =	sadd.s32 $0x6000, s26;
	s2 =	simm.s32 @!p0 $0x0  }
0xcd: {  	s5 =	sand.u32 $0x7FFF8000, s6;
	s6 =	sand.u32 $0x6000, s7;
	s0 =	ssub.s32 s0, s2  }
0xce: {  	s1 =	sshll.u32 s1, $0x8;
	s5 =	sor.u32 s6, s5;
	s0 =	smul.u32 $0xFFFFF001, s0  }
0xcf: {  	s6 =	sadd.s32 $0x7, s30;
	s1 =	sor.u32 s1, s5  }
0xd0: {  	s7 =	sshrl.u32 s6, $0x3;
	s0 =	sadd.s32 s0, s1  }
0xd1: {  	s5 =	sand.u32 $0x78, s6;
	s1 =	sand.u32 $0x1F, s7;
	v8 =	vadd.s32 s0, v0  }
0xd2: {  	p2 =	sne.s32 s5, $0x0;
	p1 =	seq.s32 s1, $0x0;
	v9 =	vadd.s32 s0, v7;
	[tilespmem:$0x1A700] =	vst v8  }
0xd3: {  	v8 =	vadd.s32 s0, v1;
	p0 =	por !p2, !p1;
	[tilespmem:$0x1A770] =	vst v9  }
0xd4: {  	s6 =	sadd.s32 $0x380, s28;
	s5 =	simm.s32 $0x1;
	[tilespmem:$0x1A710] =	vst v8;
	v8 =	vadd.s32 s0, v2;
	p0 =	por !p0, !p0  }
0xd5: {  	s7 =	sadd.s32 $0x7000, s26;
	s2 =	sshrl.u32 s1, $0x4;
	[tilespmem:$0x1A720] =	vst v8;
	v8 =	vadd.s32 s0, v3;
	s5 =	simm.s32 @!p0 $0x0  }
0xd6: {  	s6 =	sand.u32 $0x7FFF8000, s6;
	s7 =	sand.u32 $0x7000, s7;
	[tilespmem:$0x1A730] =	vst v8;
	v8 =	vadd.s32 s0, v4;
	s2 =	ssub.s32 s2, s5  }
0xd7: {  	s1 =	sshll.u32 s1, $0x8;
	s6 =	sor.u32 s7, s6;
	[tilespmem:$0x1A740] =	vst v8;
	v8 =	vadd.s32 s0, v5;
	s2 =	smul.u32 $0xFFFFF001, s2  }
0xd8: {  	s5 =	sadd.s32 s1, s6;
	[tilespmem:$0x1A750] =	vst v8;
	v8 =	vadd.s32 s0, v6  }
0xd9: {  	s7 =	rddreg [dreg:$0xa];
	[tilespmem:$0x1A760] =	vst v8;
	s0 =	sadd.s32 s2, s5  }
0xda: {  	[hbm4b:s4+s10] =	stream.indirect.scatter [tilespmem:s17], [sflag:$0x2], $0x40, s7, s10, $0xb8;
	v8 =	vadd.s32 s0, v0;
	[tilespmem:$0x1A900] =	vst v63  }
0xdb: {  	[tilespmem:$0x1A780] =	vst v8;
	v8 =	vadd.s32 s0, v1  }
0xdc: {  	[tilespmem:$0x1A790] =	vst v8;
	v8 =	vadd.s32 s0, v2  }
0xdd: {  	[tilespmem:$0x1A7A0] =	vst v8;
	v8 =	vadd.s32 s0, v3  }
0xde: {  	[tilespmem:$0x1A7B0] =	vst v8;
	v8 =	vadd.s32 s0, v4  }
0xdf: {  	s7 =	sadd.s32 $0x8, s30;
	[tilespmem:$0x1A7C0] =	vst v8;
	v8 =	vadd.s32 s0, v5  }
0xe0: {  	s2 =	sshrl.u32 s7, $0x3;
	[tilespmem:$0x1A7D0] =	vst v8;
	v8 =	vadd.s32 s0, v6  }
0xe1: {  	s1 =	sand.u32 $0x1F, s2;
	[tilespmem:$0x1A7E0] =	vst v8;
	v8 =	vadd.s32 s0, v7;
	s0 =	sand.u32 $0x78, s7  }
0xe2: {  	s6 =	rddreg [dreg:$0xb];
	p3 =	seq.s32 s1, $0x0;
	[tilespmem:$0x1A7F0] =	vst v8;
	p4 =	sne.s32 s0, $0x0  }
0xe3: {  	[hbm4b:s4+s10] =	stream.indirect.scatter [tilespmem:s18], [sflag:$0x2], $0x40, s6, s10, $0xb8;
	[tilespmem:$0x1A900] =	vst v63  }
0xe4: {  	p0 =	por !p4, !p3  }
0xe5: {  	s0 =	simm.s32 $0x1;
	p0 =	por !p0, !p0  }
0xe6: {  	s5 =	sshrl.u32 s1, $0x4;
	s6 =	sadd.s32 $0x400, s28;
	s0 =	simm.s32 @!p0 $0x0  }
0xe7: {  	s1 =	sshll.u32 s1, $0x8;
	s7 =	sand.u32 $0x7FFF8000, s6;
	s0 =	ssub.s32 s5, s0  }
0xe8: {  	s1 =	sor.u32 s1, s7;
	s0 =	smul.u32 $0xFFFFF001, s0  }
0xe9: {  	s30 =	sadd.s32 $0x9, s30;
	s1 =	sor.u32 s31, s1  }
0xea: {  	s6 =	sshrl.u32 s30, $0x3;
	s0 =	sadd.s32 s0, s1  }
0xeb: {  	s2 =	sand.u32 $0x78, s30;
	s1 =	sand.u32 $0x1F, s6;
	v8 =	vadd.s32 s0, v0  }
0xec: {  	p6 =	sne.s32 s2, $0x0;
	p5 =	seq.s32 s1, $0x0;
	[tilespmem:$0x1A800] =	vst v8;
	v8 =	vadd.s32 s0, v1  }
0xed: {  	p0 =	por !p6, !p5;
	[tilespmem:$0x1A810] =	vst v8;
	v8 =	vadd.s32 s0, v2  }
0xee: {  	s2 =	simm.s32 $0x1;
	s30 =	sadd.s32 $0x9000, s26;
	p0 =	por !p0, !p0;
	[tilespmem:$0x1A820] =	vst v8;
	v8 =	vadd.s32 s0, v3  }
0xef: {  	s7 =	sadd.s32 $0x480, s28;
	s5 =	sshrl.u32 s1, $0x4;
	s2 =	simm.s32 @!p0 $0x0;
	[tilespmem:$0x1A830] =	vst v8;
	v8 =	vadd.s32 s0, v4  }
0xf0: {  	s6 =	sand.u32 $0x7000, s30;
	s2 =	ssub.s32 s5, s2;
	s5 =	sand.u32 $0x7FFF8000, s7;
	[tilespmem:$0x1A840] =	vst v8;
	v8 =	vadd.s32 s0, v5  }
0xf1: {  	s1 =	sshll.u32 s1, $0x8;
	s5 =	sor.u32 s6, s5;
	s2 =	smul.u32 $0xFFFFF001, s2;
	[tilespmem:$0x1A850] =	vst v8;
	v8 =	vadd.s32 s0, v6  }
0xf2: {  	s30 =	sadd.s32 s1, s5;
	[tilespmem:$0x1A860] =	vst v8;
	v8 =	vadd.s32 s0, v7  }
0xf3: {  	s31 =	rddreg [dreg:$0xc];
	s0 =	sadd.s32 s2, s30;
	[tilespmem:$0x1A870] =	vst v8  }
0xf4: {  	v8 =	vadd.s32 s0, v0;
	[hbm4b:s4+s10] =	stream.indirect.scatter [tilespmem:s19], [sflag:$0x2], $0x40, s31, s10, $0xb8;
	[tilespmem:$0x1A900] =	vst v63  }
0xf5: {  	[tilespmem:$0x1A880] =	vst v8;
	v8 =	vadd.s32 s0, v1  }
0xf6: {  	[tilespmem:$0x1A890] =	vst v8;
	v8 =	vadd.s32 s0, v2  }
0xf7: {  	s29 =	sadd.s32 $0xA, s29;
	[tilespmem:$0x1A8A0] =	vst v8;
	v8 =	vadd.s32 s0, v3  }
0xf8: {  	p0 =	sne.s32 s29, $0xC8;
	[tilespmem:$0x1A8B0] =	vst v8;
	v8 =	vadd.s32 s0, v4  }
.Ltmp0:
0xf9: {  	[tilespmem:$0x1A8C0] =	vst v8;
	v8 =	vadd.s32 s0, v5;
	(pc) =	sbr.rel @p0 .LBB2_2-.Ltmp0, $4  }
0xfa: {  	[tilespmem:$0x1A8D0] =	vst v8;
	v8 =	vadd.s32 s0, v6  }
0xfb: {  	s24 =	sadd.s32 $0x500, s24;
	s25 =	sadd.s32 $0x2000, s25;
	[tilespmem:$0x1A8E0] =	vst v8;
	v8 =	vadd.s32 s0, v7  }
0xfc: {  	s26 =	sadd.s32 $0xA000, s26;
	s28 =	sadd.s32 $0x500, s28;
	s31 =	rddreg [dreg:$0xd];
	[tilespmem:$0x1A8F0] =	vst v8  }
0xfd: {  	[hbm4b:s4+s10] =	stream.indirect.scatter [tilespmem:s20], [sflag:$0x2], $0x40, s31, s10, $0xb8;
	[tilespmem:$0x1A900] =	vst v63  }
0xfe: {  	_ =	swait.ge [sflag:s22], $0x2000  }
0xff: {  	[sflag:s22] =	ssyncset.done $0x0  }
0x100: {  	[sflag:s22] =	ssyncadd.s32 $0xFFFFE000  }
0x101: {  	_ =	swait.ge [sflag:s22], $0x2000  }
0x102: {  	[sflag:s22] =	ssyncset.done $0x0  }
0x103: {  	[sflag:s22] =	ssyncadd.s32 $0xFFFFE000  }
0x104: {  	_ =	swait.ge [sflag:s22], $0x2000  }
0x105: {  	[sflag:s22] =	ssyncset.done $0x0  }
0x106: {  	[sflag:s22] =	ssyncadd.s32 $0xFFFFE000  }
0x107: {  	_ =	swait.ge [sflag:s22], $0x2000  }
0x108: {  	[sflag:s22] =	ssyncset.done $0x0  }
0x109: {  	[sflag:s22] =	ssyncadd.s32 $0xFFFFE000  }
0x10a: {  	_ =	swait.ge [sflag:s22], $0x2000  }
0x10b: {  	[sflag:s22] =	ssyncset.done $0x0  }
0x10c: {  	[sflag:s22] =	ssyncadd.s32 $0xFFFFE000  }
0x10d: {  	_ =	swait.ge [sflag:s22], $0x2000  }
0x10e: {  	[sflag:s22] =	ssyncset.done $0x0  }
0x10f: {  	[sflag:s22] =	ssyncadd.s32 $0xFFFFE000  }
0x110: {  	_ =	swait.ge [sflag:s22], $0x2000  }
0x111: {  	[sflag:s22] =	ssyncset.done $0x0  }
0x112: {  	[sflag:s22] =	ssyncadd.s32 $0xFFFFE000  }
0x113: {  	_ =	swait.ge [sflag:s22], $0x2000  }
0x114: {  	[sflag:s22] =	ssyncset.done $0x0  }
0x115: {  	[sflag:s22] =	ssyncadd.s32 $0xFFFFE000  }
0x116: {  	_ =	swait.ge [sflag:s22], $0x2000  }
0x117: {  	[sflag:s22] =	ssyncset.done $0x0  }
0x118: {  	[sflag:s22] =	ssyncadd.s32 $0xFFFFE000  }
0x119: {  	_ =	swait.ge [sflag:s22], $0x2000  }
0x11a: {  	s23 =	sadd.s32 $0x1, s23;
	s0 =	rddreg [dreg:$0xf]  }
0x11b: {  	p0 =	sne.s32 s23, s0  }
.Ltmp1:
0x11c: {  	_ = 	snop;
	(pc) =	sbr.rel @p0 .LBB2_1-.Ltmp1, $3  }
0x11d: {  	_ =	sdelay $0x1  }
0x11e: {  	[sflag:s22] =	ssyncset.done $0x0  }
0x11f: {  	[sflag:s22] =	ssyncadd.s32 $0xFFFFE000  }
0x120: {  	_ =	sfence.sel $0x180000  }
0x121: {  	[bflag:$0x0] =	sbarrier.arrive $0xFFFF  }
0x122: {  	_ =	strace $0x90000047  }
0x123: {  	s0 =	stileid.u32;
	[bflag:$0x2] =	sbarrier.arrive $0xFFFF  }
0x124: {  	p0 =	sne.s32 s0, $0x0;
	s0 =	rddreg [dreg:$0x2]  }
0x125: {  	s0 =	sadd.s32 @!p0 $0x100000, s0  }
0x126: {  	[sflag:s0] =	ssyncadd.tile.s32 @!p0 $0x1;
	_ =	shalt  }
.Lfunc_end2:
_tile_overlayer_lowered:
.L_overlay_start_2:
0x127: {  	(tag) =	ssettag $0x2  }
0x128: {  	s0 =	rddreg [dreg:$0x0];
	s2 =	stileid.u32  }
0x129: {  	s1 =	rddreg [dreg:$0x1];
	p0 =	sne.s32 s2, $0x0  }
0x12a: {  	s3 =	rddreg [dreg:$0x2];
	[bflag:$0x3] =	sbarrier.arrive $0xFFFF;
	s2 =	simm.s32 @!p0 $0x1C03  }
0x12b: {  	[timem:s3], [sflag:s2] =	dma.local @!p0 [hbm:s0], s1  }
0x12c: {  	s0 =	simm.s32 @!p0 $0x3  }
0x12d: {  	_ =	swait.ge @!p0 [sflag:s0], s1  }
0x12e: {  	s1 =	ssub.s32 @!p0 $0x0, s1;
	[sflag:s0] =	ssyncset.done @!p0 $0x0  }
0x12f: {  	[sflag:s0] =	ssyncadd.s32 @!p0 s1  }
0x130: {  	[bflag:$0x3] =	sbarrier.arrive $0xFFFF  }
0x131: {  	_ =	shalt  }

</sc_bundles>
